<compile_context>
chip_gen: v7x
topology: tpu7x:2x2x1
jax: 0.10.2.dev20260603
libtpu: 0.0.44.dev20260713+nightly
codegen_flags: <defaults>
</compile_context>

<pallas_src>
import functools

import jax
import jax.numpy as jnp
from jax import lax
from jax.experimental import pallas as pl
from jax.experimental.pallas import tpu as pltpu
from jax.experimental.pallas import tpu_sc as plsc

K = 2048


def _rownorm(x):
    p = x[:, 0:128] * x[:, 0:128]
    for c in range(1, 4):
        xc = x[:, 128 * c:128 * (c + 1)]
        p = p + xc * xc
    pt = jnp.transpose(p)
    w = pt[0:8]
    for m in range(1, 16):
        w = w + pt[8 * m:8 * (m + 1)]
    t1 = w[0:4] + w[4:8]
    t2 = t1[0:2] + t1[2:4]
    t3 = t2[0:1] + t2[1:2]
    return jnp.sqrt(t3)


def _norm_body(se_ref, te_ref, sn_ref, tn_ref):
    xs = se_ref[0]
    xt = te_ref[0]
    sn_ref[...] = _rownorm(xs)[None]
    tn_ref[...] = _rownorm(xt)[None]


def _norms(src_embedding, tgt_embedding):
    B, N, D = src_embedding.shape
    CH = 2048
    nch = N // CH
    grid = (B, nch)
    sn, tn = pl.pallas_call(
        _norm_body,
        grid=grid,
        in_specs=[
            pl.BlockSpec((1, CH, D), lambda b, c: (b, c, 0)),
            pl.BlockSpec((1, CH, D), lambda b, c: (b, c, 0)),
        ],
        out_specs=[
            pl.BlockSpec((1, 1, CH), lambda b, c: (b * nch + c, 0, 0)),
            pl.BlockSpec((1, 1, CH), lambda b, c: (b * nch + c, 0, 0)),
        ],
        out_shape=[
            jax.ShapeDtypeStruct((B * nch, 1, CH), jnp.float32),
            jax.ShapeDtypeStruct((B * nch, 1, CH), jnp.float32),
        ],
    )(src_embedding, tgt_embedding)
    return sn.reshape(B, N), tn.reshape(B, N)


def _make_gather(BN, BK, D):
    info = plsc.get_sparse_core_info()
    NC, NS = info.num_cores, info.num_subcores
    NW = NC * NS
    RPW = BK // NW
    ECH = 32
    SCH = 128
    mesh = plsc.VectorSubcoreMesh(core_axis_name="c", subcore_axis_name="s")

    @functools.partial(
        pl.kernel, mesh=mesh,
        out_type=[
            jax.ShapeDtypeStruct((BK, 128), jnp.float32),
            jax.ShapeDtypeStruct((BK, 128), jnp.float32),
            jax.ShapeDtypeStruct((BK, D), jnp.float32),
            jax.ShapeDtypeStruct((BK, D), jnp.float32),
        ],
        scratch_types=[
            pltpu.VMEM((RPW,), jnp.int32),
            pltpu.VMEM((RPW,), jnp.int32),
            pltpu.VMEM((SCH, 128), jnp.float32),
            pltpu.VMEM((ECH, D), jnp.float32),
            pltpu.VMEM((ECH, D), jnp.float32),
            pltpu.SemaphoreType.DMA,
            pltpu.SemaphoreType.DMA,
        ],
    )
    def g(pts, se, te, sidx, tidx,
          sp_out, tp_out, se_out, te_out,
          sidx_v, tidx_v, small_buf, ebuf0, ebuf1, sem0, sem1):
        wid = lax.axis_index("s") * NC + lax.axis_index("c")
        base = wid * RPW
        pltpu.sync_copy(sidx.at[pl.ds(base, RPW)], sidx_v)
        pltpu.sync_copy(tidx.at[pl.ds(base, RPW)], tidx_v)
        for side in range(2):
            out = sp_out if side == 0 else tp_out
            idx = sidx_v if side == 0 else tidx_v
            for c in range(RPW // SCH):
                pltpu.async_copy(
                    pts.at[idx.at[pl.ds(c * SCH, SCH)]], small_buf,
                    sem0).wait()
                pltpu.sync_copy(
                    small_buf, out.at[pl.ds(base + c * SCH, SCH)])
        nch = RPW // ECH
        for side in range(2):
            tab = se if side == 0 else te
            out = se_out if side == 0 else te_out
            idx = sidx_v if side == 0 else tidx_v
            for c in range(nch):
                buf = ebuf0 if c % 2 == 0 else ebuf1
                sem = sem0 if c % 2 == 0 else sem1
                pltpu.async_copy(
                    tab.at[idx.at[pl.ds(c * ECH, ECH)]], buf, sem).wait()
                pltpu.sync_copy(
                    buf, out.at[pl.ds(base + c * ECH, ECH)])

    return g


def kernel(src, tgt, n0, n1, src_embedding, tgt_embedding):
    B, N, D = src_embedding.shape
    src_norm, tgt_norm = _norms(src_embedding, tgt_embedding)
    _, src_idx = jax.lax.top_k(src_norm, K)
    _, tgt_idx = jax.lax.top_k(tgt_norm, K)
    off = (jnp.arange(B, dtype=jnp.int32) * N)[:, None]
    sidx = (src_idx + off).reshape(-1)
    tidx = (tgt_idx + off).reshape(-1)
    zpad = jnp.zeros((B, N, 116), jnp.float32)
    pts = jnp.concatenate([src, n0, tgt, n1, zpad], axis=-1).reshape(B * N, 128)
    g = _make_gather(B * N, B * K, D)
    sp, tp, se_k, te_k = g(pts,
                           src_embedding.reshape(B * N, D),
                           tgt_embedding.reshape(B * N, D),
                           sidx, tidx)
    sp = sp.reshape(B, K, 128)
    tp = tp.reshape(B, K, 128)
    return (sp[:, :, 0:3], tp[:, :, 6:9],
            sp[:, :, 3:6], tp[:, :, 9:12],
            se_k.reshape(B, K, D), te_k.reshape(B, K, D))

# --- scband reference (transcript-rebuilt; emitter-appended) ---
"""Pipeline reference for scband-key-point-net-33285996544411 (READ-ONLY COPY).

The authoritative reference and input builder live on the scoring server;
editing this copy changes nothing except your own understanding.
"""

import jax, jax.numpy as jnp
import numpy as np

NUM_KEYPOINTS = 2048

def setup_inputs(seed: int = 0) -> dict:
    key = jax.random.key(seed)
    ks = jax.random.split(key, 6)
    B, N, D = 8, 8192, 512
    return {
        "src": jax.random.normal(ks[0], (B, N, 3), dtype=jnp.float32),
        "tgt": jax.random.normal(ks[1], (B, N, 3), dtype=jnp.float32),
        "n0": jax.random.normal(ks[2], (B, N, 3), dtype=jnp.float32),
        "n1": jax.random.normal(ks[3], (B, N, 3), dtype=jnp.float32),
        "src_embedding": jax.random.normal(ks[4], (B, N, D), dtype=jnp.float32),
        "tgt_embedding": jax.random.normal(ks[5], (B, N, D), dtype=jnp.float32),
    }

def reference(src, tgt, n0, n1, src_embedding, tgt_embedding):
    k = NUM_KEYPOINTS
    se = jnp.transpose(src_embedding, (0, 2, 1))  # [B, D, N]
    te = jnp.transpose(tgt_embedding, (0, 2, 1))
    s = jnp.transpose(src, (0, 2, 1))             # [B, 3, N]
    t = jnp.transpose(tgt, (0, 2, 1))
    m0 = jnp.transpose(n0, (0, 2, 1))
    m1 = jnp.transpose(n1, (0, 2, 1))
    src_norm = jnp.linalg.norm(se, axis=1)        # [B, N]
    tgt_norm = jnp.linalg.norm(te, axis=1)
    _, src_idx = jax.lax.top_k(src_norm, k)       # [B, k]
    _, tgt_idx = jax.lax.top_k(tgt_norm, k)
    sidx = src_idx[:, None, :]                    # [B, 1, k] broadcast over channel dim
    tidx = tgt_idx[:, None, :]
    n0_k = jnp.take_along_axis(m0, sidx, axis=2)
    n1_k = jnp.take_along_axis(m1, tidx, axis=2)
    src_kp = jnp.take_along_axis(s, sidx, axis=2)
    tgt_kp = jnp.take_along_axis(t, tidx, axis=2)
    se_k = jnp.take_along_axis(se, sidx, axis=2)
    te_k = jnp.take_along_axis(te, tidx, axis=2)
    return (jnp.transpose(src_kp, (0, 2, 1)),
            jnp.transpose(tgt_kp, (0, 2, 1)),
            jnp.transpose(n0_k, (0, 2, 1)),
            jnp.transpose(n1_k, (0, 2, 1)),
            jnp.transpose(se_k, (0, 2, 1)),
            jnp.transpose(te_k, (0, 2, 1)))

if __name__ == "__main__":
    import jax
    _d = setup_inputs()
    print(jax.jit(kernel)(*tuple(_d.values())))

</pallas_src>

<mosaic_0001>
#map = affine_map<(d0, d1) -> (0, 0)>
#map1 = affine_map<(d0, d1) -> (0)>
module attributes {stable_mosaic.version = 14 : i64} {
  func.func @g(%arg0: i32, %arg1: i32, %arg2: memref<65536x128xf32, #tpu.memory_space<hbm>>, %arg3: memref<65536x512xf32, #tpu.memory_space<hbm>>, %arg4: memref<65536x512xf32, #tpu.memory_space<hbm>>, %arg5: memref<16384xi32, #tpu.memory_space<hbm>>, %arg6: memref<16384xi32, #tpu.memory_space<hbm>>, %arg7: memref<16384x128xf32, #tpu.memory_space<hbm>>, %arg8: memref<16384x128xf32, #tpu.memory_space<hbm>>, %arg9: memref<16384x512xf32, #tpu.memory_space<hbm>>, %arg10: memref<16384x512xf32, #tpu.memory_space<hbm>>, %arg11: memref<512xi32, #tpu.memory_space<vmem>>, %arg12: memref<512xi32, #tpu.memory_space<vmem>>, %arg13: memref<128x128xf32, #tpu.memory_space<vmem>>, %arg14: memref<32x512xf32, #tpu.memory_space<vmem>>, %arg15: memref<32x512xf32, #tpu.memory_space<vmem>>, %arg16: memref<!tpu.dma_semaphore, #tpu.memory_space<semaphore_mem>>, %arg17: memref<!tpu.dma_semaphore, #tpu.memory_space<semaphore_mem>>) attributes {dimension_semantics = [#tpu.dimension_semantics<core_parallel>, #tpu.dimension_semantics<subcore_parallel>], iteration_bounds = array<i64: 2, 16>, scalar_prefetch = 0 : i64, scratch_operands = 7 : i64, tpu.core_type = #tpu.core_type<sc_vector_subcore>, window_params = [{transform_indices = #map}, {transform_indices = #map}, {transform_indices = #map}, {transform_indices = #map1}, {transform_indices = #map1}, {transform_indices = #map}, {transform_indices = #map}, {transform_indices = #map}, {transform_indices = #map}]} {
    %mul3A = arith.constant 2 : i32
    %mul3A_0 = arith.muli %arg1, %mul3A : i32
    %add3A = arith.addi %mul3A_0, %arg0 : i32
    %mul3A_1 = arith.constant 512 : i32
    %mul3A_2 = arith.muli %add3A, %mul3A_1 : i32
    "tpu.region"() ({
      %run_scoped3A = tpu.sem_alloc : memref<!tpu.dma_semaphore, #tpu.memory_space<semaphore_mem>>
      %dma_start3A_481 = tpu.memref_slice %arg5[%mul3A_2] : memref<16384xi32, #tpu.memory_space<hbm>> -> memref<512xi32, #tpu.memory_space<hbm>>
      %dma_start3A_482 = tpu.memref_slice %arg5[%mul3A_2] : memref<16384xi32, #tpu.memory_space<hbm>> -> memref<512xi32, #tpu.memory_space<hbm>>
      tpu.enqueue_dma source(%dma_start3A_482 : memref<512xi32, #tpu.memory_space<hbm>>) target(%arg11 : memref<512xi32, #tpu.memory_space<vmem>>) target_semaphore(%run_scoped3A : memref<!tpu.dma_semaphore, #tpu.memory_space<semaphore_mem>>)
      %dma_wait3A_483 = tpu.memref_slice %arg5[%mul3A_2] : memref<16384xi32, #tpu.memory_space<hbm>> -> memref<512xi32, #tpu.memory_space<hbm>>
      %dma_wait3A_484 = tpu.memref_slice %arg5[%mul3A_2] : memref<16384xi32, #tpu.memory_space<hbm>> -> memref<512xi32, #tpu.memory_space<hbm>>
      tpu.wait_dma2 semaphore(%run_scoped3A : memref<!tpu.dma_semaphore, #tpu.memory_space<semaphore_mem>>) src(%dma_wait3A_484 : memref<512xi32, #tpu.memory_space<hbm>>) dst(%arg11 : memref<512xi32, #tpu.memory_space<vmem>>)
      tpu.yield
    }) : () -> ()
    "tpu.region"() ({
      %run_scoped3A = tpu.sem_alloc : memref<!tpu.dma_semaphore, #tpu.memory_space<semaphore_mem>>
      %dma_start3A_481 = tpu.memref_slice %arg6[%mul3A_2] : memref<16384xi32, #tpu.memory_space<hbm>> -> memref<512xi32, #tpu.memory_space<hbm>>
      %dma_start3A_482 = tpu.memref_slice %arg6[%mul3A_2] : memref<16384xi32, #tpu.memory_space<hbm>> -> memref<512xi32, #tpu.memory_space<hbm>>
      tpu.enqueue_dma source(%dma_start3A_482 : memref<512xi32, #tpu.memory_space<hbm>>) target(%arg12 : memref<512xi32, #tpu.memory_space<vmem>>) target_semaphore(%run_scoped3A : memref<!tpu.dma_semaphore, #tpu.memory_space<semaphore_mem>>)
      %dma_wait3A_483 = tpu.memref_slice %arg6[%mul3A_2] : memref<16384xi32, #tpu.memory_space<hbm>> -> memref<512xi32, #tpu.memory_space<hbm>>
      %dma_wait3A_484 = tpu.memref_slice %arg6[%mul3A_2] : memref<16384xi32, #tpu.memory_space<hbm>> -> memref<512xi32, #tpu.memory_space<hbm>>
      tpu.wait_dma2 semaphore(%run_scoped3A : memref<!tpu.dma_semaphore, #tpu.memory_space<semaphore_mem>>) src(%dma_wait3A_484 : memref<512xi32, #tpu.memory_space<hbm>>) dst(%arg12 : memref<512xi32, #tpu.memory_space<vmem>>)
      tpu.yield
    }) : () -> ()
    %dma_start3A = arith.constant 0 : i32
    %dma_start3A_3 = tpu.memref_slice %arg11[%dma_start3A] : memref<512xi32, #tpu.memory_space<vmem>> -> memref<128xi32, #tpu.memory_space<vmem>>
    %dma_start3A_4 = arith.constant 0 : i32
    %dma_start3A_5 = arith.constant 0 : i32
    %dma_start3A_6 = tpu.memref_slice %arg2[%dma_start3A_4, %dma_start3A_5] : memref<65536x128xf32, #tpu.memory_space<hbm>> -> memref<65536x128xf32, #tpu.memory_space<hbm>>
    tpu.enqueue_indirect_dma source(%dma_start3A_6 : memref<65536x128xf32, #tpu.memory_space<hbm>>) target(%arg13 : memref<128x128xf32, #tpu.memory_space<vmem>>) offsets(%dma_start3A_3 : memref<128xi32, #tpu.memory_space<vmem>>) semaphore(%arg16 : memref<!tpu.dma_semaphore, #tpu.memory_space<semaphore_mem>>)
    %dma_wait3A = arith.constant 0 : i32
    %dma_wait3A_7 = tpu.memref_slice %arg11[%dma_wait3A] : memref<512xi32, #tpu.memory_space<vmem>> -> memref<128xi32, #tpu.memory_space<vmem>>
    %dma_wait3A_8 = arith.constant 0 : i32
    %dma_wait3A_9 = arith.constant 0 : i32
    %dma_wait3A_10 = tpu.memref_slice %arg2[%dma_wait3A_8, %dma_wait3A_9] : memref<65536x128xf32, #tpu.memory_space<hbm>> -> memref<65536x128xf32, #tpu.memory_space<hbm>>
    tpu.wait_indirect_dma semaphore(%arg16 : memref<!tpu.dma_semaphore, #tpu.memory_space<semaphore_mem>>) src(%dma_wait3A_10 : memref<65536x128xf32, #tpu.memory_space<hbm>>) dst(%arg13 : memref<128x128xf32, #tpu.memory_space<vmem>>)
    %add3A_11 = arith.constant 0 : i32
    %add3A_12 = arith.addi %mul3A_2, %add3A_11 : i32
    "tpu.region"() ({
      %run_scoped3A = tpu.sem_alloc : memref<!tpu.dma_semaphore, #tpu.memory_space<semaphore_mem>>
      %dma_start3A_481 = arith.constant 0 : i32
      %dma_start3A_482 = tpu.memref_slice %arg7[%add3A_12, %dma_start3A_481] : memref<16384x128xf32, #tpu.memory_space<hbm>> -> memref<128x128xf32, #tpu.memory_space<hbm>>
      %dma_start3A_483 = arith.constant 0 : i32
      %dma_start3A_484 = tpu.memref_slice %arg7[%add3A_12, %dma_start3A_483] : memref<16384x128xf32, #tpu.memory_space<hbm>> -> memref<128x128xf32, #tpu.memory_space<hbm>>
      tpu.enqueue_dma source(%arg13 : memref<128x128xf32, #tpu.memory_space<vmem>>) target(%dma_start3A_484 : memref<128x128xf32, #tpu.memory_space<hbm>>) target_semaphore(%run_scoped3A : memref<!tpu.dma_semaphore, #tpu.memory_space<semaphore_mem>>)
      %dma_wait3A_485 = arith.constant 0 : i32
      %dma_wait3A_486 = tpu.memref_slice %arg7[%add3A_12, %dma_wait3A_485] : memref<16384x128xf32, #tpu.memory_space<hbm>> -> memref<128x128xf32, #tpu.memory_space<hbm>>
      %dma_wait3A_487 = arith.constant 0 : i32
      %dma_wait3A_488 = tpu.memref_slice %arg7[%add3A_12, %dma_wait3A_487] : memref<16384x128xf32, #tpu.memory_space<hbm>> -> memref<128x128xf32, #tpu.memory_space<hbm>>
      tpu.wait_dma2 semaphore(%run_scoped3A : memref<!tpu.dma_semaphore, #tpu.memory_space<semaphore_mem>>) src(%arg13 : memref<128x128xf32, #tpu.memory_space<vmem>>) dst(%dma_wait3A_488 : memref<128x128xf32, #tpu.memory_space<hbm>>)
      tpu.yield
    }) : () -> ()
    %dma_start3A_13 = arith.constant 128 : i32
    %dma_start3A_14 = tpu.memref_slice %arg11[%dma_start3A_13] : memref<512xi32, #tpu.memory_space<vmem>> -> memref<128xi32, #tpu.memory_space<vmem>>
    %dma_start3A_15 = arith.constant 0 : i32
    %dma_start3A_16 = arith.constant 0 : i32
    %dma_start3A_17 = tpu.memref_slice %arg2[%dma_start3A_15, %dma_start3A_16] : memref<65536x128xf32, #tpu.memory_space<hbm>> -> memref<65536x128xf32, #tpu.memory_space<hbm>>
    tpu.enqueue_indirect_dma source(%dma_start3A_17 : memref<65536x128xf32, #tpu.memory_space<hbm>>) target(%arg13 : memref<128x128xf32, #tpu.memory_space<vmem>>) offsets(%dma_start3A_14 : memref<128xi32, #tpu.memory_space<vmem>>) semaphore(%arg16 : memref<!tpu.dma_semaphore, #tpu.memory_space<semaphore_mem>>)
    %dma_wait3A_18 = arith.constant 128 : i32
    %dma_wait3A_19 = tpu.memref_slice %arg11[%dma_wait3A_18] : memref<512xi32, #tpu.memory_space<vmem>> -> memref<128xi32, #tpu.memory_space<vmem>>
    %dma_wait3A_20 = arith.constant 0 : i32
    %dma_wait3A_21 = arith.constant 0 : i32
    %dma_wait3A_22 = tpu.memref_slice %arg2[%dma_wait3A_20, %dma_wait3A_21] : memref<65536x128xf32, #tpu.memory_space<hbm>> -> memref<65536x128xf32, #tpu.memory_space<hbm>>
    tpu.wait_indirect_dma semaphore(%arg16 : memref<!tpu.dma_semaphore, #tpu.memory_space<semaphore_mem>>) src(%dma_wait3A_22 : memref<65536x128xf32, #tpu.memory_space<hbm>>) dst(%arg13 : memref<128x128xf32, #tpu.memory_space<vmem>>)
    %add3A_23 = arith.constant 128 : i32
    %add3A_24 = arith.addi %mul3A_2, %add3A_23 : i32
    "tpu.region"() ({
      %run_scoped3A = tpu.sem_alloc : memref<!tpu.dma_semaphore, #tpu.memory_space<semaphore_mem>>
      %dma_start3A_481 = arith.constant 0 : i32
      %dma_start3A_482 = tpu.memref_slice %arg7[%add3A_24, %dma_start3A_481] : memref<16384x128xf32, #tpu.memory_space<hbm>> -> memref<128x128xf32, #tpu.memory_space<hbm>>
      %dma_start3A_483 = arith.constant 0 : i32
      %dma_start3A_484 = tpu.memref_slice %arg7[%add3A_24, %dma_start3A_483] : memref<16384x128xf32, #tpu.memory_space<hbm>> -> memref<128x128xf32, #tpu.memory_space<hbm>>
      tpu.enqueue_dma source(%arg13 : memref<128x128xf32, #tpu.memory_space<vmem>>) target(%dma_start3A_484 : memref<128x128xf32, #tpu.memory_space<hbm>>) target_semaphore(%run_scoped3A : memref<!tpu.dma_semaphore, #tpu.memory_space<semaphore_mem>>)
      %dma_wait3A_485 = arith.constant 0 : i32
      %dma_wait3A_486 = tpu.memref_slice %arg7[%add3A_24, %dma_wait3A_485] : memref<16384x128xf32, #tpu.memory_space<hbm>> -> memref<128x128xf32, #tpu.memory_space<hbm>>
      %dma_wait3A_487 = arith.constant 0 : i32
      %dma_wait3A_488 = tpu.memref_slice %arg7[%add3A_24, %dma_wait3A_487] : memref<16384x128xf32, #tpu.memory_space<hbm>> -> memref<128x128xf32, #tpu.memory_space<hbm>>
      tpu.wait_dma2 semaphore(%run_scoped3A : memref<!tpu.dma_semaphore, #tpu.memory_space<semaphore_mem>>) src(%arg13 : memref<128x128xf32, #tpu.memory_space<vmem>>) dst(%dma_wait3A_488 : memref<128x128xf32, #tpu.memory_space<hbm>>)
      tpu.yield
    }) : () -> ()
    %dma_start3A_25 = arith.constant 256 : i32
    %dma_start3A_26 = tpu.memref_slice %arg11[%dma_start3A_25] : memref<512xi32, #tpu.memory_space<vmem>> -> memref<128xi32, #tpu.memory_space<vmem>>
    %dma_start3A_27 = arith.constant 0 : i32
    %dma_start3A_28 = arith.constant 0 : i32
    %dma_start3A_29 = tpu.memref_slice %arg2[%dma_start3A_27, %dma_start3A_28] : memref<65536x128xf32, #tpu.memory_space<hbm>> -> memref<65536x128xf32, #tpu.memory_space<hbm>>
    tpu.enqueue_indirect_dma source(%dma_start3A_29 : memref<65536x128xf32, #tpu.memory_space<hbm>>) target(%arg13 : memref<128x128xf32, #tpu.memory_space<vmem>>) offsets(%dma_start3A_26 : memref<128xi32, #tpu.memory_space<vmem>>) semaphore(%arg16 : memref<!tpu.dma_semaphore, #tpu.memory_space<semaphore_mem>>)
    %dma_wait3A_30 = arith.constant 256 : i32
    %dma_wait3A_31 = tpu.memref_slice %arg11[%dma_wait3A_30] : memref<512xi32, #tpu.memory_space<vmem>> -> memref<128xi32, #tpu.memory_space<vmem>>
    %dma_wait3A_32 = arith.constant 0 : i32
    %dma_wait3A_33 = arith.constant 0 : i32
    %dma_wait3A_34 = tpu.memref_slice %arg2[%dma_wait3A_32, %dma_wait3A_33] : memref<65536x128xf32, #tpu.memory_space<hbm>> -> memref<65536x128xf32, #tpu.memory_space<hbm>>
    tpu.wait_indirect_dma semaphore(%arg16 : memref<!tpu.dma_semaphore, #tpu.memory_space<semaphore_mem>>) src(%dma_wait3A_34 : memref<65536x128xf32, #tpu.memory_space<hbm>>) dst(%arg13 : memref<128x128xf32, #tpu.memory_space<vmem>>)
    %add3A_35 = arith.constant 256 : i32
    %add3A_36 = arith.addi %mul3A_2, %add3A_35 : i32
    "tpu.region"() ({
      %run_scoped3A = tpu.sem_alloc : memref<!tpu.dma_semaphore, #tpu.memory_space<semaphore_mem>>
      %dma_start3A_481 = arith.constant 0 : i32
      %dma_start3A_482 = tpu.memref_slice %arg7[%add3A_36, %dma_start3A_481] : memref<16384x128xf32, #tpu.memory_space<hbm>> -> memref<128x128xf32, #tpu.memory_space<hbm>>
      %dma_start3A_483 = arith.constant 0 : i32
      %dma_start3A_484 = tpu.memref_slice %arg7[%add3A_36, %dma_start3A_483] : memref<16384x128xf32, #tpu.memory_space<hbm>> -> memref<128x128xf32, #tpu.memory_space<hbm>>
      tpu.enqueue_dma source(%arg13 : memref<128x128xf32, #tpu.memory_space<vmem>>) target(%dma_start3A_484 : memref<128x128xf32, #tpu.memory_space<hbm>>) target_semaphore(%run_scoped3A : memref<!tpu.dma_semaphore, #tpu.memory_space<semaphore_mem>>)
      %dma_wait3A_485 = arith.constant 0 : i32
      %dma_wait3A_486 = tpu.memref_slice %arg7[%add3A_36, %dma_wait3A_485] : memref<16384x128xf32, #tpu.memory_space<hbm>> -> memref<128x128xf32, #tpu.memory_space<hbm>>
      %dma_wait3A_487 = arith.constant 0 : i32
      %dma_wait3A_488 = tpu.memref_slice %arg7[%add3A_36, %dma_wait3A_487] : memref<16384x128xf32, #tpu.memory_space<hbm>> -> memref<128x128xf32, #tpu.memory_space<hbm>>
      tpu.wait_dma2 semaphore(%run_scoped3A : memref<!tpu.dma_semaphore, #tpu.memory_space<semaphore_mem>>) src(%arg13 : memref<128x128xf32, #tpu.memory_space<vmem>>) dst(%dma_wait3A_488 : memref<128x128xf32, #tpu.memory_space<hbm>>)
      tpu.yield
    }) : () -> ()
    %dma_start3A_37 = arith.constant 384 : i32
    %dma_start3A_38 = tpu.memref_slice %arg11[%dma_start3A_37] : memref<512xi32, #tpu.memory_space<vmem>> -> memref<128xi32, #tpu.memory_space<vmem>>
    %dma_start3A_39 = arith.constant 0 : i32
    %dma_start3A_40 = arith.constant 0 : i32
    %dma_start3A_41 = tpu.memref_slice %arg2[%dma_start3A_39, %dma_start3A_40] : memref<65536x128xf32, #tpu.memory_space<hbm>> -> memref<65536x128xf32, #tpu.memory_space<hbm>>
    tpu.enqueue_indirect_dma source(%dma_start3A_41 : memref<65536x128xf32, #tpu.memory_space<hbm>>) target(%arg13 : memref<128x128xf32, #tpu.memory_space<vmem>>) offsets(%dma_start3A_38 : memref<128xi32, #tpu.memory_space<vmem>>) semaphore(%arg16 : memref<!tpu.dma_semaphore, #tpu.memory_space<semaphore_mem>>)
    %dma_wait3A_42 = arith.constant 384 : i32
    %dma_wait3A_43 = tpu.memref_slice %arg11[%dma_wait3A_42] : memref<512xi32, #tpu.memory_space<vmem>> -> memref<128xi32, #tpu.memory_space<vmem>>
    %dma_wait3A_44 = arith.constant 0 : i32
    %dma_wait3A_45 = arith.constant 0 : i32
    %dma_wait3A_46 = tpu.memref_slice %arg2[%dma_wait3A_44, %dma_wait3A_45] : memref<65536x128xf32, #tpu.memory_space<hbm>> -> memref<65536x128xf32, #tpu.memory_space<hbm>>
    tpu.wait_indirect_dma semaphore(%arg16 : memref<!tpu.dma_semaphore, #tpu.memory_space<semaphore_mem>>) src(%dma_wait3A_46 : memref<65536x128xf32, #tpu.memory_space<hbm>>) dst(%arg13 : memref<128x128xf32, #tpu.memory_space<vmem>>)
    %add3A_47 = arith.constant 384 : i32
    %add3A_48 = arith.addi %mul3A_2, %add3A_47 : i32
    "tpu.region"() ({
      %run_scoped3A = tpu.sem_alloc : memref<!tpu.dma_semaphore, #tpu.memory_space<semaphore_mem>>
      %dma_start3A_481 = arith.constant 0 : i32
      %dma_start3A_482 = tpu.memref_slice %arg7[%add3A_48, %dma_start3A_481] : memref<16384x128xf32, #tpu.memory_space<hbm>> -> memref<128x128xf32, #tpu.memory_space<hbm>>
      %dma_start3A_483 = arith.constant 0 : i32
      %dma_start3A_484 = tpu.memref_slice %arg7[%add3A_48, %dma_start3A_483] : memref<16384x128xf32, #tpu.memory_space<hbm>> -> memref<128x128xf32, #tpu.memory_space<hbm>>
      tpu.enqueue_dma source(%arg13 : memref<128x128xf32, #tpu.memory_space<vmem>>) target(%dma_start3A_484 : memref<128x128xf32, #tpu.memory_space<hbm>>) target_semaphore(%run_scoped3A : memref<!tpu.dma_semaphore, #tpu.memory_space<semaphore_mem>>)
      %dma_wait3A_485 = arith.constant 0 : i32
      %dma_wait3A_486 = tpu.memref_slice %arg7[%add3A_48, %dma_wait3A_485] : memref<16384x128xf32, #tpu.memory_space<hbm>> -> memref<128x128xf32, #tpu.memory_space<hbm>>
      %dma_wait3A_487 = arith.constant 0 : i32
      %dma_wait3A_488 = tpu.memref_slice %arg7[%add3A_48, %dma_wait3A_487] : memref<16384x128xf32, #tpu.memory_space<hbm>> -> memref<128x128xf32, #tpu.memory_space<hbm>>
      tpu.wait_dma2 semaphore(%run_scoped3A : memref<!tpu.dma_semaphore, #tpu.memory_space<semaphore_mem>>) src(%arg13 : memref<128x128xf32, #tpu.memory_space<vmem>>) dst(%dma_wait3A_488 : memref<128x128xf32, #tpu.memory_space<hbm>>)
      tpu.yield
    }) : () -> ()
    %dma_start3A_49 = arith.constant 0 : i32
    %dma_start3A_50 = tpu.memref_slice %arg12[%dma_start3A_49] : memref<512xi32, #tpu.memory_space<vmem>> -> memref<128xi32, #tpu.memory_space<vmem>>
    %dma_start3A_51 = arith.constant 0 : i32
    %dma_start3A_52 = arith.constant 0 : i32
    %dma_start3A_53 = tpu.memref_slice %arg2[%dma_start3A_51, %dma_start3A_52] : memref<65536x128xf32, #tpu.memory_space<hbm>> -> memref<65536x128xf32, #tpu.memory_space<hbm>>
    tpu.enqueue_indirect_dma source(%dma_start3A_53 : memref<65536x128xf32, #tpu.memory_space<hbm>>) target(%arg13 : memref<128x128xf32, #tpu.memory_space<vmem>>) offsets(%dma_start3A_50 : memref<128xi32, #tpu.memory_space<vmem>>) semaphore(%arg16 : memref<!tpu.dma_semaphore, #tpu.memory_space<semaphore_mem>>)
    %dma_wait3A_54 = arith.constant 0 : i32
    %dma_wait3A_55 = tpu.memref_slice %arg12[%dma_wait3A_54] : memref<512xi32, #tpu.memory_space<vmem>> -> memref<128xi32, #tpu.memory_space<vmem>>
    %dma_wait3A_56 = arith.constant 0 : i32
    %dma_wait3A_57 = arith.constant 0 : i32
    %dma_wait3A_58 = tpu.memref_slice %arg2[%dma_wait3A_56, %dma_wait3A_57] : memref<65536x128xf32, #tpu.memory_space<hbm>> -> memref<65536x128xf32, #tpu.memory_space<hbm>>
    tpu.wait_indirect_dma semaphore(%arg16 : memref<!tpu.dma_semaphore, #tpu.memory_space<semaphore_mem>>) src(%dma_wait3A_58 : memref<65536x128xf32, #tpu.memory_space<hbm>>) dst(%arg13 : memref<128x128xf32, #tpu.memory_space<vmem>>)
    %add3A_59 = arith.constant 0 : i32
    %add3A_60 = arith.addi %mul3A_2, %add3A_59 : i32
    "tpu.region"() ({
      %run_scoped3A = tpu.sem_alloc : memref<!tpu.dma_semaphore, #tpu.memory_space<semaphore_mem>>
      %dma_start3A_481 = arith.constant 0 : i32
      %dma_start3A_482 = tpu.memref_slice %arg8[%add3A_60, %dma_start3A_481] : memref<16384x128xf32, #tpu.memory_space<hbm>> -> memref<128x128xf32, #tpu.memory_space<hbm>>
      %dma_start3A_483 = arith.constant 0 : i32
      %dma_start3A_484 = tpu.memref_slice %arg8[%add3A_60, %dma_start3A_483] : memref<16384x128xf32, #tpu.memory_space<hbm>> -> memref<128x128xf32, #tpu.memory_space<hbm>>
      tpu.enqueue_dma source(%arg13 : memref<128x128xf32, #tpu.memory_space<vmem>>) target(%dma_start3A_484 : memref<128x128xf32, #tpu.memory_space<hbm>>) target_semaphore(%run_scoped3A : memref<!tpu.dma_semaphore, #tpu.memory_space<semaphore_mem>>)
      %dma_wait3A_485 = arith.constant 0 : i32
      %dma_wait3A_486 = tpu.memref_slice %arg8[%add3A_60, %dma_wait3A_485] : memref<16384x128xf32, #tpu.memory_space<hbm>> -> memref<128x128xf32, #tpu.memory_space<hbm>>
      %dma_wait3A_487 = arith.constant 0 : i32
      %dma_wait3A_488 = tpu.memref_slice %arg8[%add3A_60, %dma_wait3A_487] : memref<16384x128xf32, #tpu.memory_space<hbm>> -> memref<128x128xf32, #tpu.memory_space<hbm>>
      tpu.wait_dma2 semaphore(%run_scoped3A : memref<!tpu.dma_semaphore, #tpu.memory_space<semaphore_mem>>) src(%arg13 : memref<128x128xf32, #tpu.memory_space<vmem>>) dst(%dma_wait3A_488 : memref<128x128xf32, #tpu.memory_space<hbm>>)
      tpu.yield
    }) : () -> ()
    %dma_start3A_61 = arith.constant 128 : i32
    %dma_start3A_62 = tpu.memref_slice %arg12[%dma_start3A_61] : memref<512xi32, #tpu.memory_space<vmem>> -> memref<128xi32, #tpu.memory_space<vmem>>
    %dma_start3A_63 = arith.constant 0 : i32
    %dma_start3A_64 = arith.constant 0 : i32
    %dma_start3A_65 = tpu.memref_slice %arg2[%dma_start3A_63, %dma_start3A_64] : memref<65536x128xf32, #tpu.memory_space<hbm>> -> memref<65536x128xf32, #tpu.memory_space<hbm>>
    tpu.enqueue_indirect_dma source(%dma_start3A_65 : memref<65536x128xf32, #tpu.memory_space<hbm>>) target(%arg13 : memref<128x128xf32, #tpu.memory_space<vmem>>) offsets(%dma_start3A_62 : memref<128xi32, #tpu.memory_space<vmem>>) semaphore(%arg16 : memref<!tpu.dma_semaphore, #tpu.memory_space<semaphore_mem>>)
    %dma_wait3A_66 = arith.constant 128 : i32
    %dma_wait3A_67 = tpu.memref_slice %arg12[%dma_wait3A_66] : memref<512xi32, #tpu.memory_space<vmem>> -> memref<128xi32, #tpu.memory_space<vmem>>
    %dma_wait3A_68 = arith.constant 0 : i32
    %dma_wait3A_69 = arith.constant 0 : i32
    %dma_wait3A_70 = tpu.memref_slice %arg2[%dma_wait3A_68, %dma_wait3A_69] : memref<65536x128xf32, #tpu.memory_space<hbm>> -> memref<65536x128xf32, #tpu.memory_space<hbm>>
    tpu.wait_indirect_dma semaphore(%arg16 : memref<!tpu.dma_semaphore, #tpu.memory_space<semaphore_mem>>) src(%dma_wait3A_70 : memref<65536x128xf32, #tpu.memory_space<hbm>>) dst(%arg13 : memref<128x128xf32, #tpu.memory_space<vmem>>)
    %add3A_71 = arith.constant 128 : i32
    %add3A_72 = arith.addi %mul3A_2, %add3A_71 : i32
    "tpu.region"() ({
      %run_scoped3A = tpu.sem_alloc : memref<!tpu.dma_semaphore, #tpu.memory_space<semaphore_mem>>
      %dma_start3A_481 = arith.constant 0 : i32
      %dma_start3A_482 = tpu.memref_slice %arg8[%add3A_72, %dma_start3A_481] : memref<16384x128xf32, #tpu.memory_space<hbm>> -> memref<128x128xf32, #tpu.memory_space<hbm>>
      %dma_start3A_483 = arith.constant 0 : i32
      %dma_start3A_484 = tpu.memref_slice %arg8[%add3A_72, %dma_start3A_483] : memref<16384x128xf32, #tpu.memory_space<hbm>> -> memref<128x128xf32, #tpu.memory_space<hbm>>
      tpu.enqueue_dma source(%arg13 : memref<128x128xf32, #tpu.memory_space<vmem>>) target(%dma_start3A_484 : memref<128x128xf32, #tpu.memory_space<hbm>>) target_semaphore(%run_scoped3A : memref<!tpu.dma_semaphore, #tpu.memory_space<semaphore_mem>>)
      %dma_wait3A_485 = arith.constant 0 : i32
      %dma_wait3A_486 = tpu.memref_slice %arg8[%add3A_72, %dma_wait3A_485] : memref<16384x128xf32, #tpu.memory_space<hbm>> -> memref<128x128xf32, #tpu.memory_space<hbm>>
      %dma_wait3A_487 = arith.constant 0 : i32
      %dma_wait3A_488 = tpu.memref_slice %arg8[%add3A_72, %dma_wait3A_487] : memref<16384x128xf32, #tpu.memory_space<hbm>> -> memref<128x128xf32, #tpu.memory_space<hbm>>
      tpu.wait_dma2 semaphore(%run_scoped3A : memref<!tpu.dma_semaphore, #tpu.memory_space<semaphore_mem>>) src(%arg13 : memref<128x128xf32, #tpu.memory_space<vmem>>) dst(%dma_wait3A_488 : memref<128x128xf32, #tpu.memory_space<hbm>>)
      tpu.yield
    }) : () -> ()
    %dma_start3A_73 = arith.constant 256 : i32
    %dma_start3A_74 = tpu.memref_slice %arg12[%dma_start3A_73] : memref<512xi32, #tpu.memory_space<vmem>> -> memref<128xi32, #tpu.memory_space<vmem>>
    %dma_start3A_75 = arith.constant 0 : i32
    %dma_start3A_76 = arith.constant 0 : i32
    %dma_start3A_77 = tpu.memref_slice %arg2[%dma_start3A_75, %dma_start3A_76] : memref<65536x128xf32, #tpu.memory_space<hbm>> -> memref<65536x128xf32, #tpu.memory_space<hbm>>
    tpu.enqueue_indirect_dma source(%dma_start3A_77 : memref<65536x128xf32, #tpu.memory_space<hbm>>) target(%arg13 : memref<128x128xf32, #tpu.memory_space<vmem>>) offsets(%dma_start3A_74 : memref<128xi32, #tpu.memory_space<vmem>>) semaphore(%arg16 : memref<!tpu.dma_semaphore, #tpu.memory_space<semaphore_mem>>)
    %dma_wait3A_78 = arith.constant 256 : i32
    %dma_wait3A_79 = tpu.memref_slice %arg12[%dma_wait3A_78] : memref<512xi32, #tpu.memory_space<vmem>> -> memref<128xi32, #tpu.memory_space<vmem>>
    %dma_wait3A_80 = arith.constant 0 : i32
    %dma_wait3A_81 = arith.constant 0 : i32
    %dma_wait3A_82 = tpu.memref_slice %arg2[%dma_wait3A_80, %dma_wait3A_81] : memref<65536x128xf32, #tpu.memory_space<hbm>> -> memref<65536x128xf32, #tpu.memory_space<hbm>>
    tpu.wait_indirect_dma semaphore(%arg16 : memref<!tpu.dma_semaphore, #tpu.memory_space<semaphore_mem>>) src(%dma_wait3A_82 : memref<65536x128xf32, #tpu.memory_space<hbm>>) dst(%arg13 : memref<128x128xf32, #tpu.memory_space<vmem>>)
    %add3A_83 = arith.constant 256 : i32
    %add3A_84 = arith.addi %mul3A_2, %add3A_83 : i32
    "tpu.region"() ({
      %run_scoped3A = tpu.sem_alloc : memref<!tpu.dma_semaphore, #tpu.memory_space<semaphore_mem>>
      %dma_start3A_481 = arith.constant 0 : i32
      %dma_start3A_482 = tpu.memref_slice %arg8[%add3A_84, %dma_start3A_481] : memref<16384x128xf32, #tpu.memory_space<hbm>> -> memref<128x128xf32, #tpu.memory_space<hbm>>
      %dma_start3A_483 = arith.constant 0 : i32
      %dma_start3A_484 = tpu.memref_slice %arg8[%add3A_84, %dma_start3A_483] : memref<16384x128xf32, #tpu.memory_space<hbm>> -> memref<128x128xf32, #tpu.memory_space<hbm>>
      tpu.enqueue_dma source(%arg13 : memref<128x128xf32, #tpu.memory_space<vmem>>) target(%dma_start3A_484 : memref<128x128xf32, #tpu.memory_space<hbm>>) target_semaphore(%run_scoped3A : memref<!tpu.dma_semaphore, #tpu.memory_space<semaphore_mem>>)
      %dma_wait3A_485 = arith.constant 0 : i32
      %dma_wait3A_486 = tpu.memref_slice %arg8[%add3A_84, %dma_wait3A_485] : memref<16384x128xf32, #tpu.memory_space<hbm>> -> memref<128x128xf32, #tpu.memory_space<hbm>>
      %dma_wait3A_487 = arith.constant 0 : i32
      %dma_wait3A_488 = tpu.memref_slice %arg8[%add3A_84, %dma_wait3A_487] : memref<16384x128xf32, #tpu.memory_space<hbm>> -> memref<128x128xf32, #tpu.memory_space<hbm>>
      tpu.wait_dma2 semaphore(%run_scoped3A : memref<!tpu.dma_semaphore, #tpu.memory_space<semaphore_mem>>) src(%arg13 : memref<128x128xf32, #tpu.memory_space<vmem>>) dst(%dma_wait3A_488 : memref<128x128xf32, #tpu.memory_space<hbm>>)
      tpu.yield
    }) : () -> ()
    %dma_start3A_85 = arith.constant 384 : i32
    %dma_start3A_86 = tpu.memref_slice %arg12[%dma_start3A_85] : memref<512xi32, #tpu.memory_space<vmem>> -> memref<128xi32, #tpu.memory_space<vmem>>
    %dma_start3A_87 = arith.constant 0 : i32
    %dma_start3A_88 = arith.constant 0 : i32
    %dma_start3A_89 = tpu.memref_slice %arg2[%dma_start3A_87, %dma_start3A_88] : memref<65536x128xf32, #tpu.memory_space<hbm>> -> memref<65536x128xf32, #tpu.memory_space<hbm>>
    tpu.enqueue_indirect_dma source(%dma_start3A_89 : memref<65536x128xf32, #tpu.memory_space<hbm>>) target(%arg13 : memref<128x128xf32, #tpu.memory_space<vmem>>) offsets(%dma_start3A_86 : memref<128xi32, #tpu.memory_space<vmem>>) semaphore(%arg16 : memref<!tpu.dma_semaphore, #tpu.memory_space<semaphore_mem>>)
    %dma_wait3A_90 = arith.constant 384 : i32
    %dma_wait3A_91 = tpu.memref_slice %arg12[%dma_wait3A_90] : memref<512xi32, #tpu.memory_space<vmem>> -> memref<128xi32, #tpu.memory_space<vmem>>
    %dma_wait3A_92 = arith.constant 0 : i32
    %dma_wait3A_93 = arith.constant 0 : i32
    %dma_wait3A_94 = tpu.memref_slice %arg2[%dma_wait3A_92, %dma_wait3A_93] : memref<65536x128xf32, #tpu.memory_space<hbm>> -> memref<65536x128xf32, #tpu.memory_space<hbm>>
    tpu.wait_indirect_dma semaphore(%arg16 : memref<!tpu.dma_semaphore, #tpu.memory_space<semaphore_mem>>) src(%dma_wait3A_94 : memref<65536x128xf32, #tpu.memory_space<hbm>>) dst(%arg13 : memref<128x128xf32, #tpu.memory_space<vmem>>)
    %add3A_95 = arith.constant 384 : i32
    %add3A_96 = arith.addi %mul3A_2, %add3A_95 : i32
    "tpu.region"() ({
      %run_scoped3A = tpu.sem_alloc : memref<!tpu.dma_semaphore, #tpu.memory_space<semaphore_mem>>
      %dma_start3A_481 = arith.constant 0 : i32
      %dma_start3A_482 = tpu.memref_slice %arg8[%add3A_96, %dma_start3A_481] : memref<16384x128xf32, #tpu.memory_space<hbm>> -> memref<128x128xf32, #tpu.memory_space<hbm>>
      %dma_start3A_483 = arith.constant 0 : i32
      %dma_start3A_484 = tpu.memref_slice %arg8[%add3A_96, %dma_start3A_483] : memref<16384x128xf32, #tpu.memory_space<hbm>> -> memref<128x128xf32, #tpu.memory_space<hbm>>
      tpu.enqueue_dma source(%arg13 : memref<128x128xf32, #tpu.memory_space<vmem>>) target(%dma_start3A_484 : memref<128x128xf32, #tpu.memory_space<hbm>>) target_semaphore(%run_scoped3A : memref<!tpu.dma_semaphore, #tpu.memory_space<semaphore_mem>>)
      %dma_wait3A_485 = arith.constant 0 : i32
      %dma_wait3A_486 = tpu.memref_slice %arg8[%add3A_96, %dma_wait3A_485] : memref<16384x128xf32, #tpu.memory_space<hbm>> -> memref<128x128xf32, #tpu.memory_space<hbm>>
      %dma_wait3A_487 = arith.constant 0 : i32
      %dma_wait3A_488 = tpu.memref_slice %arg8[%add3A_96, %dma_wait3A_487] : memref<16384x128xf32, #tpu.memory_space<hbm>> -> memref<128x128xf32, #tpu.memory_space<hbm>>
      tpu.wait_dma2 semaphore(%run_scoped3A : memref<!tpu.dma_semaphore, #tpu.memory_space<semaphore_mem>>) src(%arg13 : memref<128x128xf32, #tpu.memory_space<vmem>>) dst(%dma_wait3A_488 : memref<128x128xf32, #tpu.memory_space<hbm>>)
      tpu.yield
    }) : () -> ()
    %dma_start3A_97 = arith.constant 0 : i32
    %dma_start3A_98 = tpu.memref_slice %arg11[%dma_start3A_97] : memref<512xi32, #tpu.memory_space<vmem>> -> memref<32xi32, #tpu.memory_space<vmem>>
    %dma_start3A_99 = arith.constant 0 : i32
    %dma_start3A_100 = arith.constant 0 : i32
    %dma_start3A_101 = tpu.memref_slice %arg3[%dma_start3A_99, %dma_start3A_100] : memref<65536x512xf32, #tpu.memory_space<hbm>> -> memref<65536x512xf32, #tpu.memory_space<hbm>>
    tpu.enqueue_indirect_dma source(%dma_start3A_101 : memref<65536x512xf32, #tpu.memory_space<hbm>>) target(%arg14 : memref<32x512xf32, #tpu.memory_space<vmem>>) offsets(%dma_start3A_98 : memref<32xi32, #tpu.memory_space<vmem>>) semaphore(%arg16 : memref<!tpu.dma_semaphore, #tpu.memory_space<semaphore_mem>>)
    %dma_wait3A_102 = arith.constant 0 : i32
    %dma_wait3A_103 = tpu.memref_slice %arg11[%dma_wait3A_102] : memref<512xi32, #tpu.memory_space<vmem>> -> memref<32xi32, #tpu.memory_space<vmem>>
    %dma_wait3A_104 = arith.constant 0 : i32
    %dma_wait3A_105 = arith.constant 0 : i32
    %dma_wait3A_106 = tpu.memref_slice %arg3[%dma_wait3A_104, %dma_wait3A_105] : memref<65536x512xf32, #tpu.memory_space<hbm>> -> memref<65536x512xf32, #tpu.memory_space<hbm>>
    tpu.wait_indirect_dma semaphore(%arg16 : memref<!tpu.dma_semaphore, #tpu.memory_space<semaphore_mem>>) src(%dma_wait3A_106 : memref<65536x512xf32, #tpu.memory_space<hbm>>) dst(%arg14 : memref<32x512xf32, #tpu.memory_space<vmem>>)
    %add3A_107 = arith.constant 0 : i32
    %add3A_108 = arith.addi %mul3A_2, %add3A_107 : i32
    "tpu.region"() ({
      %run_scoped3A = tpu.sem_alloc : memref<!tpu.dma_semaphore, #tpu.memory_space<semaphore_mem>>
      %dma_start3A_481 = arith.constant 0 : i32
      %dma_start3A_482 = tpu.memref_slice %arg9[%add3A_108, %dma_start3A_481] : memref<16384x512xf32, #tpu.memory_space<hbm>> -> memref<32x512xf32, #tpu.memory_space<hbm>>
      %dma_start3A_483 = arith.constant 0 : i32
      %dma_start3A_484 = tpu.memref_slice %arg9[%add3A_108, %dma_start3A_483] : memref<16384x512xf32, #tpu.memory_space<hbm>> -> memref<32x512xf32, #tpu.memory_space<hbm>>
      tpu.enqueue_dma source(%arg14 : memref<32x512xf32, #tpu.memory_space<vmem>>) target(%dma_start3A_484 : memref<32x512xf32, #tpu.memory_space<hbm>>) target_semaphore(%run_scoped3A : memref<!tpu.dma_semaphore, #tpu.memory_space<semaphore_mem>>)
      %dma_wait3A_485 = arith.constant 0 : i32
      %dma_wait3A_486 = tpu.memref_slice %arg9[%add3A_108, %dma_wait3A_485] : memref<16384x512xf32, #tpu.memory_space<hbm>> -> memref<32x512xf32, #tpu.memory_space<hbm>>
      %dma_wait3A_487 = arith.constant 0 : i32
      %dma_wait3A_488 = tpu.memref_slice %arg9[%add3A_108, %dma_wait3A_487] : memref<16384x512xf32, #tpu.memory_space<hbm>> -> memref<32x512xf32, #tpu.memory_space<hbm>>
      tpu.wait_dma2 semaphore(%run_scoped3A : memref<!tpu.dma_semaphore, #tpu.memory_space<semaphore_mem>>) src(%arg14 : memref<32x512xf32, #tpu.memory_space<vmem>>) dst(%dma_wait3A_488 : memref<32x512xf32, #tpu.memory_space<hbm>>)
      tpu.yield
    }) : () -> ()
    %dma_start3A_109 = arith.constant 32 : i32
    %dma_start3A_110 = tpu.memref_slice %arg11[%dma_start3A_109] : memref<512xi32, #tpu.memory_space<vmem>> -> memref<32xi32, #tpu.memory_space<vmem>>
    %dma_start3A_111 = arith.constant 0 : i32
    %dma_start3A_112 = arith.constant 0 : i32
    %dma_start3A_113 = tpu.memref_slice %arg3[%dma_start3A_111, %dma_start3A_112] : memref<65536x512xf32, #tpu.memory_space<hbm>> -> memref<65536x512xf32, #tpu.memory_space<hbm>>
    tpu.enqueue_indirect_dma source(%dma_start3A_113 : memref<65536x512xf32, #tpu.memory_space<hbm>>) target(%arg15 : memref<32x512xf32, #tpu.memory_space<vmem>>) offsets(%dma_start3A_110 : memref<32xi32, #tpu.memory_space<vmem>>) semaphore(%arg17 : memref<!tpu.dma_semaphore, #tpu.memory_space<semaphore_mem>>)
    %dma_wait3A_114 = arith.constant 32 : i32
    %dma_wait3A_115 = tpu.memref_slice %arg11[%dma_wait3A_114] : memref<512xi32, #tpu.memory_space<vmem>> -> memref<32xi32, #tpu.memory_space<vmem>>
    %dma_wait3A_116 = arith.constant 0 : i32
    %dma_wait3A_117 = arith.constant 0 : i32
    %dma_wait3A_118 = tpu.memref_slice %arg3[%dma_wait3A_116, %dma_wait3A_117] : memref<65536x512xf32, #tpu.memory_space<hbm>> -> memref<65536x512xf32, #tpu.memory_space<hbm>>
    tpu.wait_indirect_dma semaphore(%arg17 : memref<!tpu.dma_semaphore, #tpu.memory_space<semaphore_mem>>) src(%dma_wait3A_118 : memref<65536x512xf32, #tpu.memory_space<hbm>>) dst(%arg15 : memref<32x512xf32, #tpu.memory_space<vmem>>)
    %add3A_119 = arith.constant 32 : i32
    %add3A_120 = arith.addi %mul3A_2, %add3A_119 : i32
    "tpu.region"() ({
      %run_scoped3A = tpu.sem_alloc : memref<!tpu.dma_semaphore, #tpu.memory_space<semaphore_mem>>
      %dma_start3A_481 = arith.constant 0 : i32
      %dma_start3A_482 = tpu.memref_slice %arg9[%add3A_120, %dma_start3A_481] : memref<16384x512xf32, #tpu.memory_space<hbm>> -> memref<32x512xf32, #tpu.memory_space<hbm>>
      %dma_start3A_483 = arith.constant 0 : i32
      %dma_start3A_484 = tpu.memref_slice %arg9[%add3A_120, %dma_start3A_483] : memref<16384x512xf32, #tpu.memory_space<hbm>> -> memref<32x512xf32, #tpu.memory_space<hbm>>
      tpu.enqueue_dma source(%arg15 : memref<32x512xf32, #tpu.memory_space<vmem>>) target(%dma_start3A_484 : memref<32x512xf32, #tpu.memory_space<hbm>>) target_semaphore(%run_scoped3A : memref<!tpu.dma_semaphore, #tpu.memory_space<semaphore_mem>>)
      %dma_wait3A_485 = arith.constant 0 : i32
      %dma_wait3A_486 = tpu.memref_slice %arg9[%add3A_120, %dma_wait3A_485] : memref<16384x512xf32, #tpu.memory_space<hbm>> -> memref<32x512xf32, #tpu.memory_space<hbm>>
      %dma_wait3A_487 = arith.constant 0 : i32
      %dma_wait3A_488 = tpu.memref_slice %arg9[%add3A_120, %dma_wait3A_487] : memref<16384x512xf32, #tpu.memory_space<hbm>> -> memref<32x512xf32, #tpu.memory_space<hbm>>
      tpu.wait_dma2 semaphore(%run_scoped3A : memref<!tpu.dma_semaphore, #tpu.memory_space<semaphore_mem>>) src(%arg15 : memref<32x512xf32, #tpu.memory_space<vmem>>) dst(%dma_wait3A_488 : memref<32x512xf32, #tpu.memory_space<hbm>>)
      tpu.yield
    }) : () -> ()
    %dma_start3A_121 = arith.constant 64 : i32
    %dma_start3A_122 = tpu.memref_slice %arg11[%dma_start3A_121] : memref<512xi32, #tpu.memory_space<vmem>> -> memref<32xi32, #tpu.memory_space<vmem>>
    %dma_start3A_123 = arith.constant 0 : i32
    %dma_start3A_124 = arith.constant 0 : i32
    %dma_start3A_125 = tpu.memref_slice %arg3[%dma_start3A_123, %dma_start3A_124] : memref<65536x512xf32, #tpu.memory_space<hbm>> -> memref<65536x512xf32, #tpu.memory_space<hbm>>
    tpu.enqueue_indirect_dma source(%dma_start3A_125 : memref<65536x512xf32, #tpu.memory_space<hbm>>) target(%arg14 : memref<32x512xf32, #tpu.memory_space<vmem>>) offsets(%dma_start3A_122 : memref<32xi32, #tpu.memory_space<vmem>>) semaphore(%arg16 : memref<!tpu.dma_semaphore, #tpu.memory_space<semaphore_mem>>)
    %dma_wait3A_126 = arith.constant 64 : i32
    %dma_wait3A_127 = tpu.memref_slice %arg11[%dma_wait3A_126] : memref<512xi32, #tpu.memory_space<vmem>> -> memref<32xi32, #tpu.memory_space<vmem>>
    %dma_wait3A_128 = arith.constant 0 : i32
    %dma_wait3A_129 = arith.constant 0 : i32
    %dma_wait3A_130 = tpu.memref_slice %arg3[%dma_wait3A_128, %dma_wait3A_129] : memref<65536x512xf32, #tpu.memory_space<hbm>> -> memref<65536x512xf32, #tpu.memory_space<hbm>>
    tpu.wait_indirect_dma semaphore(%arg16 : memref<!tpu.dma_semaphore, #tpu.memory_space<semaphore_mem>>) src(%dma_wait3A_130 : memref<65536x512xf32, #tpu.memory_space<hbm>>) dst(%arg14 : memref<32x512xf32, #tpu.memory_space<vmem>>)
    %add3A_131 = arith.constant 64 : i32
    %add3A_132 = arith.addi %mul3A_2, %add3A_131 : i32
    "tpu.region"() ({
      %run_scoped3A = tpu.sem_alloc : memref<!tpu.dma_semaphore, #tpu.memory_space<semaphore_mem>>
      %dma_start3A_481 = arith.constant 0 : i32
      %dma_start3A_482 = tpu.memref_slice %arg9[%add3A_132, %dma_start3A_481] : memref<16384x512xf32, #tpu.memory_space<hbm>> -> memref<32x512xf32, #tpu.memory_space<hbm>>
      %dma_start3A_483 = arith.constant 0 : i32
      %dma_start3A_484 = tpu.memref_slice %arg9[%add3A_132, %dma_start3A_483] : memref<16384x512xf32, #tpu.memory_space<hbm>> -> memref<32x512xf32, #tpu.memory_space<hbm>>
      tpu.enqueue_dma source(%arg14 : memref<32x512xf32, #tpu.memory_space<vmem>>) target(%dma_start3A_484 : memref<32x512xf32, #tpu.memory_space<hbm>>) target_semaphore(%run_scoped3A : memref<!tpu.dma_semaphore, #tpu.memory_space<semaphore_mem>>)
      %dma_wait3A_485 = arith.constant 0 : i32
      %dma_wait3A_486 = tpu.memref_slice %arg9[%add3A_132, %dma_wait3A_485] : memref<16384x512xf32, #tpu.memory_space<hbm>> -> memref<32x512xf32, #tpu.memory_space<hbm>>
      %dma_wait3A_487 = arith.constant 0 : i32
      %dma_wait3A_488 = tpu.memref_slice %arg9[%add3A_132, %dma_wait3A_487] : memref<16384x512xf32, #tpu.memory_space<hbm>> -> memref<32x512xf32, #tpu.memory_space<hbm>>
      tpu.wait_dma2 semaphore(%run_scoped3A : memref<!tpu.dma_semaphore, #tpu.memory_space<semaphore_mem>>) src(%arg14 : memref<32x512xf32, #tpu.memory_space<vmem>>) dst(%dma_wait3A_488 : memref<32x512xf32, #tpu.memory_space<hbm>>)
      tpu.yield
    }) : () -> ()
    %dma_start3A_133 = arith.constant 96 : i32
    %dma_start3A_134 = tpu.memref_slice %arg11[%dma_start3A_133] : memref<512xi32, #tpu.memory_space<vmem>> -> memref<32xi32, #tpu.memory_space<vmem>>
    %dma_start3A_135 = arith.constant 0 : i32
    %dma_start3A_136 = arith.constant 0 : i32
    %dma_start3A_137 = tpu.memref_slice %arg3[%dma_start3A_135, %dma_start3A_136] : memref<65536x512xf32, #tpu.memory_space<hbm>> -> memref<65536x512xf32, #tpu.memory_space<hbm>>
    tpu.enqueue_indirect_dma source(%dma_start3A_137 : memref<65536x512xf32, #tpu.memory_space<hbm>>) target(%arg15 : memref<32x512xf32, #tpu.memory_space<vmem>>) offsets(%dma_start3A_134 : memref<32xi32, #tpu.memory_space<vmem>>) semaphore(%arg17 : memref<!tpu.dma_semaphore, #tpu.memory_space<semaphore_mem>>)
    %dma_wait3A_138 = arith.constant 96 : i32
    %dma_wait3A_139 = tpu.memref_slice %arg11[%dma_wait3A_138] : memref<512xi32, #tpu.memory_space<vmem>> -> memref<32xi32, #tpu.memory_space<vmem>>
    %dma_wait3A_140 = arith.constant 0 : i32
    %dma_wait3A_141 = arith.constant 0 : i32
    %dma_wait3A_142 = tpu.memref_slice %arg3[%dma_wait3A_140, %dma_wait3A_141] : memref<65536x512xf32, #tpu.memory_space<hbm>> -> memref<65536x512xf32, #tpu.memory_space<hbm>>
    tpu.wait_indirect_dma semaphore(%arg17 : memref<!tpu.dma_semaphore, #tpu.memory_space<semaphore_mem>>) src(%dma_wait3A_142 : memref<65536x512xf32, #tpu.memory_space<hbm>>) dst(%arg15 : memref<32x512xf32, #tpu.memory_space<vmem>>)
    %add3A_143 = arith.constant 96 : i32
    %add3A_144 = arith.addi %mul3A_2, %add3A_143 : i32
    "tpu.region"() ({
      %run_scoped3A = tpu.sem_alloc : memref<!tpu.dma_semaphore, #tpu.memory_space<semaphore_mem>>
      %dma_start3A_481 = arith.constant 0 : i32
      %dma_start3A_482 = tpu.memref_slice %arg9[%add3A_144, %dma_start3A_481] : memref<16384x512xf32, #tpu.memory_space<hbm>> -> memref<32x512xf32, #tpu.memory_space<hbm>>
      %dma_start3A_483 = arith.constant 0 : i32
      %dma_start3A_484 = tpu.memref_slice %arg9[%add3A_144, %dma_start3A_483] : memref<16384x512xf32, #tpu.memory_space<hbm>> -> memref<32x512xf32, #tpu.memory_space<hbm>>
      tpu.enqueue_dma source(%arg15 : memref<32x512xf32, #tpu.memory_space<vmem>>) target(%dma_start3A_484 : memref<32x512xf32, #tpu.memory_space<hbm>>) target_semaphore(%run_scoped3A : memref<!tpu.dma_semaphore, #tpu.memory_space<semaphore_mem>>)
      %dma_wait3A_485 = arith.constant 0 : i32
      %dma_wait3A_486 = tpu.memref_slice %arg9[%add3A_144, %dma_wait3A_485] : memref<16384x512xf32, #tpu.memory_space<hbm>> -> memref<32x512xf32, #tpu.memory_space<hbm>>
      %dma_wait3A_487 = arith.constant 0 : i32
      %dma_wait3A_488 = tpu.memref_slice %arg9[%add3A_144, %dma_wait3A_487] : memref<16384x512xf32, #tpu.memory_space<hbm>> -> memref<32x512xf32, #tpu.memory_space<hbm>>
      tpu.wait_dma2 semaphore(%run_scoped3A : memref<!tpu.dma_semaphore, #tpu.memory_space<semaphore_mem>>) src(%arg15 : memref<32x512xf32, #tpu.memory_space<vmem>>) dst(%dma_wait3A_488 : memref<32x512xf32, #tpu.memory_space<hbm>>)
      tpu.yield
    }) : () -> ()
    %dma_start3A_145 = arith.constant 128 : i32
    %dma_start3A_146 = tpu.memref_slice %arg11[%dma_start3A_145] : memref<512xi32, #tpu.memory_space<vmem>> -> memref<32xi32, #tpu.memory_space<vmem>>
    %dma_start3A_147 = arith.constant 0 : i32
    %dma_start3A_148 = arith.constant 0 : i32
    %dma_start3A_149 = tpu.memref_slice %arg3[%dma_start3A_147, %dma_start3A_148] : memref<65536x512xf32, #tpu.memory_space<hbm>> -> memref<65536x512xf32, #tpu.memory_space<hbm>>
    tpu.enqueue_indirect_dma source(%dma_start3A_149 : memref<65536x512xf32, #tpu.memory_space<hbm>>) target(%arg14 : memref<32x512xf32, #tpu.memory_space<vmem>>) offsets(%dma_start3A_146 : memref<32xi32, #tpu.memory_space<vmem>>) semaphore(%arg16 : memref<!tpu.dma_semaphore, #tpu.memory_space<semaphore_mem>>)
    %dma_wait3A_150 = arith.constant 128 : i32
    %dma_wait3A_151 = tpu.memref_slice %arg11[%dma_wait3A_150] : memref<512xi32, #tpu.memory_space<vmem>> -> memref<32xi32, #tpu.memory_space<vmem>>
    %dma_wait3A_152 = arith.constant 0 : i32
    %dma_wait3A_153 = arith.constant 0 : i32
    %dma_wait3A_154 = tpu.memref_slice %arg3[%dma_wait3A_152, %dma_wait3A_153] : memref<65536x512xf32, #tpu.memory_space<hbm>> -> memref<65536x512xf32, #tpu.memory_space<hbm>>
    tpu.wait_indirect_dma semaphore(%arg16 : memref<!tpu.dma_semaphore, #tpu.memory_space<semaphore_mem>>) src(%dma_wait3A_154 : memref<65536x512xf32, #tpu.memory_space<hbm>>) dst(%arg14 : memref<32x512xf32, #tpu.memory_space<vmem>>)
    %add3A_155 = arith.constant 128 : i32
    %add3A_156 = arith.addi %mul3A_2, %add3A_155 : i32
    "tpu.region"() ({
      %run_scoped3A = tpu.sem_alloc : memref<!tpu.dma_semaphore, #tpu.memory_space<semaphore_mem>>
      %dma_start3A_481 = arith.constant 0 : i32
      %dma_start3A_482 = tpu.memref_slice %arg9[%add3A_156, %dma_start3A_481] : memref<16384x512xf32, #tpu.memory_space<hbm>> -> memref<32x512xf32, #tpu.memory_space<hbm>>
      %dma_start3A_483 = arith.constant 0 : i32
      %dma_start3A_484 = tpu.memref_slice %arg9[%add3A_156, %dma_start3A_483] : memref<16384x512xf32, #tpu.memory_space<hbm>> -> memref<32x512xf32, #tpu.memory_space<hbm>>
      tpu.enqueue_dma source(%arg14 : memref<32x512xf32, #tpu.memory_space<vmem>>) target(%dma_start3A_484 : memref<32x512xf32, #tpu.memory_space<hbm>>) target_semaphore(%run_scoped3A : memref<!tpu.dma_semaphore, #tpu.memory_space<semaphore_mem>>)
      %dma_wait3A_485 = arith.constant 0 : i32
      %dma_wait3A_486 = tpu.memref_slice %arg9[%add3A_156, %dma_wait3A_485] : memref<16384x512xf32, #tpu.memory_space<hbm>> -> memref<32x512xf32, #tpu.memory_space<hbm>>
      %dma_wait3A_487 = arith.constant 0 : i32
      %dma_wait3A_488 = tpu.memref_slice %arg9[%add3A_156, %dma_wait3A_487] : memref<16384x512xf32, #tpu.memory_space<hbm>> -> memref<32x512xf32, #tpu.memory_space<hbm>>
      tpu.wait_dma2 semaphore(%run_scoped3A : memref<!tpu.dma_semaphore, #tpu.memory_space<semaphore_mem>>) src(%arg14 : memref<32x512xf32, #tpu.memory_space<vmem>>) dst(%dma_wait3A_488 : memref<32x512xf32, #tpu.memory_space<hbm>>)
      tpu.yield
    }) : () -> ()
    %dma_start3A_157 = arith.constant 160 : i32
    %dma_start3A_158 = tpu.memref_slice %arg11[%dma_start3A_157] : memref<512xi32, #tpu.memory_space<vmem>> -> memref<32xi32, #tpu.memory_space<vmem>>
    %dma_start3A_159 = arith.constant 0 : i32
    %dma_start3A_160 = arith.constant 0 : i32
    %dma_start3A_161 = tpu.memref_slice %arg3[%dma_start3A_159, %dma_start3A_160] : memref<65536x512xf32, #tpu.memory_space<hbm>> -> memref<65536x512xf32, #tpu.memory_space<hbm>>
    tpu.enqueue_indirect_dma source(%dma_start3A_161 : memref<65536x512xf32, #tpu.memory_space<hbm>>) target(%arg15 : memref<32x512xf32, #tpu.memory_space<vmem>>) offsets(%dma_start3A_158 : memref<32xi32, #tpu.memory_space<vmem>>) semaphore(%arg17 : memref<!tpu.dma_semaphore, #tpu.memory_space<semaphore_mem>>)
    %dma_wait3A_162 = arith.constant 160 : i32
    %dma_wait3A_163 = tpu.memref_slice %arg11[%dma_wait3A_162] : memref<512xi32, #tpu.memory_space<vmem>> -> memref<32xi32, #tpu.memory_space<vmem>>
    %dma_wait3A_164 = arith.constant 0 : i32
    %dma_wait3A_165 = arith.constant 0 : i32
    %dma_wait3A_166 = tpu.memref_slice %arg3[%dma_wait3A_164, %dma_wait3A_165] : memref<65536x512xf32, #tpu.memory_space<hbm>> -> memref<65536x512xf32, #tpu.memory_space<hbm>>
    tpu.wait_indirect_dma semaphore(%arg17 : memref<!tpu.dma_semaphore, #tpu.memory_space<semaphore_mem>>) src(%dma_wait3A_166 : memref<65536x512xf32, #tpu.memory_space<hbm>>) dst(%arg15 : memref<32x512xf32, #tpu.memory_space<vmem>>)
    %add3A_167 = arith.constant 160 : i32
    %add3A_168 = arith.addi %mul3A_2, %add3A_167 : i32
    "tpu.region"() ({
      %run_scoped3A = tpu.sem_alloc : memref<!tpu.dma_semaphore, #tpu.memory_space<semaphore_mem>>
      %dma_start3A_481 = arith.constant 0 : i32
      %dma_start3A_482 = tpu.memref_slice %arg9[%add3A_168, %dma_start3A_481] : memref<16384x512xf32, #tpu.memory_space<hbm>> -> memref<32x512xf32, #tpu.memory_space<hbm>>
      %dma_start3A_483 = arith.constant 0 : i32
      %dma_start3A_484 = tpu.memref_slice %arg9[%add3A_168, %dma_start3A_483] : memref<16384x512xf32, #tpu.memory_space<hbm>> -> memref<32x512xf32, #tpu.memory_space<hbm>>
      tpu.enqueue_dma source(%arg15 : memref<32x512xf32, #tpu.memory_space<vmem>>) target(%dma_start3A_484 : memref<32x512xf32, #tpu.memory_space<hbm>>) target_semaphore(%run_scoped3A : memref<!tpu.dma_semaphore, #tpu.memory_space<semaphore_mem>>)
      %dma_wait3A_485 = arith.constant 0 : i32
      %dma_wait3A_486 = tpu.memref_slice %arg9[%add3A_168, %dma_wait3A_485] : memref<16384x512xf32, #tpu.memory_space<hbm>> -> memref<32x512xf32, #tpu.memory_space<hbm>>
      %dma_wait3A_487 = arith.constant 0 : i32
      %dma_wait3A_488 = tpu.memref_slice %arg9[%add3A_168, %dma_wait3A_487] : memref<16384x512xf32, #tpu.memory_space<hbm>> -> memref<32x512xf32, #tpu.memory_space<hbm>>
      tpu.wait_dma2 semaphore(%run_scoped3A : memref<!tpu.dma_semaphore, #tpu.memory_space<semaphore_mem>>) src(%arg15 : memref<32x512xf32, #tpu.memory_space<vmem>>) dst(%dma_wait3A_488 : memref<32x512xf32, #tpu.memory_space<hbm>>)
      tpu.yield
    }) : () -> ()
    %dma_start3A_169 = arith.constant 192 : i32
    %dma_start3A_170 = tpu.memref_slice %arg11[%dma_start3A_169] : memref<512xi32, #tpu.memory_space<vmem>> -> memref<32xi32, #tpu.memory_space<vmem>>
    %dma_start3A_171 = arith.constant 0 : i32
    %dma_start3A_172 = arith.constant 0 : i32
    %dma_start3A_173 = tpu.memref_slice %arg3[%dma_start3A_171, %dma_start3A_172] : memref<65536x512xf32, #tpu.memory_space<hbm>> -> memref<65536x512xf32, #tpu.memory_space<hbm>>
    tpu.enqueue_indirect_dma source(%dma_start3A_173 : memref<65536x512xf32, #tpu.memory_space<hbm>>) target(%arg14 : memref<32x512xf32, #tpu.memory_space<vmem>>) offsets(%dma_start3A_170 : memref<32xi32, #tpu.memory_space<vmem>>) semaphore(%arg16 : memref<!tpu.dma_semaphore, #tpu.memory_space<semaphore_mem>>)
    %dma_wait3A_174 = arith.constant 192 : i32
    %dma_wait3A_175 = tpu.memref_slice %arg11[%dma_wait3A_174] : memref<512xi32, #tpu.memory_space<vmem>> -> memref<32xi32, #tpu.memory_space<vmem>>
    %dma_wait3A_176 = arith.constant 0 : i32
    %dma_wait3A_177 = arith.constant 0 : i32
    %dma_wait3A_178 = tpu.memref_slice %arg3[%dma_wait3A_176, %dma_wait3A_177] : memref<65536x512xf32, #tpu.memory_space<hbm>> -> memref<65536x512xf32, #tpu.memory_space<hbm>>
    tpu.wait_indirect_dma semaphore(%arg16 : memref<!tpu.dma_semaphore, #tpu.memory_space<semaphore_mem>>) src(%dma_wait3A_178 : memref<65536x512xf32, #tpu.memory_space<hbm>>) dst(%arg14 : memref<32x512xf32, #tpu.memory_space<vmem>>)
    %add3A_179 = arith.constant 192 : i32
    %add3A_180 = arith.addi %mul3A_2, %add3A_179 : i32
    "tpu.region"() ({
      %run_scoped3A = tpu.sem_alloc : memref<!tpu.dma_semaphore, #tpu.memory_space<semaphore_mem>>
      %dma_start3A_481 = arith.constant 0 : i32
      %dma_start3A_482 = tpu.memref_slice %arg9[%add3A_180, %dma_start3A_481] : memref<16384x512xf32, #tpu.memory_space<hbm>> -> memref<32x512xf32, #tpu.memory_space<hbm>>
      %dma_start3A_483 = arith.constant 0 : i32
      %dma_start3A_484 = tpu.memref_slice %arg9[%add3A_180, %dma_start3A_483] : memref<16384x512xf32, #tpu.memory_space<hbm>> -> memref<32x512xf32, #tpu.memory_space<hbm>>
      tpu.enqueue_dma source(%arg14 : memref<32x512xf32, #tpu.memory_space<vmem>>) target(%dma_start3A_484 : memref<32x512xf32, #tpu.memory_space<hbm>>) target_semaphore(%run_scoped3A : memref<!tpu.dma_semaphore, #tpu.memory_space<semaphore_mem>>)
      %dma_wait3A_485 = arith.constant 0 : i32
      %dma_wait3A_486 = tpu.memref_slice %arg9[%add3A_180, %dma_wait3A_485] : memref<16384x512xf32, #tpu.memory_space<hbm>> -> memref<32x512xf32, #tpu.memory_space<hbm>>
      %dma_wait3A_487 = arith.constant 0 : i32
      %dma_wait3A_488 = tpu.memref_slice %arg9[%add3A_180, %dma_wait3A_487] : memref<16384x512xf32, #tpu.memory_space<hbm>> -> memref<32x512xf32, #tpu.memory_space<hbm>>
      tpu.wait_dma2 semaphore(%run_scoped3A : memref<!tpu.dma_semaphore, #tpu.memory_space<semaphore_mem>>) src(%arg14 : memref<32x512xf32, #tpu.memory_space<vmem>>) dst(%dma_wait3A_488 : memref<32x512xf32, #tpu.memory_space<hbm>>)
      tpu.yield
    }) : () -> ()
    %dma_start3A_181 = arith.constant 224 : i32
    %dma_start3A_182 = tpu.memref_slice %arg11[%dma_start3A_181] : memref<512xi32, #tpu.memory_space<vmem>> -> memref<32xi32, #tpu.memory_space<vmem>>
    %dma_start3A_183 = arith.constant 0 : i32
    %dma_start3A_184 = arith.constant 0 : i32
    %dma_start3A_185 = tpu.memref_slice %arg3[%dma_start3A_183, %dma_start3A_184] : memref<65536x512xf32, #tpu.memory_space<hbm>> -> memref<65536x512xf32, #tpu.memory_space<hbm>>
    tpu.enqueue_indirect_dma source(%dma_start3A_185 : memref<65536x512xf32, #tpu.memory_space<hbm>>) target(%arg15 : memref<32x512xf32, #tpu.memory_space<vmem>>) offsets(%dma_start3A_182 : memref<32xi32, #tpu.memory_space<vmem>>) semaphore(%arg17 : memref<!tpu.dma_semaphore, #tpu.memory_space<semaphore_mem>>)
    %dma_wait3A_186 = arith.constant 224 : i32
    %dma_wait3A_187 = tpu.memref_slice %arg11[%dma_wait3A_186] : memref<512xi32, #tpu.memory_space<vmem>> -> memref<32xi32, #tpu.memory_space<vmem>>
    %dma_wait3A_188 = arith.constant 0 : i32
    %dma_wait3A_189 = arith.constant 0 : i32
    %dma_wait3A_190 = tpu.memref_slice %arg3[%dma_wait3A_188, %dma_wait3A_189] : memref<65536x512xf32, #tpu.memory_space<hbm>> -> memref<65536x512xf32, #tpu.memory_space<hbm>>
    tpu.wait_indirect_dma semaphore(%arg17 : memref<!tpu.dma_semaphore, #tpu.memory_space<semaphore_mem>>) src(%dma_wait3A_190 : memref<65536x512xf32, #tpu.memory_space<hbm>>) dst(%arg15 : memref<32x512xf32, #tpu.memory_space<vmem>>)
    %add3A_191 = arith.constant 224 : i32
    %add3A_192 = arith.addi %mul3A_2, %add3A_191 : i32
    "tpu.region"() ({
      %run_scoped3A = tpu.sem_alloc : memref<!tpu.dma_semaphore, #tpu.memory_space<semaphore_mem>>
      %dma_start3A_481 = arith.constant 0 : i32
      %dma_start3A_482 = tpu.memref_slice %arg9[%add3A_192, %dma_start3A_481] : memref<16384x512xf32, #tpu.memory_space<hbm>> -> memref<32x512xf32, #tpu.memory_space<hbm>>
      %dma_start3A_483 = arith.constant 0 : i32
      %dma_start3A_484 = tpu.memref_slice %arg9[%add3A_192, %dma_start3A_483] : memref<16384x512xf32, #tpu.memory_space<hbm>> -> memref<32x512xf32, #tpu.memory_space<hbm>>
      tpu.enqueue_dma source(%arg15 : memref<32x512xf32, #tpu.memory_space<vmem>>) target(%dma_start3A_484 : memref<32x512xf32, #tpu.memory_space<hbm>>) target_semaphore(%run_scoped3A : memref<!tpu.dma_semaphore, #tpu.memory_space<semaphore_mem>>)
      %dma_wait3A_485 = arith.constant 0 : i32
      %dma_wait3A_486 = tpu.memref_slice %arg9[%add3A_192, %dma_wait3A_485] : memref<16384x512xf32, #tpu.memory_space<hbm>> -> memref<32x512xf32, #tpu.memory_space<hbm>>
      %dma_wait3A_487 = arith.constant 0 : i32
      %dma_wait3A_488 = tpu.memref_slice %arg9[%add3A_192, %dma_wait3A_487] : memref<16384x512xf32, #tpu.memory_space<hbm>> -> memref<32x512xf32, #tpu.memory_space<hbm>>
      tpu.wait_dma2 semaphore(%run_scoped3A : memref<!tpu.dma_semaphore, #tpu.memory_space<semaphore_mem>>) src(%arg15 : memref<32x512xf32, #tpu.memory_space<vmem>>) dst(%dma_wait3A_488 : memref<32x512xf32, #tpu.memory_space<hbm>>)
      tpu.yield
    }) : () -> ()
    %dma_start3A_193 = arith.constant 256 : i32
    %dma_start3A_194 = tpu.memref_slice %arg11[%dma_start3A_193] : memref<512xi32, #tpu.memory_space<vmem>> -> memref<32xi32, #tpu.memory_space<vmem>>
    %dma_start3A_195 = arith.constant 0 : i32
    %dma_start3A_196 = arith.constant 0 : i32
    %dma_start3A_197 = tpu.memref_slice %arg3[%dma_start3A_195, %dma_start3A_196] : memref<65536x512xf32, #tpu.memory_space<hbm>> -> memref<65536x512xf32, #tpu.memory_space<hbm>>
    tpu.enqueue_indirect_dma source(%dma_start3A_197 : memref<65536x512xf32, #tpu.memory_space<hbm>>) target(%arg14 : memref<32x512xf32, #tpu.memory_space<vmem>>) offsets(%dma_start3A_194 : memref<32xi32, #tpu.memory_space<vmem>>) semaphore(%arg16 : memref<!tpu.dma_semaphore, #tpu.memory_space<semaphore_mem>>)
    %dma_wait3A_198 = arith.constant 256 : i32
    %dma_wait3A_199 = tpu.memref_slice %arg11[%dma_wait3A_198] : memref<512xi32, #tpu.memory_space<vmem>> -> memref<32xi32, #tpu.memory_space<vmem>>
    %dma_wait3A_200 = arith.constant 0 : i32
    %dma_wait3A_201 = arith.constant 0 : i32
    %dma_wait3A_202 = tpu.memref_slice %arg3[%dma_wait3A_200, %dma_wait3A_201] : memref<65536x512xf32, #tpu.memory_space<hbm>> -> memref<65536x512xf32, #tpu.memory_space<hbm>>
    tpu.wait_indirect_dma semaphore(%arg16 : memref<!tpu.dma_semaphore, #tpu.memory_space<semaphore_mem>>) src(%dma_wait3A_202 : memref<65536x512xf32, #tpu.memory_space<hbm>>) dst(%arg14 : memref<32x512xf32, #tpu.memory_space<vmem>>)
    %add3A_203 = arith.constant 256 : i32
    %add3A_204 = arith.addi %mul3A_2, %add3A_203 : i32
    "tpu.region"() ({
      %run_scoped3A = tpu.sem_alloc : memref<!tpu.dma_semaphore, #tpu.memory_space<semaphore_mem>>
      %dma_start3A_481 = arith.constant 0 : i32
      %dma_start3A_482 = tpu.memref_slice %arg9[%add3A_204, %dma_start3A_481] : memref<16384x512xf32, #tpu.memory_space<hbm>> -> memref<32x512xf32, #tpu.memory_space<hbm>>
      %dma_start3A_483 = arith.constant 0 : i32
      %dma_start3A_484 = tpu.memref_slice %arg9[%add3A_204, %dma_start3A_483] : memref<16384x512xf32, #tpu.memory_space<hbm>> -> memref<32x512xf32, #tpu.memory_space<hbm>>
      tpu.enqueue_dma source(%arg14 : memref<32x512xf32, #tpu.memory_space<vmem>>) target(%dma_start3A_484 : memref<32x512xf32, #tpu.memory_space<hbm>>) target_semaphore(%run_scoped3A : memref<!tpu.dma_semaphore, #tpu.memory_space<semaphore_mem>>)
      %dma_wait3A_485 = arith.constant 0 : i32
      %dma_wait3A_486 = tpu.memref_slice %arg9[%add3A_204, %dma_wait3A_485] : memref<16384x512xf32, #tpu.memory_space<hbm>> -> memref<32x512xf32, #tpu.memory_space<hbm>>
      %dma_wait3A_487 = arith.constant 0 : i32
      %dma_wait3A_488 = tpu.memref_slice %arg9[%add3A_204, %dma_wait3A_487] : memref<16384x512xf32, #tpu.memory_space<hbm>> -> memref<32x512xf32, #tpu.memory_space<hbm>>
      tpu.wait_dma2 semaphore(%run_scoped3A : memref<!tpu.dma_semaphore, #tpu.memory_space<semaphore_mem>>) src(%arg14 : memref<32x512xf32, #tpu.memory_space<vmem>>) dst(%dma_wait3A_488 : memref<32x512xf32, #tpu.memory_space<hbm>>)
      tpu.yield
    }) : () -> ()
    %dma_start3A_205 = arith.constant 288 : i32
    %dma_start3A_206 = tpu.memref_slice %arg11[%dma_start3A_205] : memref<512xi32, #tpu.memory_space<vmem>> -> memref<32xi32, #tpu.memory_space<vmem>>
    %dma_start3A_207 = arith.constant 0 : i32
    %dma_start3A_208 = arith.constant 0 : i32
    %dma_start3A_209 = tpu.memref_slice %arg3[%dma_start3A_207, %dma_start3A_208] : memref<65536x512xf32, #tpu.memory_space<hbm>> -> memref<65536x512xf32, #tpu.memory_space<hbm>>
    tpu.enqueue_indirect_dma source(%dma_start3A_209 : memref<65536x512xf32, #tpu.memory_space<hbm>>) target(%arg15 : memref<32x512xf32, #tpu.memory_space<vmem>>) offsets(%dma_start3A_206 : memref<32xi32, #tpu.memory_space<vmem>>) semaphore(%arg17 : memref<!tpu.dma_semaphore, #tpu.memory_space<semaphore_mem>>)
    %dma_wait3A_210 = arith.constant 288 : i32
    %dma_wait3A_211 = tpu.memref_slice %arg11[%dma_wait3A_210] : memref<512xi32, #tpu.memory_space<vmem>> -> memref<32xi32, #tpu.memory_space<vmem>>
    %dma_wait3A_212 = arith.constant 0 : i32
    %dma_wait3A_213 = arith.constant 0 : i32
    %dma_wait3A_214 = tpu.memref_slice %arg3[%dma_wait3A_212, %dma_wait3A_213] : memref<65536x512xf32, #tpu.memory_space<hbm>> -> memref<65536x512xf32, #tpu.memory_space<hbm>>
    tpu.wait_indirect_dma semaphore(%arg17 : memref<!tpu.dma_semaphore, #tpu.memory_space<semaphore_mem>>) src(%dma_wait3A_214 : memref<65536x512xf32, #tpu.memory_space<hbm>>) dst(%arg15 : memref<32x512xf32, #tpu.memory_space<vmem>>)
    %add3A_215 = arith.constant 288 : i32
    %add3A_216 = arith.addi %mul3A_2, %add3A_215 : i32
    "tpu.region"() ({
      %run_scoped3A = tpu.sem_alloc : memref<!tpu.dma_semaphore, #tpu.memory_space<semaphore_mem>>
      %dma_start3A_481 = arith.constant 0 : i32
      %dma_start3A_482 = tpu.memref_slice %arg9[%add3A_216, %dma_start3A_481] : memref<16384x512xf32, #tpu.memory_space<hbm>> -> memref<32x512xf32, #tpu.memory_space<hbm>>
      %dma_start3A_483 = arith.constant 0 : i32
      %dma_start3A_484 = tpu.memref_slice %arg9[%add3A_216, %dma_start3A_483] : memref<16384x512xf32, #tpu.memory_space<hbm>> -> memref<32x512xf32, #tpu.memory_space<hbm>>
      tpu.enqueue_dma source(%arg15 : memref<32x512xf32, #tpu.memory_space<vmem>>) target(%dma_start3A_484 : memref<32x512xf32, #tpu.memory_space<hbm>>) target_semaphore(%run_scoped3A : memref<!tpu.dma_semaphore, #tpu.memory_space<semaphore_mem>>)
      %dma_wait3A_485 = arith.constant 0 : i32
      %dma_wait3A_486 = tpu.memref_slice %arg9[%add3A_216, %dma_wait3A_485] : memref<16384x512xf32, #tpu.memory_space<hbm>> -> memref<32x512xf32, #tpu.memory_space<hbm>>
      %dma_wait3A_487 = arith.constant 0 : i32
      %dma_wait3A_488 = tpu.memref_slice %arg9[%add3A_216, %dma_wait3A_487] : memref<16384x512xf32, #tpu.memory_space<hbm>> -> memref<32x512xf32, #tpu.memory_space<hbm>>
      tpu.wait_dma2 semaphore(%run_scoped3A : memref<!tpu.dma_semaphore, #tpu.memory_space<semaphore_mem>>) src(%arg15 : memref<32x512xf32, #tpu.memory_space<vmem>>) dst(%dma_wait3A_488 : memref<32x512xf32, #tpu.memory_space<hbm>>)
      tpu.yield
    }) : () -> ()
    %dma_start3A_217 = arith.constant 320 : i32
    %dma_start3A_218 = tpu.memref_slice %arg11[%dma_start3A_217] : memref<512xi32, #tpu.memory_space<vmem>> -> memref<32xi32, #tpu.memory_space<vmem>>
    %dma_start3A_219 = arith.constant 0 : i32
    %dma_start3A_220 = arith.constant 0 : i32
    %dma_start3A_221 = tpu.memref_slice %arg3[%dma_start3A_219, %dma_start3A_220] : memref<65536x512xf32, #tpu.memory_space<hbm>> -> memref<65536x512xf32, #tpu.memory_space<hbm>>
    tpu.enqueue_indirect_dma source(%dma_start3A_221 : memref<65536x512xf32, #tpu.memory_space<hbm>>) target(%arg14 : memref<32x512xf32, #tpu.memory_space<vmem>>) offsets(%dma_start3A_218 : memref<32xi32, #tpu.memory_space<vmem>>) semaphore(%arg16 : memref<!tpu.dma_semaphore, #tpu.memory_space<semaphore_mem>>)
    %dma_wait3A_222 = arith.constant 320 : i32
    %dma_wait3A_223 = tpu.memref_slice %arg11[%dma_wait3A_222] : memref<512xi32, #tpu.memory_space<vmem>> -> memref<32xi32, #tpu.memory_space<vmem>>
    %dma_wait3A_224 = arith.constant 0 : i32
    %dma_wait3A_225 = arith.constant 0 : i32
    %dma_wait3A_226 = tpu.memref_slice %arg3[%dma_wait3A_224, %dma_wait3A_225] : memref<65536x512xf32, #tpu.memory_space<hbm>> -> memref<65536x512xf32, #tpu.memory_space<hbm>>
    tpu.wait_indirect_dma semaphore(%arg16 : memref<!tpu.dma_semaphore, #tpu.memory_space<semaphore_mem>>) src(%dma_wait3A_226 : memref<65536x512xf32, #tpu.memory_space<hbm>>) dst(%arg14 : memref<32x512xf32, #tpu.memory_space<vmem>>)
    %add3A_227 = arith.constant 320 : i32
    %add3A_228 = arith.addi %mul3A_2, %add3A_227 : i32
    "tpu.region"() ({
      %run_scoped3A = tpu.sem_alloc : memref<!tpu.dma_semaphore, #tpu.memory_space<semaphore_mem>>
      %dma_start3A_481 = arith.constant 0 : i32
      %dma_start3A_482 = tpu.memref_slice %arg9[%add3A_228, %dma_start3A_481] : memref<16384x512xf32, #tpu.memory_space<hbm>> -> memref<32x512xf32, #tpu.memory_space<hbm>>
      %dma_start3A_483 = arith.constant 0 : i32
      %dma_start3A_484 = tpu.memref_slice %arg9[%add3A_228, %dma_start3A_483] : memref<16384x512xf32, #tpu.memory_space<hbm>> -> memref<32x512xf32, #tpu.memory_space<hbm>>
      tpu.enqueue_dma source(%arg14 : memref<32x512xf32, #tpu.memory_space<vmem>>) target(%dma_start3A_484 : memref<32x512xf32, #tpu.memory_space<hbm>>) target_semaphore(%run_scoped3A : memref<!tpu.dma_semaphore, #tpu.memory_space<semaphore_mem>>)
      %dma_wait3A_485 = arith.constant 0 : i32
      %dma_wait3A_486 = tpu.memref_slice %arg9[%add3A_228, %dma_wait3A_485] : memref<16384x512xf32, #tpu.memory_space<hbm>> -> memref<32x512xf32, #tpu.memory_space<hbm>>
      %dma_wait3A_487 = arith.constant 0 : i32
      %dma_wait3A_488 = tpu.memref_slice %arg9[%add3A_228, %dma_wait3A_487] : memref<16384x512xf32, #tpu.memory_space<hbm>> -> memref<32x512xf32, #tpu.memory_space<hbm>>
      tpu.wait_dma2 semaphore(%run_scoped3A : memref<!tpu.dma_semaphore, #tpu.memory_space<semaphore_mem>>) src(%arg14 : memref<32x512xf32, #tpu.memory_space<vmem>>) dst(%dma_wait3A_488 : memref<32x512xf32, #tpu.memory_space<hbm>>)
      tpu.yield
    }) : () -> ()
    %dma_start3A_229 = arith.constant 352 : i32
    %dma_start3A_230 = tpu.memref_slice %arg11[%dma_start3A_229] : memref<512xi32, #tpu.memory_space<vmem>> -> memref<32xi32, #tpu.memory_space<vmem>>
    %dma_start3A_231 = arith.constant 0 : i32
    %dma_start3A_232 = arith.constant 0 : i32
    %dma_start3A_233 = tpu.memref_slice %arg3[%dma_start3A_231, %dma_start3A_232] : memref<65536x512xf32, #tpu.memory_space<hbm>> -> memref<65536x512xf32, #tpu.memory_space<hbm>>
    tpu.enqueue_indirect_dma source(%dma_start3A_233 : memref<65536x512xf32, #tpu.memory_space<hbm>>) target(%arg15 : memref<32x512xf32, #tpu.memory_space<vmem>>) offsets(%dma_start3A_230 : memref<32xi32, #tpu.memory_space<vmem>>) semaphore(%arg17 : memref<!tpu.dma_semaphore, #tpu.memory_space<semaphore_mem>>)
    %dma_wait3A_234 = arith.constant 352 : i32
    %dma_wait3A_235 = tpu.memref_slice %arg11[%dma_wait3A_234] : memref<512xi32, #tpu.memory_space<vmem>> -> memref<32xi32, #tpu.memory_space<vmem>>
    %dma_wait3A_236 = arith.constant 0 : i32
    %dma_wait3A_237 = arith.constant 0 : i32
    %dma_wait3A_238 = tpu.memref_slice %arg3[%dma_wait3A_236, %dma_wait3A_237] : memref<65536x512xf32, #tpu.memory_space<hbm>> -> memref<65536x512xf32, #tpu.memory_space<hbm>>
    tpu.wait_indirect_dma semaphore(%arg17 : memref<!tpu.dma_semaphore, #tpu.memory_space<semaphore_mem>>) src(%dma_wait3A_238 : memref<65536x512xf32, #tpu.memory_space<hbm>>) dst(%arg15 : memref<32x512xf32, #tpu.memory_space<vmem>>)
    %add3A_239 = arith.constant 352 : i32
    %add3A_240 = arith.addi %mul3A_2, %add3A_239 : i32
    "tpu.region"() ({
      %run_scoped3A = tpu.sem_alloc : memref<!tpu.dma_semaphore, #tpu.memory_space<semaphore_mem>>
      %dma_start3A_481 = arith.constant 0 : i32
      %dma_start3A_482 = tpu.memref_slice %arg9[%add3A_240, %dma_start3A_481] : memref<16384x512xf32, #tpu.memory_space<hbm>> -> memref<32x512xf32, #tpu.memory_space<hbm>>
      %dma_start3A_483 = arith.constant 0 : i32
      %dma_start3A_484 = tpu.memref_slice %arg9[%add3A_240, %dma_start3A_483] : memref<16384x512xf32, #tpu.memory_space<hbm>> -> memref<32x512xf32, #tpu.memory_space<hbm>>
      tpu.enqueue_dma source(%arg15 : memref<32x512xf32, #tpu.memory_space<vmem>>) target(%dma_start3A_484 : memref<32x512xf32, #tpu.memory_space<hbm>>) target_semaphore(%run_scoped3A : memref<!tpu.dma_semaphore, #tpu.memory_space<semaphore_mem>>)
      %dma_wait3A_485 = arith.constant 0 : i32
      %dma_wait3A_486 = tpu.memref_slice %arg9[%add3A_240, %dma_wait3A_485] : memref<16384x512xf32, #tpu.memory_space<hbm>> -> memref<32x512xf32, #tpu.memory_space<hbm>>
      %dma_wait3A_487 = arith.constant 0 : i32
      %dma_wait3A_488 = tpu.memref_slice %arg9[%add3A_240, %dma_wait3A_487] : memref<16384x512xf32, #tpu.memory_space<hbm>> -> memref<32x512xf32, #tpu.memory_space<hbm>>
      tpu.wait_dma2 semaphore(%run_scoped3A : memref<!tpu.dma_semaphore, #tpu.memory_space<semaphore_mem>>) src(%arg15 : memref<32x512xf32, #tpu.memory_space<vmem>>) dst(%dma_wait3A_488 : memref<32x512xf32, #tpu.memory_space<hbm>>)
      tpu.yield
    }) : () -> ()
    %dma_start3A_241 = arith.constant 384 : i32
    %dma_start3A_242 = tpu.memref_slice %arg11[%dma_start3A_241] : memref<512xi32, #tpu.memory_space<vmem>> -> memref<32xi32, #tpu.memory_space<vmem>>
    %dma_start3A_243 = arith.constant 0 : i32
    %dma_start3A_244 = arith.constant 0 : i32
    %dma_start3A_245 = tpu.memref_slice %arg3[%dma_start3A_243, %dma_start3A_244] : memref<65536x512xf32, #tpu.memory_space<hbm>> -> memref<65536x512xf32, #tpu.memory_space<hbm>>
    tpu.enqueue_indirect_dma source(%dma_start3A_245 : memref<65536x512xf32, #tpu.memory_space<hbm>>) target(%arg14 : memref<32x512xf32, #tpu.memory_space<vmem>>) offsets(%dma_start3A_242 : memref<32xi32, #tpu.memory_space<vmem>>) semaphore(%arg16 : memref<!tpu.dma_semaphore, #tpu.memory_space<semaphore_mem>>)
    %dma_wait3A_246 = arith.constant 384 : i32
    %dma_wait3A_247 = tpu.memref_slice %arg11[%dma_wait3A_246] : memref<512xi32, #tpu.memory_space<vmem>> -> memref<32xi32, #tpu.memory_space<vmem>>
    %dma_wait3A_248 = arith.constant 0 : i32
    %dma_wait3A_249 = arith.constant 0 : i32
    %dma_wait3A_250 = tpu.memref_slice %arg3[%dma_wait3A_248, %dma_wait3A_249] : memref<65536x512xf32, #tpu.memory_space<hbm>> -> memref<65536x512xf32, #tpu.memory_space<hbm>>
    tpu.wait_indirect_dma semaphore(%arg16 : memref<!tpu.dma_semaphore, #tpu.memory_space<semaphore_mem>>) src(%dma_wait3A_250 : memref<65536x512xf32, #tpu.memory_space<hbm>>) dst(%arg14 : memref<32x512xf32, #tpu.memory_space<vmem>>)
    %add3A_251 = arith.constant 384 : i32
    %add3A_252 = arith.addi %mul3A_2, %add3A_251 : i32
    "tpu.region"() ({
      %run_scoped3A = tpu.sem_alloc : memref<!tpu.dma_semaphore, #tpu.memory_space<semaphore_mem>>
      %dma_start3A_481 = arith.constant 0 : i32
      %dma_start3A_482 = tpu.memref_slice %arg9[%add3A_252, %dma_start3A_481] : memref<16384x512xf32, #tpu.memory_space<hbm>> -> memref<32x512xf32, #tpu.memory_space<hbm>>
      %dma_start3A_483 = arith.constant 0 : i32
      %dma_start3A_484 = tpu.memref_slice %arg9[%add3A_252, %dma_start3A_483] : memref<16384x512xf32, #tpu.memory_space<hbm>> -> memref<32x512xf32, #tpu.memory_space<hbm>>
      tpu.enqueue_dma source(%arg14 : memref<32x512xf32, #tpu.memory_space<vmem>>) target(%dma_start3A_484 : memref<32x512xf32, #tpu.memory_space<hbm>>) target_semaphore(%run_scoped3A : memref<!tpu.dma_semaphore, #tpu.memory_space<semaphore_mem>>)
      %dma_wait3A_485 = arith.constant 0 : i32
      %dma_wait3A_486 = tpu.memref_slice %arg9[%add3A_252, %dma_wait3A_485] : memref<16384x512xf32, #tpu.memory_space<hbm>> -> memref<32x512xf32, #tpu.memory_space<hbm>>
      %dma_wait3A_487 = arith.constant 0 : i32
      %dma_wait3A_488 = tpu.memref_slice %arg9[%add3A_252, %dma_wait3A_487] : memref<16384x512xf32, #tpu.memory_space<hbm>> -> memref<32x512xf32, #tpu.memory_space<hbm>>
      tpu.wait_dma2 semaphore(%run_scoped3A : memref<!tpu.dma_semaphore, #tpu.memory_space<semaphore_mem>>) src(%arg14 : memref<32x512xf32, #tpu.memory_space<vmem>>) dst(%dma_wait3A_488 : memref<32x512xf32, #tpu.memory_space<hbm>>)
      tpu.yield
    }) : () -> ()
    %dma_start3A_253 = arith.constant 416 : i32
    %dma_start3A_254 = tpu.memref_slice %arg11[%dma_start3A_253] : memref<512xi32, #tpu.memory_space<vmem>> -> memref<32xi32, #tpu.memory_space<vmem>>
    %dma_start3A_255 = arith.constant 0 : i32
    %dma_start3A_256 = arith.constant 0 : i32
    %dma_start3A_257 = tpu.memref_slice %arg3[%dma_start3A_255, %dma_start3A_256] : memref<65536x512xf32, #tpu.memory_space<hbm>> -> memref<65536x512xf32, #tpu.memory_space<hbm>>
    tpu.enqueue_indirect_dma source(%dma_start3A_257 : memref<65536x512xf32, #tpu.memory_space<hbm>>) target(%arg15 : memref<32x512xf32, #tpu.memory_space<vmem>>) offsets(%dma_start3A_254 : memref<32xi32, #tpu.memory_space<vmem>>) semaphore(%arg17 : memref<!tpu.dma_semaphore, #tpu.memory_space<semaphore_mem>>)
    %dma_wait3A_258 = arith.constant 416 : i32
    %dma_wait3A_259 = tpu.memref_slice %arg11[%dma_wait3A_258] : memref<512xi32, #tpu.memory_space<vmem>> -> memref<32xi32, #tpu.memory_space<vmem>>
    %dma_wait3A_260 = arith.constant 0 : i32
    %dma_wait3A_261 = arith.constant 0 : i32
    %dma_wait3A_262 = tpu.memref_slice %arg3[%dma_wait3A_260, %dma_wait3A_261] : memref<65536x512xf32, #tpu.memory_space<hbm>> -> memref<65536x512xf32, #tpu.memory_space<hbm>>
    tpu.wait_indirect_dma semaphore(%arg17 : memref<!tpu.dma_semaphore, #tpu.memory_space<semaphore_mem>>) src(%dma_wait3A_262 : memref<65536x512xf32, #tpu.memory_space<hbm>>) dst(%arg15 : memref<32x512xf32, #tpu.memory_space<vmem>>)
    %add3A_263 = arith.constant 416 : i32
    %add3A_264 = arith.addi %mul3A_2, %add3A_263 : i32
    "tpu.region"() ({
      %run_scoped3A = tpu.sem_alloc : memref<!tpu.dma_semaphore, #tpu.memory_space<semaphore_mem>>
      %dma_start3A_481 = arith.constant 0 : i32
      %dma_start3A_482 = tpu.memref_slice %arg9[%add3A_264, %dma_start3A_481] : memref<16384x512xf32, #tpu.memory_space<hbm>> -> memref<32x512xf32, #tpu.memory_space<hbm>>
      %dma_start3A_483 = arith.constant 0 : i32
      %dma_start3A_484 = tpu.memref_slice %arg9[%add3A_264, %dma_start3A_483] : memref<16384x512xf32, #tpu.memory_space<hbm>> -> memref<32x512xf32, #tpu.memory_space<hbm>>
      tpu.enqueue_dma source(%arg15 : memref<32x512xf32, #tpu.memory_space<vmem>>) target(%dma_start3A_484 : memref<32x512xf32, #tpu.memory_space<hbm>>) target_semaphore(%run_scoped3A : memref<!tpu.dma_semaphore, #tpu.memory_space<semaphore_mem>>)
      %dma_wait3A_485 = arith.constant 0 : i32
      %dma_wait3A_486 = tpu.memref_slice %arg9[%add3A_264, %dma_wait3A_485] : memref<16384x512xf32, #tpu.memory_space<hbm>> -> memref<32x512xf32, #tpu.memory_space<hbm>>
      %dma_wait3A_487 = arith.constant 0 : i32
      %dma_wait3A_488 = tpu.memref_slice %arg9[%add3A_264, %dma_wait3A_487] : memref<16384x512xf32, #tpu.memory_space<hbm>> -> memref<32x512xf32, #tpu.memory_space<hbm>>
      tpu.wait_dma2 semaphore(%run_scoped3A : memref<!tpu.dma_semaphore, #tpu.memory_space<semaphore_mem>>) src(%arg15 : memref<32x512xf32, #tpu.memory_space<vmem>>) dst(%dma_wait3A_488 : memref<32x512xf32, #tpu.memory_space<hbm>>)
      tpu.yield
    }) : () -> ()
    %dma_start3A_265 = arith.constant 448 : i32
    %dma_start3A_266 = tpu.memref_slice %arg11[%dma_start3A_265] : memref<512xi32, #tpu.memory_space<vmem>> -> memref<32xi32, #tpu.memory_space<vmem>>
    %dma_start3A_267 = arith.constant 0 : i32
    %dma_start3A_268 = arith.constant 0 : i32
    %dma_start3A_269 = tpu.memref_slice %arg3[%dma_start3A_267, %dma_start3A_268] : memref<65536x512xf32, #tpu.memory_space<hbm>> -> memref<65536x512xf32, #tpu.memory_space<hbm>>
    tpu.enqueue_indirect_dma source(%dma_start3A_269 : memref<65536x512xf32, #tpu.memory_space<hbm>>) target(%arg14 : memref<32x512xf32, #tpu.memory_space<vmem>>) offsets(%dma_start3A_266 : memref<32xi32, #tpu.memory_space<vmem>>) semaphore(%arg16 : memref<!tpu.dma_semaphore, #tpu.memory_space<semaphore_mem>>)
    %dma_wait3A_270 = arith.constant 448 : i32
    %dma_wait3A_271 = tpu.memref_slice %arg11[%dma_wait3A_270] : memref<512xi32, #tpu.memory_space<vmem>> -> memref<32xi32, #tpu.memory_space<vmem>>
    %dma_wait3A_272 = arith.constant 0 : i32
    %dma_wait3A_273 = arith.constant 0 : i32
    %dma_wait3A_274 = tpu.memref_slice %arg3[%dma_wait3A_272, %dma_wait3A_273] : memref<65536x512xf32, #tpu.memory_space<hbm>> -> memref<65536x512xf32, #tpu.memory_space<hbm>>
    tpu.wait_indirect_dma semaphore(%arg16 : memref<!tpu.dma_semaphore, #tpu.memory_space<semaphore_mem>>) src(%dma_wait3A_274 : memref<65536x512xf32, #tpu.memory_space<hbm>>) dst(%arg14 : memref<32x512xf32, #tpu.memory_space<vmem>>)
    %add3A_275 = arith.constant 448 : i32
    %add3A_276 = arith.addi %mul3A_2, %add3A_275 : i32
    "tpu.region"() ({
      %run_scoped3A = tpu.sem_alloc : memref<!tpu.dma_semaphore, #tpu.memory_space<semaphore_mem>>
      %dma_start3A_481 = arith.constant 0 : i32
      %dma_start3A_482 = tpu.memref_slice %arg9[%add3A_276, %dma_start3A_481] : memref<16384x512xf32, #tpu.memory_space<hbm>> -> memref<32x512xf32, #tpu.memory_space<hbm>>
      %dma_start3A_483 = arith.constant 0 : i32
      %dma_start3A_484 = tpu.memref_slice %arg9[%add3A_276, %dma_start3A_483] : memref<16384x512xf32, #tpu.memory_space<hbm>> -> memref<32x512xf32, #tpu.memory_space<hbm>>
      tpu.enqueue_dma source(%arg14 : memref<32x512xf32, #tpu.memory_space<vmem>>) target(%dma_start3A_484 : memref<32x512xf32, #tpu.memory_space<hbm>>) target_semaphore(%run_scoped3A : memref<!tpu.dma_semaphore, #tpu.memory_space<semaphore_mem>>)
      %dma_wait3A_485 = arith.constant 0 : i32
      %dma_wait3A_486 = tpu.memref_slice %arg9[%add3A_276, %dma_wait3A_485] : memref<16384x512xf32, #tpu.memory_space<hbm>> -> memref<32x512xf32, #tpu.memory_space<hbm>>
      %dma_wait3A_487 = arith.constant 0 : i32
      %dma_wait3A_488 = tpu.memref_slice %arg9[%add3A_276, %dma_wait3A_487] : memref<16384x512xf32, #tpu.memory_space<hbm>> -> memref<32x512xf32, #tpu.memory_space<hbm>>
      tpu.wait_dma2 semaphore(%run_scoped3A : memref<!tpu.dma_semaphore, #tpu.memory_space<semaphore_mem>>) src(%arg14 : memref<32x512xf32, #tpu.memory_space<vmem>>) dst(%dma_wait3A_488 : memref<32x512xf32, #tpu.memory_space<hbm>>)
      tpu.yield
    }) : () -> ()
    %dma_start3A_277 = arith.constant 480 : i32
    %dma_start3A_278 = tpu.memref_slice %arg11[%dma_start3A_277] : memref<512xi32, #tpu.memory_space<vmem>> -> memref<32xi32, #tpu.memory_space<vmem>>
    %dma_start3A_279 = arith.constant 0 : i32
    %dma_start3A_280 = arith.constant 0 : i32
    %dma_start3A_281 = tpu.memref_slice %arg3[%dma_start3A_279, %dma_start3A_280] : memref<65536x512xf32, #tpu.memory_space<hbm>> -> memref<65536x512xf32, #tpu.memory_space<hbm>>
    tpu.enqueue_indirect_dma source(%dma_start3A_281 : memref<65536x512xf32, #tpu.memory_space<hbm>>) target(%arg15 : memref<32x512xf32, #tpu.memory_space<vmem>>) offsets(%dma_start3A_278 : memref<32xi32, #tpu.memory_space<vmem>>) semaphore(%arg17 : memref<!tpu.dma_semaphore, #tpu.memory_space<semaphore_mem>>)
    %dma_wait3A_282 = arith.constant 480 : i32
    %dma_wait3A_283 = tpu.memref_slice %arg11[%dma_wait3A_282] : memref<512xi32, #tpu.memory_space<vmem>> -> memref<32xi32, #tpu.memory_space<vmem>>
    %dma_wait3A_284 = arith.constant 0 : i32
    %dma_wait3A_285 = arith.constant 0 : i32
    %dma_wait3A_286 = tpu.memref_slice %arg3[%dma_wait3A_284, %dma_wait3A_285] : memref<65536x512xf32, #tpu.memory_space<hbm>> -> memref<65536x512xf32, #tpu.memory_space<hbm>>
    tpu.wait_indirect_dma semaphore(%arg17 : memref<!tpu.dma_semaphore, #tpu.memory_space<semaphore_mem>>) src(%dma_wait3A_286 : memref<65536x512xf32, #tpu.memory_space<hbm>>) dst(%arg15 : memref<32x512xf32, #tpu.memory_space<vmem>>)
    %add3A_287 = arith.constant 480 : i32
    %add3A_288 = arith.addi %mul3A_2, %add3A_287 : i32
    "tpu.region"() ({
      %run_scoped3A = tpu.sem_alloc : memref<!tpu.dma_semaphore, #tpu.memory_space<semaphore_mem>>
      %dma_start3A_481 = arith.constant 0 : i32
      %dma_start3A_482 = tpu.memref_slice %arg9[%add3A_288, %dma_start3A_481] : memref<16384x512xf32, #tpu.memory_space<hbm>> -> memref<32x512xf32, #tpu.memory_space<hbm>>
      %dma_start3A_483 = arith.constant 0 : i32
      %dma_start3A_484 = tpu.memref_slice %arg9[%add3A_288, %dma_start3A_483] : memref<16384x512xf32, #tpu.memory_space<hbm>> -> memref<32x512xf32, #tpu.memory_space<hbm>>
      tpu.enqueue_dma source(%arg15 : memref<32x512xf32, #tpu.memory_space<vmem>>) target(%dma_start3A_484 : memref<32x512xf32, #tpu.memory_space<hbm>>) target_semaphore(%run_scoped3A : memref<!tpu.dma_semaphore, #tpu.memory_space<semaphore_mem>>)
      %dma_wait3A_485 = arith.constant 0 : i32
      %dma_wait3A_486 = tpu.memref_slice %arg9[%add3A_288, %dma_wait3A_485] : memref<16384x512xf32, #tpu.memory_space<hbm>> -> memref<32x512xf32, #tpu.memory_space<hbm>>
      %dma_wait3A_487 = arith.constant 0 : i32
      %dma_wait3A_488 = tpu.memref_slice %arg9[%add3A_288, %dma_wait3A_487] : memref<16384x512xf32, #tpu.memory_space<hbm>> -> memref<32x512xf32, #tpu.memory_space<hbm>>
      tpu.wait_dma2 semaphore(%run_scoped3A : memref<!tpu.dma_semaphore, #tpu.memory_space<semaphore_mem>>) src(%arg15 : memref<32x512xf32, #tpu.memory_space<vmem>>) dst(%dma_wait3A_488 : memref<32x512xf32, #tpu.memory_space<hbm>>)
      tpu.yield
    }) : () -> ()
    %dma_start3A_289 = arith.constant 0 : i32
    %dma_start3A_290 = tpu.memref_slice %arg12[%dma_start3A_289] : memref<512xi32, #tpu.memory_space<vmem>> -> memref<32xi32, #tpu.memory_space<vmem>>
    %dma_start3A_291 = arith.constant 0 : i32
    %dma_start3A_292 = arith.constant 0 : i32
    %dma_start3A_293 = tpu.memref_slice %arg4[%dma_start3A_291, %dma_start3A_292] : memref<65536x512xf32, #tpu.memory_space<hbm>> -> memref<65536x512xf32, #tpu.memory_space<hbm>>
    tpu.enqueue_indirect_dma source(%dma_start3A_293 : memref<65536x512xf32, #tpu.memory_space<hbm>>) target(%arg14 : memref<32x512xf32, #tpu.memory_space<vmem>>) offsets(%dma_start3A_290 : memref<32xi32, #tpu.memory_space<vmem>>) semaphore(%arg16 : memref<!tpu.dma_semaphore, #tpu.memory_space<semaphore_mem>>)
    %dma_wait3A_294 = arith.constant 0 : i32
    %dma_wait3A_295 = tpu.memref_slice %arg12[%dma_wait3A_294] : memref<512xi32, #tpu.memory_space<vmem>> -> memref<32xi32, #tpu.memory_space<vmem>>
    %dma_wait3A_296 = arith.constant 0 : i32
    %dma_wait3A_297 = arith.constant 0 : i32
    %dma_wait3A_298 = tpu.memref_slice %arg4[%dma_wait3A_296, %dma_wait3A_297] : memref<65536x512xf32, #tpu.memory_space<hbm>> -> memref<65536x512xf32, #tpu.memory_space<hbm>>
    tpu.wait_indirect_dma semaphore(%arg16 : memref<!tpu.dma_semaphore, #tpu.memory_space<semaphore_mem>>) src(%dma_wait3A_298 : memref<65536x512xf32, #tpu.memory_space<hbm>>) dst(%arg14 : memref<32x512xf32, #tpu.memory_space<vmem>>)
    %add3A_299 = arith.constant 0 : i32
    %add3A_300 = arith.addi %mul3A_2, %add3A_299 : i32
    "tpu.region"() ({
      %run_scoped3A = tpu.sem_alloc : memref<!tpu.dma_semaphore, #tpu.memory_space<semaphore_mem>>
      %dma_start3A_481 = arith.constant 0 : i32
      %dma_start3A_482 = tpu.memref_slice %arg10[%add3A_300, %dma_start3A_481] : memref<16384x512xf32, #tpu.memory_space<hbm>> -> memref<32x512xf32, #tpu.memory_space<hbm>>
      %dma_start3A_483 = arith.constant 0 : i32
      %dma_start3A_484 = tpu.memref_slice %arg10[%add3A_300, %dma_start3A_483] : memref<16384x512xf32, #tpu.memory_space<hbm>> -> memref<32x512xf32, #tpu.memory_space<hbm>>
      tpu.enqueue_dma source(%arg14 : memref<32x512xf32, #tpu.memory_space<vmem>>) target(%dma_start3A_484 : memref<32x512xf32, #tpu.memory_space<hbm>>) target_semaphore(%run_scoped3A : memref<!tpu.dma_semaphore, #tpu.memory_space<semaphore_mem>>)
      %dma_wait3A_485 = arith.constant 0 : i32
      %dma_wait3A_486 = tpu.memref_slice %arg10[%add3A_300, %dma_wait3A_485] : memref<16384x512xf32, #tpu.memory_space<hbm>> -> memref<32x512xf32, #tpu.memory_space<hbm>>
      %dma_wait3A_487 = arith.constant 0 : i32
      %dma_wait3A_488 = tpu.memref_slice %arg10[%add3A_300, %dma_wait3A_487] : memref<16384x512xf32, #tpu.memory_space<hbm>> -> memref<32x512xf32, #tpu.memory_space<hbm>>
      tpu.wait_dma2 semaphore(%run_scoped3A : memref<!tpu.dma_semaphore, #tpu.memory_space<semaphore_mem>>) src(%arg14 : memref<32x512xf32, #tpu.memory_space<vmem>>) dst(%dma_wait3A_488 : memref<32x512xf32, #tpu.memory_space<hbm>>)
      tpu.yield
    }) : () -> ()
    %dma_start3A_301 = arith.constant 32 : i32
    %dma_start3A_302 = tpu.memref_slice %arg12[%dma_start3A_301] : memref<512xi32, #tpu.memory_space<vmem>> -> memref<32xi32, #tpu.memory_space<vmem>>
    %dma_start3A_303 = arith.constant 0 : i32
    %dma_start3A_304 = arith.constant 0 : i32
    %dma_start3A_305 = tpu.memref_slice %arg4[%dma_start3A_303, %dma_start3A_304] : memref<65536x512xf32, #tpu.memory_space<hbm>> -> memref<65536x512xf32, #tpu.memory_space<hbm>>
    tpu.enqueue_indirect_dma source(%dma_start3A_305 : memref<65536x512xf32, #tpu.memory_space<hbm>>) target(%arg15 : memref<32x512xf32, #tpu.memory_space<vmem>>) offsets(%dma_start3A_302 : memref<32xi32, #tpu.memory_space<vmem>>) semaphore(%arg17 : memref<!tpu.dma_semaphore, #tpu.memory_space<semaphore_mem>>)
    %dma_wait3A_306 = arith.constant 32 : i32
    %dma_wait3A_307 = tpu.memref_slice %arg12[%dma_wait3A_306] : memref<512xi32, #tpu.memory_space<vmem>> -> memref<32xi32, #tpu.memory_space<vmem>>
    %dma_wait3A_308 = arith.constant 0 : i32
    %dma_wait3A_309 = arith.constant 0 : i32
    %dma_wait3A_310 = tpu.memref_slice %arg4[%dma_wait3A_308, %dma_wait3A_309] : memref<65536x512xf32, #tpu.memory_space<hbm>> -> memref<65536x512xf32, #tpu.memory_space<hbm>>
    tpu.wait_indirect_dma semaphore(%arg17 : memref<!tpu.dma_semaphore, #tpu.memory_space<semaphore_mem>>) src(%dma_wait3A_310 : memref<65536x512xf32, #tpu.memory_space<hbm>>) dst(%arg15 : memref<32x512xf32, #tpu.memory_space<vmem>>)
    %add3A_311 = arith.constant 32 : i32
    %add3A_312 = arith.addi %mul3A_2, %add3A_311 : i32
    "tpu.region"() ({
      %run_scoped3A = tpu.sem_alloc : memref<!tpu.dma_semaphore, #tpu.memory_space<semaphore_mem>>
      %dma_start3A_481 = arith.constant 0 : i32
      %dma_start3A_482 = tpu.memref_slice %arg10[%add3A_312, %dma_start3A_481] : memref<16384x512xf32, #tpu.memory_space<hbm>> -> memref<32x512xf32, #tpu.memory_space<hbm>>
      %dma_start3A_483 = arith.constant 0 : i32
      %dma_start3A_484 = tpu.memref_slice %arg10[%add3A_312, %dma_start3A_483] : memref<16384x512xf32, #tpu.memory_space<hbm>> -> memref<32x512xf32, #tpu.memory_space<hbm>>
      tpu.enqueue_dma source(%arg15 : memref<32x512xf32, #tpu.memory_space<vmem>>) target(%dma_start3A_484 : memref<32x512xf32, #tpu.memory_space<hbm>>) target_semaphore(%run_scoped3A : memref<!tpu.dma_semaphore, #tpu.memory_space<semaphore_mem>>)
      %dma_wait3A_485 = arith.constant 0 : i32
      %dma_wait3A_486 = tpu.memref_slice %arg10[%add3A_312, %dma_wait3A_485] : memref<16384x512xf32, #tpu.memory_space<hbm>> -> memref<32x512xf32, #tpu.memory_space<hbm>>
      %dma_wait3A_487 = arith.constant 0 : i32
      %dma_wait3A_488 = tpu.memref_slice %arg10[%add3A_312, %dma_wait3A_487] : memref<16384x512xf32, #tpu.memory_space<hbm>> -> memref<32x512xf32, #tpu.memory_space<hbm>>
      tpu.wait_dma2 semaphore(%run_scoped3A : memref<!tpu.dma_semaphore, #tpu.memory_space<semaphore_mem>>) src(%arg15 : memref<32x512xf32, #tpu.memory_space<vmem>>) dst(%dma_wait3A_488 : memref<32x512xf32, #tpu.memory_space<hbm>>)
      tpu.yield
    }) : () -> ()
    %dma_start3A_313 = arith.constant 64 : i32
    %dma_start3A_314 = tpu.memref_slice %arg12[%dma_start3A_313] : memref<512xi32, #tpu.memory_space<vmem>> -> memref<32xi32, #tpu.memory_space<vmem>>
    %dma_start3A_315 = arith.constant 0 : i32
    %dma_start3A_316 = arith.constant 0 : i32
    %dma_start3A_317 = tpu.memref_slice %arg4[%dma_start3A_315, %dma_start3A_316] : memref<65536x512xf32, #tpu.memory_space<hbm>> -> memref<65536x512xf32, #tpu.memory_space<hbm>>
    tpu.enqueue_indirect_dma source(%dma_start3A_317 : memref<65536x512xf32, #tpu.memory_space<hbm>>) target(%arg14 : memref<32x512xf32, #tpu.memory_space<vmem>>) offsets(%dma_start3A_314 : memref<32xi32, #tpu.memory_space<vmem>>) semaphore(%arg16 : memref<!tpu.dma_semaphore, #tpu.memory_space<semaphore_mem>>)
    %dma_wait3A_318 = arith.constant 64 : i32
    %dma_wait3A_319 = tpu.memref_slice %arg12[%dma_wait3A_318] : memref<512xi32, #tpu.memory_space<vmem>> -> memref<32xi32, #tpu.memory_space<vmem>>
    %dma_wait3A_320 = arith.constant 0 : i32
    %dma_wait3A_321 = arith.constant 0 : i32
    %dma_wait3A_322 = tpu.memref_slice %arg4[%dma_wait3A_320, %dma_wait3A_321] : memref<65536x512xf32, #tpu.memory_space<hbm>> -> memref<65536x512xf32, #tpu.memory_space<hbm>>
    tpu.wait_indirect_dma semaphore(%arg16 : memref<!tpu.dma_semaphore, #tpu.memory_space<semaphore_mem>>) src(%dma_wait3A_322 : memref<65536x512xf32, #tpu.memory_space<hbm>>) dst(%arg14 : memref<32x512xf32, #tpu.memory_space<vmem>>)
    %add3A_323 = arith.constant 64 : i32
    %add3A_324 = arith.addi %mul3A_2, %add3A_323 : i32
    "tpu.region"() ({
      %run_scoped3A = tpu.sem_alloc : memref<!tpu.dma_semaphore, #tpu.memory_space<semaphore_mem>>
      %dma_start3A_481 = arith.constant 0 : i32
      %dma_start3A_482 = tpu.memref_slice %arg10[%add3A_324, %dma_start3A_481] : memref<16384x512xf32, #tpu.memory_space<hbm>> -> memref<32x512xf32, #tpu.memory_space<hbm>>
      %dma_start3A_483 = arith.constant 0 : i32
      %dma_start3A_484 = tpu.memref_slice %arg10[%add3A_324, %dma_start3A_483] : memref<16384x512xf32, #tpu.memory_space<hbm>> -> memref<32x512xf32, #tpu.memory_space<hbm>>
      tpu.enqueue_dma source(%arg14 : memref<32x512xf32, #tpu.memory_space<vmem>>) target(%dma_start3A_484 : memref<32x512xf32, #tpu.memory_space<hbm>>) target_semaphore(%run_scoped3A : memref<!tpu.dma_semaphore, #tpu.memory_space<semaphore_mem>>)
      %dma_wait3A_485 = arith.constant 0 : i32
      %dma_wait3A_486 = tpu.memref_slice %arg10[%add3A_324, %dma_wait3A_485] : memref<16384x512xf32, #tpu.memory_space<hbm>> -> memref<32x512xf32, #tpu.memory_space<hbm>>
      %dma_wait3A_487 = arith.constant 0 : i32
      %dma_wait3A_488 = tpu.memref_slice %arg10[%add3A_324, %dma_wait3A_487] : memref<16384x512xf32, #tpu.memory_space<hbm>> -> memref<32x512xf32, #tpu.memory_space<hbm>>
      tpu.wait_dma2 semaphore(%run_scoped3A : memref<!tpu.dma_semaphore, #tpu.memory_space<semaphore_mem>>) src(%arg14 : memref<32x512xf32, #tpu.memory_space<vmem>>) dst(%dma_wait3A_488 : memref<32x512xf32, #tpu.memory_space<hbm>>)
      tpu.yield
    }) : () -> ()
    %dma_start3A_325 = arith.constant 96 : i32
    %dma_start3A_326 = tpu.memref_slice %arg12[%dma_start3A_325] : memref<512xi32, #tpu.memory_space<vmem>> -> memref<32xi32, #tpu.memory_space<vmem>>
    %dma_start3A_327 = arith.constant 0 : i32
    %dma_start3A_328 = arith.constant 0 : i32
    %dma_start3A_329 = tpu.memref_slice %arg4[%dma_start3A_327, %dma_start3A_328] : memref<65536x512xf32, #tpu.memory_space<hbm>> -> memref<65536x512xf32, #tpu.memory_space<hbm>>
    tpu.enqueue_indirect_dma source(%dma_start3A_329 : memref<65536x512xf32, #tpu.memory_space<hbm>>) target(%arg15 : memref<32x512xf32, #tpu.memory_space<vmem>>) offsets(%dma_start3A_326 : memref<32xi32, #tpu.memory_space<vmem>>) semaphore(%arg17 : memref<!tpu.dma_semaphore, #tpu.memory_space<semaphore_mem>>)
    %dma_wait3A_330 = arith.constant 96 : i32
    %dma_wait3A_331 = tpu.memref_slice %arg12[%dma_wait3A_330] : memref<512xi32, #tpu.memory_space<vmem>> -> memref<32xi32, #tpu.memory_space<vmem>>
    %dma_wait3A_332 = arith.constant 0 : i32
    %dma_wait3A_333 = arith.constant 0 : i32
    %dma_wait3A_334 = tpu.memref_slice %arg4[%dma_wait3A_332, %dma_wait3A_333] : memref<65536x512xf32, #tpu.memory_space<hbm>> -> memref<65536x512xf32, #tpu.memory_space<hbm>>
    tpu.wait_indirect_dma semaphore(%arg17 : memref<!tpu.dma_semaphore, #tpu.memory_space<semaphore_mem>>) src(%dma_wait3A_334 : memref<65536x512xf32, #tpu.memory_space<hbm>>) dst(%arg15 : memref<32x512xf32, #tpu.memory_space<vmem>>)
    %add3A_335 = arith.constant 96 : i32
    %add3A_336 = arith.addi %mul3A_2, %add3A_335 : i32
    "tpu.region"() ({
      %run_scoped3A = tpu.sem_alloc : memref<!tpu.dma_semaphore, #tpu.memory_space<semaphore_mem>>
      %dma_start3A_481 = arith.constant 0 : i32
      %dma_start3A_482 = tpu.memref_slice %arg10[%add3A_336, %dma_start3A_481] : memref<16384x512xf32, #tpu.memory_space<hbm>> -> memref<32x512xf32, #tpu.memory_space<hbm>>
      %dma_start3A_483 = arith.constant 0 : i32
      %dma_start3A_484 = tpu.memref_slice %arg10[%add3A_336, %dma_start3A_483] : memref<16384x512xf32, #tpu.memory_space<hbm>> -> memref<32x512xf32, #tpu.memory_space<hbm>>
      tpu.enqueue_dma source(%arg15 : memref<32x512xf32, #tpu.memory_space<vmem>>) target(%dma_start3A_484 : memref<32x512xf32, #tpu.memory_space<hbm>>) target_semaphore(%run_scoped3A : memref<!tpu.dma_semaphore, #tpu.memory_space<semaphore_mem>>)
      %dma_wait3A_485 = arith.constant 0 : i32
      %dma_wait3A_486 = tpu.memref_slice %arg10[%add3A_336, %dma_wait3A_485] : memref<16384x512xf32, #tpu.memory_space<hbm>> -> memref<32x512xf32, #tpu.memory_space<hbm>>
      %dma_wait3A_487 = arith.constant 0 : i32
      %dma_wait3A_488 = tpu.memref_slice %arg10[%add3A_336, %dma_wait3A_487] : memref<16384x512xf32, #tpu.memory_space<hbm>> -> memref<32x512xf32, #tpu.memory_space<hbm>>
      tpu.wait_dma2 semaphore(%run_scoped3A : memref<!tpu.dma_semaphore, #tpu.memory_space<semaphore_mem>>) src(%arg15 : memref<32x512xf32, #tpu.memory_space<vmem>>) dst(%dma_wait3A_488 : memref<32x512xf32, #tpu.memory_space<hbm>>)
      tpu.yield
    }) : () -> ()
    %dma_start3A_337 = arith.constant 128 : i32
    %dma_start3A_338 = tpu.memref_slice %arg12[%dma_start3A_337] : memref<512xi32, #tpu.memory_space<vmem>> -> memref<32xi32, #tpu.memory_space<vmem>>
    %dma_start3A_339 = arith.constant 0 : i32
    %dma_start3A_340 = arith.constant 0 : i32
    %dma_start3A_341 = tpu.memref_slice %arg4[%dma_start3A_339, %dma_start3A_340] : memref<65536x512xf32, #tpu.memory_space<hbm>> -> memref<65536x512xf32, #tpu.memory_space<hbm>>
    tpu.enqueue_indirect_dma source(%dma_start3A_341 : memref<65536x512xf32, #tpu.memory_space<hbm>>) target(%arg14 : memref<32x512xf32, #tpu.memory_space<vmem>>) offsets(%dma_start3A_338 : memref<32xi32, #tpu.memory_space<vmem>>) semaphore(%arg16 : memref<!tpu.dma_semaphore, #tpu.memory_space<semaphore_mem>>)
    %dma_wait3A_342 = arith.constant 128 : i32
    %dma_wait3A_343 = tpu.memref_slice %arg12[%dma_wait3A_342] : memref<512xi32, #tpu.memory_space<vmem>> -> memref<32xi32, #tpu.memory_space<vmem>>
    %dma_wait3A_344 = arith.constant 0 : i32
    %dma_wait3A_345 = arith.constant 0 : i32
    %dma_wait3A_346 = tpu.memref_slice %arg4[%dma_wait3A_344, %dma_wait3A_345] : memref<65536x512xf32, #tpu.memory_space<hbm>> -> memref<65536x512xf32, #tpu.memory_space<hbm>>
    tpu.wait_indirect_dma semaphore(%arg16 : memref<!tpu.dma_semaphore, #tpu.memory_space<semaphore_mem>>) src(%dma_wait3A_346 : memref<65536x512xf32, #tpu.memory_space<hbm>>) dst(%arg14 : memref<32x512xf32, #tpu.memory_space<vmem>>)
    %add3A_347 = arith.constant 128 : i32
    %add3A_348 = arith.addi %mul3A_2, %add3A_347 : i32
    "tpu.region"() ({
      %run_scoped3A = tpu.sem_alloc : memref<!tpu.dma_semaphore, #tpu.memory_space<semaphore_mem>>
      %dma_start3A_481 = arith.constant 0 : i32
      %dma_start3A_482 = tpu.memref_slice %arg10[%add3A_348, %dma_start3A_481] : memref<16384x512xf32, #tpu.memory_space<hbm>> -> memref<32x512xf32, #tpu.memory_space<hbm>>
      %dma_start3A_483 = arith.constant 0 : i32
      %dma_start3A_484 = tpu.memref_slice %arg10[%add3A_348, %dma_start3A_483] : memref<16384x512xf32, #tpu.memory_space<hbm>> -> memref<32x512xf32, #tpu.memory_space<hbm>>
      tpu.enqueue_dma source(%arg14 : memref<32x512xf32, #tpu.memory_space<vmem>>) target(%dma_start3A_484 : memref<32x512xf32, #tpu.memory_space<hbm>>) target_semaphore(%run_scoped3A : memref<!tpu.dma_semaphore, #tpu.memory_space<semaphore_mem>>)
      %dma_wait3A_485 = arith.constant 0 : i32
      %dma_wait3A_486 = tpu.memref_slice %arg10[%add3A_348, %dma_wait3A_485] : memref<16384x512xf32, #tpu.memory_space<hbm>> -> memref<32x512xf32, #tpu.memory_space<hbm>>
      %dma_wait3A_487 = arith.constant 0 : i32
      %dma_wait3A_488 = tpu.memref_slice %arg10[%add3A_348, %dma_wait3A_487] : memref<16384x512xf32, #tpu.memory_space<hbm>> -> memref<32x512xf32, #tpu.memory_space<hbm>>
      tpu.wait_dma2 semaphore(%run_scoped3A : memref<!tpu.dma_semaphore, #tpu.memory_space<semaphore_mem>>) src(%arg14 : memref<32x512xf32, #tpu.memory_space<vmem>>) dst(%dma_wait3A_488 : memref<32x512xf32, #tpu.memory_space<hbm>>)
      tpu.yield
    }) : () -> ()
    %dma_start3A_349 = arith.constant 160 : i32
    %dma_start3A_350 = tpu.memref_slice %arg12[%dma_start3A_349] : memref<512xi32, #tpu.memory_space<vmem>> -> memref<32xi32, #tpu.memory_space<vmem>>
    %dma_start3A_351 = arith.constant 0 : i32
    %dma_start3A_352 = arith.constant 0 : i32
    %dma_start3A_353 = tpu.memref_slice %arg4[%dma_start3A_351, %dma_start3A_352] : memref<65536x512xf32, #tpu.memory_space<hbm>> -> memref<65536x512xf32, #tpu.memory_space<hbm>>
    tpu.enqueue_indirect_dma source(%dma_start3A_353 : memref<65536x512xf32, #tpu.memory_space<hbm>>) target(%arg15 : memref<32x512xf32, #tpu.memory_space<vmem>>) offsets(%dma_start3A_350 : memref<32xi32, #tpu.memory_space<vmem>>) semaphore(%arg17 : memref<!tpu.dma_semaphore, #tpu.memory_space<semaphore_mem>>)
    %dma_wait3A_354 = arith.constant 160 : i32
    %dma_wait3A_355 = tpu.memref_slice %arg12[%dma_wait3A_354] : memref<512xi32, #tpu.memory_space<vmem>> -> memref<32xi32, #tpu.memory_space<vmem>>
    %dma_wait3A_356 = arith.constant 0 : i32
    %dma_wait3A_357 = arith.constant 0 : i32
    %dma_wait3A_358 = tpu.memref_slice %arg4[%dma_wait3A_356, %dma_wait3A_357] : memref<65536x512xf32, #tpu.memory_space<hbm>> -> memref<65536x512xf32, #tpu.memory_space<hbm>>
    tpu.wait_indirect_dma semaphore(%arg17 : memref<!tpu.dma_semaphore, #tpu.memory_space<semaphore_mem>>) src(%dma_wait3A_358 : memref<65536x512xf32, #tpu.memory_space<hbm>>) dst(%arg15 : memref<32x512xf32, #tpu.memory_space<vmem>>)
    %add3A_359 = arith.constant 160 : i32
    %add3A_360 = arith.addi %mul3A_2, %add3A_359 : i32
    "tpu.region"() ({
      %run_scoped3A = tpu.sem_alloc : memref<!tpu.dma_semaphore, #tpu.memory_space<semaphore_mem>>
      %dma_start3A_481 = arith.constant 0 : i32
      %dma_start3A_482 = tpu.memref_slice %arg10[%add3A_360, %dma_start3A_481] : memref<16384x512xf32, #tpu.memory_space<hbm>> -> memref<32x512xf32, #tpu.memory_space<hbm>>
      %dma_start3A_483 = arith.constant 0 : i32
      %dma_start3A_484 = tpu.memref_slice %arg10[%add3A_360, %dma_start3A_483] : memref<16384x512xf32, #tpu.memory_space<hbm>> -> memref<32x512xf32, #tpu.memory_space<hbm>>
      tpu.enqueue_dma source(%arg15 : memref<32x512xf32, #tpu.memory_space<vmem>>) target(%dma_start3A_484 : memref<32x512xf32, #tpu.memory_space<hbm>>) target_semaphore(%run_scoped3A : memref<!tpu.dma_semaphore, #tpu.memory_space<semaphore_mem>>)
      %dma_wait3A_485 = arith.constant 0 : i32
      %dma_wait3A_486 = tpu.memref_slice %arg10[%add3A_360, %dma_wait3A_485] : memref<16384x512xf32, #tpu.memory_space<hbm>> -> memref<32x512xf32, #tpu.memory_space<hbm>>
      %dma_wait3A_487 = arith.constant 0 : i32
      %dma_wait3A_488 = tpu.memref_slice %arg10[%add3A_360, %dma_wait3A_487] : memref<16384x512xf32, #tpu.memory_space<hbm>> -> memref<32x512xf32, #tpu.memory_space<hbm>>
      tpu.wait_dma2 semaphore(%run_scoped3A : memref<!tpu.dma_semaphore, #tpu.memory_space<semaphore_mem>>) src(%arg15 : memref<32x512xf32, #tpu.memory_space<vmem>>) dst(%dma_wait3A_488 : memref<32x512xf32, #tpu.memory_space<hbm>>)
      tpu.yield
    }) : () -> ()
    %dma_start3A_361 = arith.constant 192 : i32
    %dma_start3A_362 = tpu.memref_slice %arg12[%dma_start3A_361] : memref<512xi32, #tpu.memory_space<vmem>> -> memref<32xi32, #tpu.memory_space<vmem>>
    %dma_start3A_363 = arith.constant 0 : i32
    %dma_start3A_364 = arith.constant 0 : i32
    %dma_start3A_365 = tpu.memref_slice %arg4[%dma_start3A_363, %dma_start3A_364] : memref<65536x512xf32, #tpu.memory_space<hbm>> -> memref<65536x512xf32, #tpu.memory_space<hbm>>
    tpu.enqueue_indirect_dma source(%dma_start3A_365 : memref<65536x512xf32, #tpu.memory_space<hbm>>) target(%arg14 : memref<32x512xf32, #tpu.memory_space<vmem>>) offsets(%dma_start3A_362 : memref<32xi32, #tpu.memory_space<vmem>>) semaphore(%arg16 : memref<!tpu.dma_semaphore, #tpu.memory_space<semaphore_mem>>)
    %dma_wait3A_366 = arith.constant 192 : i32
    %dma_wait3A_367 = tpu.memref_slice %arg12[%dma_wait3A_366] : memref<512xi32, #tpu.memory_space<vmem>> -> memref<32xi32, #tpu.memory_space<vmem>>
    %dma_wait3A_368 = arith.constant 0 : i32
    %dma_wait3A_369 = arith.constant 0 : i32
    %dma_wait3A_370 = tpu.memref_slice %arg4[%dma_wait3A_368, %dma_wait3A_369] : memref<65536x512xf32, #tpu.memory_space<hbm>> -> memref<65536x512xf32, #tpu.memory_space<hbm>>
    tpu.wait_indirect_dma semaphore(%arg16 : memref<!tpu.dma_semaphore, #tpu.memory_space<semaphore_mem>>) src(%dma_wait3A_370 : memref<65536x512xf32, #tpu.memory_space<hbm>>) dst(%arg14 : memref<32x512xf32, #tpu.memory_space<vmem>>)
    %add3A_371 = arith.constant 192 : i32
    %add3A_372 = arith.addi %mul3A_2, %add3A_371 : i32
    "tpu.region"() ({
      %run_scoped3A = tpu.sem_alloc : memref<!tpu.dma_semaphore, #tpu.memory_space<semaphore_mem>>
      %dma_start3A_481 = arith.constant 0 : i32
      %dma_start3A_482 = tpu.memref_slice %arg10[%add3A_372, %dma_start3A_481] : memref<16384x512xf32, #tpu.memory_space<hbm>> -> memref<32x512xf32, #tpu.memory_space<hbm>>
      %dma_start3A_483 = arith.constant 0 : i32
      %dma_start3A_484 = tpu.memref_slice %arg10[%add3A_372, %dma_start3A_483] : memref<16384x512xf32, #tpu.memory_space<hbm>> -> memref<32x512xf32, #tpu.memory_space<hbm>>
      tpu.enqueue_dma source(%arg14 : memref<32x512xf32, #tpu.memory_space<vmem>>) target(%dma_start3A_484 : memref<32x512xf32, #tpu.memory_space<hbm>>) target_semaphore(%run_scoped3A : memref<!tpu.dma_semaphore, #tpu.memory_space<semaphore_mem>>)
      %dma_wait3A_485 = arith.constant 0 : i32
      %dma_wait3A_486 = tpu.memref_slice %arg10[%add3A_372, %dma_wait3A_485] : memref<16384x512xf32, #tpu.memory_space<hbm>> -> memref<32x512xf32, #tpu.memory_space<hbm>>
      %dma_wait3A_487 = arith.constant 0 : i32
      %dma_wait3A_488 = tpu.memref_slice %arg10[%add3A_372, %dma_wait3A_487] : memref<16384x512xf32, #tpu.memory_space<hbm>> -> memref<32x512xf32, #tpu.memory_space<hbm>>
      tpu.wait_dma2 semaphore(%run_scoped3A : memref<!tpu.dma_semaphore, #tpu.memory_space<semaphore_mem>>) src(%arg14 : memref<32x512xf32, #tpu.memory_space<vmem>>) dst(%dma_wait3A_488 : memref<32x512xf32, #tpu.memory_space<hbm>>)
      tpu.yield
    }) : () -> ()
    %dma_start3A_373 = arith.constant 224 : i32
    %dma_start3A_374 = tpu.memref_slice %arg12[%dma_start3A_373] : memref<512xi32, #tpu.memory_space<vmem>> -> memref<32xi32, #tpu.memory_space<vmem>>
    %dma_start3A_375 = arith.constant 0 : i32
    %dma_start3A_376 = arith.constant 0 : i32
    %dma_start3A_377 = tpu.memref_slice %arg4[%dma_start3A_375, %dma_start3A_376] : memref<65536x512xf32, #tpu.memory_space<hbm>> -> memref<65536x512xf32, #tpu.memory_space<hbm>>
    tpu.enqueue_indirect_dma source(%dma_start3A_377 : memref<65536x512xf32, #tpu.memory_space<hbm>>) target(%arg15 : memref<32x512xf32, #tpu.memory_space<vmem>>) offsets(%dma_start3A_374 : memref<32xi32, #tpu.memory_space<vmem>>) semaphore(%arg17 : memref<!tpu.dma_semaphore, #tpu.memory_space<semaphore_mem>>)
    %dma_wait3A_378 = arith.constant 224 : i32
    %dma_wait3A_379 = tpu.memref_slice %arg12[%dma_wait3A_378] : memref<512xi32, #tpu.memory_space<vmem>> -> memref<32xi32, #tpu.memory_space<vmem>>
    %dma_wait3A_380 = arith.constant 0 : i32
    %dma_wait3A_381 = arith.constant 0 : i32
    %dma_wait3A_382 = tpu.memref_slice %arg4[%dma_wait3A_380, %dma_wait3A_381] : memref<65536x512xf32, #tpu.memory_space<hbm>> -> memref<65536x512xf32, #tpu.memory_space<hbm>>
    tpu.wait_indirect_dma semaphore(%arg17 : memref<!tpu.dma_semaphore, #tpu.memory_space<semaphore_mem>>) src(%dma_wait3A_382 : memref<65536x512xf32, #tpu.memory_space<hbm>>) dst(%arg15 : memref<32x512xf32, #tpu.memory_space<vmem>>)
    %add3A_383 = arith.constant 224 : i32
    %add3A_384 = arith.addi %mul3A_2, %add3A_383 : i32
    "tpu.region"() ({
      %run_scoped3A = tpu.sem_alloc : memref<!tpu.dma_semaphore, #tpu.memory_space<semaphore_mem>>
      %dma_start3A_481 = arith.constant 0 : i32
      %dma_start3A_482 = tpu.memref_slice %arg10[%add3A_384, %dma_start3A_481] : memref<16384x512xf32, #tpu.memory_space<hbm>> -> memref<32x512xf32, #tpu.memory_space<hbm>>
      %dma_start3A_483 = arith.constant 0 : i32
      %dma_start3A_484 = tpu.memref_slice %arg10[%add3A_384, %dma_start3A_483] : memref<16384x512xf32, #tpu.memory_space<hbm>> -> memref<32x512xf32, #tpu.memory_space<hbm>>
      tpu.enqueue_dma source(%arg15 : memref<32x512xf32, #tpu.memory_space<vmem>>) target(%dma_start3A_484 : memref<32x512xf32, #tpu.memory_space<hbm>>) target_semaphore(%run_scoped3A : memref<!tpu.dma_semaphore, #tpu.memory_space<semaphore_mem>>)
      %dma_wait3A_485 = arith.constant 0 : i32
      %dma_wait3A_486 = tpu.memref_slice %arg10[%add3A_384, %dma_wait3A_485] : memref<16384x512xf32, #tpu.memory_space<hbm>> -> memref<32x512xf32, #tpu.memory_space<hbm>>
      %dma_wait3A_487 = arith.constant 0 : i32
      %dma_wait3A_488 = tpu.memref_slice %arg10[%add3A_384, %dma_wait3A_487] : memref<16384x512xf32, #tpu.memory_space<hbm>> -> memref<32x512xf32, #tpu.memory_space<hbm>>
      tpu.wait_dma2 semaphore(%run_scoped3A : memref<!tpu.dma_semaphore, #tpu.memory_space<semaphore_mem>>) src(%arg15 : memref<32x512xf32, #tpu.memory_space<vmem>>) dst(%dma_wait3A_488 : memref<32x512xf32, #tpu.memory_space<hbm>>)
      tpu.yield
    }) : () -> ()
    %dma_start3A_385 = arith.constant 256 : i32
    %dma_start3A_386 = tpu.memref_slice %arg12[%dma_start3A_385] : memref<512xi32, #tpu.memory_space<vmem>> -> memref<32xi32, #tpu.memory_space<vmem>>
    %dma_start3A_387 = arith.constant 0 : i32
    %dma_start3A_388 = arith.constant 0 : i32
    %dma_start3A_389 = tpu.memref_slice %arg4[%dma_start3A_387, %dma_start3A_388] : memref<65536x512xf32, #tpu.memory_space<hbm>> -> memref<65536x512xf32, #tpu.memory_space<hbm>>
    tpu.enqueue_indirect_dma source(%dma_start3A_389 : memref<65536x512xf32, #tpu.memory_space<hbm>>) target(%arg14 : memref<32x512xf32, #tpu.memory_space<vmem>>) offsets(%dma_start3A_386 : memref<32xi32, #tpu.memory_space<vmem>>) semaphore(%arg16 : memref<!tpu.dma_semaphore, #tpu.memory_space<semaphore_mem>>)
    %dma_wait3A_390 = arith.constant 256 : i32
    %dma_wait3A_391 = tpu.memref_slice %arg12[%dma_wait3A_390] : memref<512xi32, #tpu.memory_space<vmem>> -> memref<32xi32, #tpu.memory_space<vmem>>
    %dma_wait3A_392 = arith.constant 0 : i32
    %dma_wait3A_393 = arith.constant 0 : i32
    %dma_wait3A_394 = tpu.memref_slice %arg4[%dma_wait3A_392, %dma_wait3A_393] : memref<65536x512xf32, #tpu.memory_space<hbm>> -> memref<65536x512xf32, #tpu.memory_space<hbm>>
    tpu.wait_indirect_dma semaphore(%arg16 : memref<!tpu.dma_semaphore, #tpu.memory_space<semaphore_mem>>) src(%dma_wait3A_394 : memref<65536x512xf32, #tpu.memory_space<hbm>>) dst(%arg14 : memref<32x512xf32, #tpu.memory_space<vmem>>)
    %add3A_395 = arith.constant 256 : i32
    %add3A_396 = arith.addi %mul3A_2, %add3A_395 : i32
    "tpu.region"() ({
      %run_scoped3A = tpu.sem_alloc : memref<!tpu.dma_semaphore, #tpu.memory_space<semaphore_mem>>
      %dma_start3A_481 = arith.constant 0 : i32
      %dma_start3A_482 = tpu.memref_slice %arg10[%add3A_396, %dma_start3A_481] : memref<16384x512xf32, #tpu.memory_space<hbm>> -> memref<32x512xf32, #tpu.memory_space<hbm>>
      %dma_start3A_483 = arith.constant 0 : i32
      %dma_start3A_484 = tpu.memref_slice %arg10[%add3A_396, %dma_start3A_483] : memref<16384x512xf32, #tpu.memory_space<hbm>> -> memref<32x512xf32, #tpu.memory_space<hbm>>
      tpu.enqueue_dma source(%arg14 : memref<32x512xf32, #tpu.memory_space<vmem>>) target(%dma_start3A_484 : memref<32x512xf32, #tpu.memory_space<hbm>>) target_semaphore(%run_scoped3A : memref<!tpu.dma_semaphore, #tpu.memory_space<semaphore_mem>>)
      %dma_wait3A_485 = arith.constant 0 : i32
      %dma_wait3A_486 = tpu.memref_slice %arg10[%add3A_396, %dma_wait3A_485] : memref<16384x512xf32, #tpu.memory_space<hbm>> -> memref<32x512xf32, #tpu.memory_space<hbm>>
      %dma_wait3A_487 = arith.constant 0 : i32
      %dma_wait3A_488 = tpu.memref_slice %arg10[%add3A_396, %dma_wait3A_487] : memref<16384x512xf32, #tpu.memory_space<hbm>> -> memref<32x512xf32, #tpu.memory_space<hbm>>
      tpu.wait_dma2 semaphore(%run_scoped3A : memref<!tpu.dma_semaphore, #tpu.memory_space<semaphore_mem>>) src(%arg14 : memref<32x512xf32, #tpu.memory_space<vmem>>) dst(%dma_wait3A_488 : memref<32x512xf32, #tpu.memory_space<hbm>>)
      tpu.yield
    }) : () -> ()
    %dma_start3A_397 = arith.constant 288 : i32
    %dma_start3A_398 = tpu.memref_slice %arg12[%dma_start3A_397] : memref<512xi32, #tpu.memory_space<vmem>> -> memref<32xi32, #tpu.memory_space<vmem>>
    %dma_start3A_399 = arith.constant 0 : i32
    %dma_start3A_400 = arith.constant 0 : i32
    %dma_start3A_401 = tpu.memref_slice %arg4[%dma_start3A_399, %dma_start3A_400] : memref<65536x512xf32, #tpu.memory_space<hbm>> -> memref<65536x512xf32, #tpu.memory_space<hbm>>
    tpu.enqueue_indirect_dma source(%dma_start3A_401 : memref<65536x512xf32, #tpu.memory_space<hbm>>) target(%arg15 : memref<32x512xf32, #tpu.memory_space<vmem>>) offsets(%dma_start3A_398 : memref<32xi32, #tpu.memory_space<vmem>>) semaphore(%arg17 : memref<!tpu.dma_semaphore, #tpu.memory_space<semaphore_mem>>)
    %dma_wait3A_402 = arith.constant 288 : i32
    %dma_wait3A_403 = tpu.memref_slice %arg12[%dma_wait3A_402] : memref<512xi32, #tpu.memory_space<vmem>> -> memref<32xi32, #tpu.memory_space<vmem>>
    %dma_wait3A_404 = arith.constant 0 : i32
    %dma_wait3A_405 = arith.constant 0 : i32
    %dma_wait3A_406 = tpu.memref_slice %arg4[%dma_wait3A_404, %dma_wait3A_405] : memref<65536x512xf32, #tpu.memory_space<hbm>> -> memref<65536x512xf32, #tpu.memory_space<hbm>>
    tpu.wait_indirect_dma semaphore(%arg17 : memref<!tpu.dma_semaphore, #tpu.memory_space<semaphore_mem>>) src(%dma_wait3A_406 : memref<65536x512xf32, #tpu.memory_space<hbm>>) dst(%arg15 : memref<32x512xf32, #tpu.memory_space<vmem>>)
    %add3A_407 = arith.constant 288 : i32
    %add3A_408 = arith.addi %mul3A_2, %add3A_407 : i32
    "tpu.region"() ({
      %run_scoped3A = tpu.sem_alloc : memref<!tpu.dma_semaphore, #tpu.memory_space<semaphore_mem>>
      %dma_start3A_481 = arith.constant 0 : i32
      %dma_start3A_482 = tpu.memref_slice %arg10[%add3A_408, %dma_start3A_481] : memref<16384x512xf32, #tpu.memory_space<hbm>> -> memref<32x512xf32, #tpu.memory_space<hbm>>
      %dma_start3A_483 = arith.constant 0 : i32
      %dma_start3A_484 = tpu.memref_slice %arg10[%add3A_408, %dma_start3A_483] : memref<16384x512xf32, #tpu.memory_space<hbm>> -> memref<32x512xf32, #tpu.memory_space<hbm>>
      tpu.enqueue_dma source(%arg15 : memref<32x512xf32, #tpu.memory_space<vmem>>) target(%dma_start3A_484 : memref<32x512xf32, #tpu.memory_space<hbm>>) target_semaphore(%run_scoped3A : memref<!tpu.dma_semaphore, #tpu.memory_space<semaphore_mem>>)
      %dma_wait3A_485 = arith.constant 0 : i32
      %dma_wait3A_486 = tpu.memref_slice %arg10[%add3A_408, %dma_wait3A_485] : memref<16384x512xf32, #tpu.memory_space<hbm>> -> memref<32x512xf32, #tpu.memory_space<hbm>>
      %dma_wait3A_487 = arith.constant 0 : i32
      %dma_wait3A_488 = tpu.memref_slice %arg10[%add3A_408, %dma_wait3A_487] : memref<16384x512xf32, #tpu.memory_space<hbm>> -> memref<32x512xf32, #tpu.memory_space<hbm>>
      tpu.wait_dma2 semaphore(%run_scoped3A : memref<!tpu.dma_semaphore, #tpu.memory_space<semaphore_mem>>) src(%arg15 : memref<32x512xf32, #tpu.memory_space<vmem>>) dst(%dma_wait3A_488 : memref<32x512xf32, #tpu.memory_space<hbm>>)
      tpu.yield
    }) : () -> ()
    %dma_start3A_409 = arith.constant 320 : i32
    %dma_start3A_410 = tpu.memref_slice %arg12[%dma_start3A_409] : memref<512xi32, #tpu.memory_space<vmem>> -> memref<32xi32, #tpu.memory_space<vmem>>
    %dma_start3A_411 = arith.constant 0 : i32
    %dma_start3A_412 = arith.constant 0 : i32
    %dma_start3A_413 = tpu.memref_slice %arg4[%dma_start3A_411, %dma_start3A_412] : memref<65536x512xf32, #tpu.memory_space<hbm>> -> memref<65536x512xf32, #tpu.memory_space<hbm>>
    tpu.enqueue_indirect_dma source(%dma_start3A_413 : memref<65536x512xf32, #tpu.memory_space<hbm>>) target(%arg14 : memref<32x512xf32, #tpu.memory_space<vmem>>) offsets(%dma_start3A_410 : memref<32xi32, #tpu.memory_space<vmem>>) semaphore(%arg16 : memref<!tpu.dma_semaphore, #tpu.memory_space<semaphore_mem>>)
    %dma_wait3A_414 = arith.constant 320 : i32
    %dma_wait3A_415 = tpu.memref_slice %arg12[%dma_wait3A_414] : memref<512xi32, #tpu.memory_space<vmem>> -> memref<32xi32, #tpu.memory_space<vmem>>
    %dma_wait3A_416 = arith.constant 0 : i32
    %dma_wait3A_417 = arith.constant 0 : i32
    %dma_wait3A_418 = tpu.memref_slice %arg4[%dma_wait3A_416, %dma_wait3A_417] : memref<65536x512xf32, #tpu.memory_space<hbm>> -> memref<65536x512xf32, #tpu.memory_space<hbm>>
    tpu.wait_indirect_dma semaphore(%arg16 : memref<!tpu.dma_semaphore, #tpu.memory_space<semaphore_mem>>) src(%dma_wait3A_418 : memref<65536x512xf32, #tpu.memory_space<hbm>>) dst(%arg14 : memref<32x512xf32, #tpu.memory_space<vmem>>)
    %add3A_419 = arith.constant 320 : i32
    %add3A_420 = arith.addi %mul3A_2, %add3A_419 : i32
    "tpu.region"() ({
      %run_scoped3A = tpu.sem_alloc : memref<!tpu.dma_semaphore, #tpu.memory_space<semaphore_mem>>
      %dma_start3A_481 = arith.constant 0 : i32
      %dma_start3A_482 = tpu.memref_slice %arg10[%add3A_420, %dma_start3A_481] : memref<16384x512xf32, #tpu.memory_space<hbm>> -> memref<32x512xf32, #tpu.memory_space<hbm>>
      %dma_start3A_483 = arith.constant 0 : i32
      %dma_start3A_484 = tpu.memref_slice %arg10[%add3A_420, %dma_start3A_483] : memref<16384x512xf32, #tpu.memory_space<hbm>> -> memref<32x512xf32, #tpu.memory_space<hbm>>
      tpu.enqueue_dma source(%arg14 : memref<32x512xf32, #tpu.memory_space<vmem>>) target(%dma_start3A_484 : memref<32x512xf32, #tpu.memory_space<hbm>>) target_semaphore(%run_scoped3A : memref<!tpu.dma_semaphore, #tpu.memory_space<semaphore_mem>>)
      %dma_wait3A_485 = arith.constant 0 : i32
      %dma_wait3A_486 = tpu.memref_slice %arg10[%add3A_420, %dma_wait3A_485] : memref<16384x512xf32, #tpu.memory_space<hbm>> -> memref<32x512xf32, #tpu.memory_space<hbm>>
      %dma_wait3A_487 = arith.constant 0 : i32
      %dma_wait3A_488 = tpu.memref_slice %arg10[%add3A_420, %dma_wait3A_487] : memref<16384x512xf32, #tpu.memory_space<hbm>> -> memref<32x512xf32, #tpu.memory_space<hbm>>
      tpu.wait_dma2 semaphore(%run_scoped3A : memref<!tpu.dma_semaphore, #tpu.memory_space<semaphore_mem>>) src(%arg14 : memref<32x512xf32, #tpu.memory_space<vmem>>) dst(%dma_wait3A_488 : memref<32x512xf32, #tpu.memory_space<hbm>>)
      tpu.yield
    }) : () -> ()
    %dma_start3A_421 = arith.constant 352 : i32
    %dma_start3A_422 = tpu.memref_slice %arg12[%dma_start3A_421] : memref<512xi32, #tpu.memory_space<vmem>> -> memref<32xi32, #tpu.memory_space<vmem>>
    %dma_start3A_423 = arith.constant 0 : i32
    %dma_start3A_424 = arith.constant 0 : i32
    %dma_start3A_425 = tpu.memref_slice %arg4[%dma_start3A_423, %dma_start3A_424] : memref<65536x512xf32, #tpu.memory_space<hbm>> -> memref<65536x512xf32, #tpu.memory_space<hbm>>
    tpu.enqueue_indirect_dma source(%dma_start3A_425 : memref<65536x512xf32, #tpu.memory_space<hbm>>) target(%arg15 : memref<32x512xf32, #tpu.memory_space<vmem>>) offsets(%dma_start3A_422 : memref<32xi32, #tpu.memory_space<vmem>>) semaphore(%arg17 : memref<!tpu.dma_semaphore, #tpu.memory_space<semaphore_mem>>)
    %dma_wait3A_426 = arith.constant 352 : i32
    %dma_wait3A_427 = tpu.memref_slice %arg12[%dma_wait3A_426] : memref<512xi32, #tpu.memory_space<vmem>> -> memref<32xi32, #tpu.memory_space<vmem>>
    %dma_wait3A_428 = arith.constant 0 : i32
    %dma_wait3A_429 = arith.constant 0 : i32
    %dma_wait3A_430 = tpu.memref_slice %arg4[%dma_wait3A_428, %dma_wait3A_429] : memref<65536x512xf32, #tpu.memory_space<hbm>> -> memref<65536x512xf32, #tpu.memory_space<hbm>>
    tpu.wait_indirect_dma semaphore(%arg17 : memref<!tpu.dma_semaphore, #tpu.memory_space<semaphore_mem>>) src(%dma_wait3A_430 : memref<65536x512xf32, #tpu.memory_space<hbm>>) dst(%arg15 : memref<32x512xf32, #tpu.memory_space<vmem>>)
    %add3A_431 = arith.constant 352 : i32
    %add3A_432 = arith.addi %mul3A_2, %add3A_431 : i32
    "tpu.region"() ({
      %run_scoped3A = tpu.sem_alloc : memref<!tpu.dma_semaphore, #tpu.memory_space<semaphore_mem>>
      %dma_start3A_481 = arith.constant 0 : i32
      %dma_start3A_482 = tpu.memref_slice %arg10[%add3A_432, %dma_start3A_481] : memref<16384x512xf32, #tpu.memory_space<hbm>> -> memref<32x512xf32, #tpu.memory_space<hbm>>
      %dma_start3A_483 = arith.constant 0 : i32
      %dma_start3A_484 = tpu.memref_slice %arg10[%add3A_432, %dma_start3A_483] : memref<16384x512xf32, #tpu.memory_space<hbm>> -> memref<32x512xf32, #tpu.memory_space<hbm>>
      tpu.enqueue_dma source(%arg15 : memref<32x512xf32, #tpu.memory_space<vmem>>) target(%dma_start3A_484 : memref<32x512xf32, #tpu.memory_space<hbm>>) target_semaphore(%run_scoped3A : memref<!tpu.dma_semaphore, #tpu.memory_space<semaphore_mem>>)
      %dma_wait3A_485 = arith.constant 0 : i32
      %dma_wait3A_486 = tpu.memref_slice %arg10[%add3A_432, %dma_wait3A_485] : memref<16384x512xf32, #tpu.memory_space<hbm>> -> memref<32x512xf32, #tpu.memory_space<hbm>>
      %dma_wait3A_487 = arith.constant 0 : i32
      %dma_wait3A_488 = tpu.memref_slice %arg10[%add3A_432, %dma_wait3A_487] : memref<16384x512xf32, #tpu.memory_space<hbm>> -> memref<32x512xf32, #tpu.memory_space<hbm>>
      tpu.wait_dma2 semaphore(%run_scoped3A : memref<!tpu.dma_semaphore, #tpu.memory_space<semaphore_mem>>) src(%arg15 : memref<32x512xf32, #tpu.memory_space<vmem>>) dst(%dma_wait3A_488 : memref<32x512xf32, #tpu.memory_space<hbm>>)
      tpu.yield
    }) : () -> ()
    %dma_start3A_433 = arith.constant 384 : i32
    %dma_start3A_434 = tpu.memref_slice %arg12[%dma_start3A_433] : memref<512xi32, #tpu.memory_space<vmem>> -> memref<32xi32, #tpu.memory_space<vmem>>
    %dma_start3A_435 = arith.constant 0 : i32
    %dma_start3A_436 = arith.constant 0 : i32
    %dma_start3A_437 = tpu.memref_slice %arg4[%dma_start3A_435, %dma_start3A_436] : memref<65536x512xf32, #tpu.memory_space<hbm>> -> memref<65536x512xf32, #tpu.memory_space<hbm>>
    tpu.enqueue_indirect_dma source(%dma_start3A_437 : memref<65536x512xf32, #tpu.memory_space<hbm>>) target(%arg14 : memref<32x512xf32, #tpu.memory_space<vmem>>) offsets(%dma_start3A_434 : memref<32xi32, #tpu.memory_space<vmem>>) semaphore(%arg16 : memref<!tpu.dma_semaphore, #tpu.memory_space<semaphore_mem>>)
    %dma_wait3A_438 = arith.constant 384 : i32
    %dma_wait3A_439 = tpu.memref_slice %arg12[%dma_wait3A_438] : memref<512xi32, #tpu.memory_space<vmem>> -> memref<32xi32, #tpu.memory_space<vmem>>
    %dma_wait3A_440 = arith.constant 0 : i32
    %dma_wait3A_441 = arith.constant 0 : i32
    %dma_wait3A_442 = tpu.memref_slice %arg4[%dma_wait3A_440, %dma_wait3A_441] : memref<65536x512xf32, #tpu.memory_space<hbm>> -> memref<65536x512xf32, #tpu.memory_space<hbm>>
    tpu.wait_indirect_dma semaphore(%arg16 : memref<!tpu.dma_semaphore, #tpu.memory_space<semaphore_mem>>) src(%dma_wait3A_442 : memref<65536x512xf32, #tpu.memory_space<hbm>>) dst(%arg14 : memref<32x512xf32, #tpu.memory_space<vmem>>)
    %add3A_443 = arith.constant 384 : i32
    %add3A_444 = arith.addi %mul3A_2, %add3A_443 : i32
    "tpu.region"() ({
      %run_scoped3A = tpu.sem_alloc : memref<!tpu.dma_semaphore, #tpu.memory_space<semaphore_mem>>
      %dma_start3A_481 = arith.constant 0 : i32
      %dma_start3A_482 = tpu.memref_slice %arg10[%add3A_444, %dma_start3A_481] : memref<16384x512xf32, #tpu.memory_space<hbm>> -> memref<32x512xf32, #tpu.memory_space<hbm>>
      %dma_start3A_483 = arith.constant 0 : i32
      %dma_start3A_484 = tpu.memref_slice %arg10[%add3A_444, %dma_start3A_483] : memref<16384x512xf32, #tpu.memory_space<hbm>> -> memref<32x512xf32, #tpu.memory_space<hbm>>
      tpu.enqueue_dma source(%arg14 : memref<32x512xf32, #tpu.memory_space<vmem>>) target(%dma_start3A_484 : memref<32x512xf32, #tpu.memory_space<hbm>>) target_semaphore(%run_scoped3A : memref<!tpu.dma_semaphore, #tpu.memory_space<semaphore_mem>>)
      %dma_wait3A_485 = arith.constant 0 : i32
      %dma_wait3A_486 = tpu.memref_slice %arg10[%add3A_444, %dma_wait3A_485] : memref<16384x512xf32, #tpu.memory_space<hbm>> -> memref<32x512xf32, #tpu.memory_space<hbm>>
      %dma_wait3A_487 = arith.constant 0 : i32
      %dma_wait3A_488 = tpu.memref_slice %arg10[%add3A_444, %dma_wait3A_487] : memref<16384x512xf32, #tpu.memory_space<hbm>> -> memref<32x512xf32, #tpu.memory_space<hbm>>
      tpu.wait_dma2 semaphore(%run_scoped3A : memref<!tpu.dma_semaphore, #tpu.memory_space<semaphore_mem>>) src(%arg14 : memref<32x512xf32, #tpu.memory_space<vmem>>) dst(%dma_wait3A_488 : memref<32x512xf32, #tpu.memory_space<hbm>>)
      tpu.yield
    }) : () -> ()
    %dma_start3A_445 = arith.constant 416 : i32
    %dma_start3A_446 = tpu.memref_slice %arg12[%dma_start3A_445] : memref<512xi32, #tpu.memory_space<vmem>> -> memref<32xi32, #tpu.memory_space<vmem>>
    %dma_start3A_447 = arith.constant 0 : i32
    %dma_start3A_448 = arith.constant 0 : i32
    %dma_start3A_449 = tpu.memref_slice %arg4[%dma_start3A_447, %dma_start3A_448] : memref<65536x512xf32, #tpu.memory_space<hbm>> -> memref<65536x512xf32, #tpu.memory_space<hbm>>
    tpu.enqueue_indirect_dma source(%dma_start3A_449 : memref<65536x512xf32, #tpu.memory_space<hbm>>) target(%arg15 : memref<32x512xf32, #tpu.memory_space<vmem>>) offsets(%dma_start3A_446 : memref<32xi32, #tpu.memory_space<vmem>>) semaphore(%arg17 : memref<!tpu.dma_semaphore, #tpu.memory_space<semaphore_mem>>)
    %dma_wait3A_450 = arith.constant 416 : i32
    %dma_wait3A_451 = tpu.memref_slice %arg12[%dma_wait3A_450] : memref<512xi32, #tpu.memory_space<vmem>> -> memref<32xi32, #tpu.memory_space<vmem>>
    %dma_wait3A_452 = arith.constant 0 : i32
    %dma_wait3A_453 = arith.constant 0 : i32
    %dma_wait3A_454 = tpu.memref_slice %arg4[%dma_wait3A_452, %dma_wait3A_453] : memref<65536x512xf32, #tpu.memory_space<hbm>> -> memref<65536x512xf32, #tpu.memory_space<hbm>>
    tpu.wait_indirect_dma semaphore(%arg17 : memref<!tpu.dma_semaphore, #tpu.memory_space<semaphore_mem>>) src(%dma_wait3A_454 : memref<65536x512xf32, #tpu.memory_space<hbm>>) dst(%arg15 : memref<32x512xf32, #tpu.memory_space<vmem>>)
    %add3A_455 = arith.constant 416 : i32
    %add3A_456 = arith.addi %mul3A_2, %add3A_455 : i32
    "tpu.region"() ({
      %run_scoped3A = tpu.sem_alloc : memref<!tpu.dma_semaphore, #tpu.memory_space<semaphore_mem>>
      %dma_start3A_481 = arith.constant 0 : i32
      %dma_start3A_482 = tpu.memref_slice %arg10[%add3A_456, %dma_start3A_481] : memref<16384x512xf32, #tpu.memory_space<hbm>> -> memref<32x512xf32, #tpu.memory_space<hbm>>
      %dma_start3A_483 = arith.constant 0 : i32
      %dma_start3A_484 = tpu.memref_slice %arg10[%add3A_456, %dma_start3A_483] : memref<16384x512xf32, #tpu.memory_space<hbm>> -> memref<32x512xf32, #tpu.memory_space<hbm>>
      tpu.enqueue_dma source(%arg15 : memref<32x512xf32, #tpu.memory_space<vmem>>) target(%dma_start3A_484 : memref<32x512xf32, #tpu.memory_space<hbm>>) target_semaphore(%run_scoped3A : memref<!tpu.dma_semaphore, #tpu.memory_space<semaphore_mem>>)
      %dma_wait3A_485 = arith.constant 0 : i32
      %dma_wait3A_486 = tpu.memref_slice %arg10[%add3A_456, %dma_wait3A_485] : memref<16384x512xf32, #tpu.memory_space<hbm>> -> memref<32x512xf32, #tpu.memory_space<hbm>>
      %dma_wait3A_487 = arith.constant 0 : i32
      %dma_wait3A_488 = tpu.memref_slice %arg10[%add3A_456, %dma_wait3A_487] : memref<16384x512xf32, #tpu.memory_space<hbm>> -> memref<32x512xf32, #tpu.memory_space<hbm>>
      tpu.wait_dma2 semaphore(%run_scoped3A : memref<!tpu.dma_semaphore, #tpu.memory_space<semaphore_mem>>) src(%arg15 : memref<32x512xf32, #tpu.memory_space<vmem>>) dst(%dma_wait3A_488 : memref<32x512xf32, #tpu.memory_space<hbm>>)
      tpu.yield
    }) : () -> ()
    %dma_start3A_457 = arith.constant 448 : i32
    %dma_start3A_458 = tpu.memref_slice %arg12[%dma_start3A_457] : memref<512xi32, #tpu.memory_space<vmem>> -> memref<32xi32, #tpu.memory_space<vmem>>
    %dma_start3A_459 = arith.constant 0 : i32
    %dma_start3A_460 = arith.constant 0 : i32
    %dma_start3A_461 = tpu.memref_slice %arg4[%dma_start3A_459, %dma_start3A_460] : memref<65536x512xf32, #tpu.memory_space<hbm>> -> memref<65536x512xf32, #tpu.memory_space<hbm>>
    tpu.enqueue_indirect_dma source(%dma_start3A_461 : memref<65536x512xf32, #tpu.memory_space<hbm>>) target(%arg14 : memref<32x512xf32, #tpu.memory_space<vmem>>) offsets(%dma_start3A_458 : memref<32xi32, #tpu.memory_space<vmem>>) semaphore(%arg16 : memref<!tpu.dma_semaphore, #tpu.memory_space<semaphore_mem>>)
    %dma_wait3A_462 = arith.constant 448 : i32
    %dma_wait3A_463 = tpu.memref_slice %arg12[%dma_wait3A_462] : memref<512xi32, #tpu.memory_space<vmem>> -> memref<32xi32, #tpu.memory_space<vmem>>
    %dma_wait3A_464 = arith.constant 0 : i32
    %dma_wait3A_465 = arith.constant 0 : i32
    %dma_wait3A_466 = tpu.memref_slice %arg4[%dma_wait3A_464, %dma_wait3A_465] : memref<65536x512xf32, #tpu.memory_space<hbm>> -> memref<65536x512xf32, #tpu.memory_space<hbm>>
    tpu.wait_indirect_dma semaphore(%arg16 : memref<!tpu.dma_semaphore, #tpu.memory_space<semaphore_mem>>) src(%dma_wait3A_466 : memref<65536x512xf32, #tpu.memory_space<hbm>>) dst(%arg14 : memref<32x512xf32, #tpu.memory_space<vmem>>)
    %add3A_467 = arith.constant 448 : i32
    %add3A_468 = arith.addi %mul3A_2, %add3A_467 : i32
    "tpu.region"() ({
      %run_scoped3A = tpu.sem_alloc : memref<!tpu.dma_semaphore, #tpu.memory_space<semaphore_mem>>
      %dma_start3A_481 = arith.constant 0 : i32
      %dma_start3A_482 = tpu.memref_slice %arg10[%add3A_468, %dma_start3A_481] : memref<16384x512xf32, #tpu.memory_space<hbm>> -> memref<32x512xf32, #tpu.memory_space<hbm>>
      %dma_start3A_483 = arith.constant 0 : i32
      %dma_start3A_484 = tpu.memref_slice %arg10[%add3A_468, %dma_start3A_483] : memref<16384x512xf32, #tpu.memory_space<hbm>> -> memref<32x512xf32, #tpu.memory_space<hbm>>
      tpu.enqueue_dma source(%arg14 : memref<32x512xf32, #tpu.memory_space<vmem>>) target(%dma_start3A_484 : memref<32x512xf32, #tpu.memory_space<hbm>>) target_semaphore(%run_scoped3A : memref<!tpu.dma_semaphore, #tpu.memory_space<semaphore_mem>>)
      %dma_wait3A_485 = arith.constant 0 : i32
      %dma_wait3A_486 = tpu.memref_slice %arg10[%add3A_468, %dma_wait3A_485] : memref<16384x512xf32, #tpu.memory_space<hbm>> -> memref<32x512xf32, #tpu.memory_space<hbm>>
      %dma_wait3A_487 = arith.constant 0 : i32
      %dma_wait3A_488 = tpu.memref_slice %arg10[%add3A_468, %dma_wait3A_487] : memref<16384x512xf32, #tpu.memory_space<hbm>> -> memref<32x512xf32, #tpu.memory_space<hbm>>
      tpu.wait_dma2 semaphore(%run_scoped3A : memref<!tpu.dma_semaphore, #tpu.memory_space<semaphore_mem>>) src(%arg14 : memref<32x512xf32, #tpu.memory_space<vmem>>) dst(%dma_wait3A_488 : memref<32x512xf32, #tpu.memory_space<hbm>>)
      tpu.yield
    }) : () -> ()
    %dma_start3A_469 = arith.constant 480 : i32
    %dma_start3A_470 = tpu.memref_slice %arg12[%dma_start3A_469] : memref<512xi32, #tpu.memory_space<vmem>> -> memref<32xi32, #tpu.memory_space<vmem>>
    %dma_start3A_471 = arith.constant 0 : i32
    %dma_start3A_472 = arith.constant 0 : i32
    %dma_start3A_473 = tpu.memref_slice %arg4[%dma_start3A_471, %dma_start3A_472] : memref<65536x512xf32, #tpu.memory_space<hbm>> -> memref<65536x512xf32, #tpu.memory_space<hbm>>
    tpu.enqueue_indirect_dma source(%dma_start3A_473 : memref<65536x512xf32, #tpu.memory_space<hbm>>) target(%arg15 : memref<32x512xf32, #tpu.memory_space<vmem>>) offsets(%dma_start3A_470 : memref<32xi32, #tpu.memory_space<vmem>>) semaphore(%arg17 : memref<!tpu.dma_semaphore, #tpu.memory_space<semaphore_mem>>)
    %dma_wait3A_474 = arith.constant 480 : i32
    %dma_wait3A_475 = tpu.memref_slice %arg12[%dma_wait3A_474] : memref<512xi32, #tpu.memory_space<vmem>> -> memref<32xi32, #tpu.memory_space<vmem>>
    %dma_wait3A_476 = arith.constant 0 : i32
    %dma_wait3A_477 = arith.constant 0 : i32
    %dma_wait3A_478 = tpu.memref_slice %arg4[%dma_wait3A_476, %dma_wait3A_477] : memref<65536x512xf32, #tpu.memory_space<hbm>> -> memref<65536x512xf32, #tpu.memory_space<hbm>>
    tpu.wait_indirect_dma semaphore(%arg17 : memref<!tpu.dma_semaphore, #tpu.memory_space<semaphore_mem>>) src(%dma_wait3A_478 : memref<65536x512xf32, #tpu.memory_space<hbm>>) dst(%arg15 : memref<32x512xf32, #tpu.memory_space<vmem>>)
    %add3A_479 = arith.constant 480 : i32
    %add3A_480 = arith.addi %mul3A_2, %add3A_479 : i32
    "tpu.region"() ({
      %run_scoped3A = tpu.sem_alloc : memref<!tpu.dma_semaphore, #tpu.memory_space<semaphore_mem>>
      %dma_start3A_481 = arith.constant 0 : i32
      %dma_start3A_482 = tpu.memref_slice %arg10[%add3A_480, %dma_start3A_481] : memref<16384x512xf32, #tpu.memory_space<hbm>> -> memref<32x512xf32, #tpu.memory_space<hbm>>
      %dma_start3A_483 = arith.constant 0 : i32
      %dma_start3A_484 = tpu.memref_slice %arg10[%add3A_480, %dma_start3A_483] : memref<16384x512xf32, #tpu.memory_space<hbm>> -> memref<32x512xf32, #tpu.memory_space<hbm>>
      tpu.enqueue_dma source(%arg15 : memref<32x512xf32, #tpu.memory_space<vmem>>) target(%dma_start3A_484 : memref<32x512xf32, #tpu.memory_space<hbm>>) target_semaphore(%run_scoped3A : memref<!tpu.dma_semaphore, #tpu.memory_space<semaphore_mem>>)
      %dma_wait3A_485 = arith.constant 0 : i32
      %dma_wait3A_486 = tpu.memref_slice %arg10[%add3A_480, %dma_wait3A_485] : memref<16384x512xf32, #tpu.memory_space<hbm>> -> memref<32x512xf32, #tpu.memory_space<hbm>>
      %dma_wait3A_487 = arith.constant 0 : i32
      %dma_wait3A_488 = tpu.memref_slice %arg10[%add3A_480, %dma_wait3A_487] : memref<16384x512xf32, #tpu.memory_space<hbm>> -> memref<32x512xf32, #tpu.memory_space<hbm>>
      tpu.wait_dma2 semaphore(%run_scoped3A : memref<!tpu.dma_semaphore, #tpu.memory_space<semaphore_mem>>) src(%arg15 : memref<32x512xf32, #tpu.memory_space<vmem>>) dst(%dma_wait3A_488 : memref<32x512xf32, #tpu.memory_space<hbm>>)
      tpu.yield
    }) : () -> ()
    return
  }
}

module attributes {stable_mosaic.version = 14 : i64} {
  func.func @_norm_body(%arg0: i32, %arg1: i32, %arg2: memref<1x2048x512xf32, #tpu.memory_space<vmem>>, %arg3: memref<1x2048x512xf32, #tpu.memory_space<vmem>>, %arg4: memref<1x1x2048xf32, #tpu.memory_space<vmem>>, %arg5: memref<1x1x2048xf32, #tpu.memory_space<vmem>>) attributes {dimension_semantics = [#tpu.dimension_semantics<arbitrary>, #tpu.dimension_semantics<arbitrary>], iteration_bounds = array<i64: 8, 4>, scalar_prefetch = 0 : i64, scratch_operands = 0 : i64, tpu.core_type = #tpu.core_type<tc>, window_params = [{transform_indices = @transform_0, window_bounds = array<i64: 1, 2048, 512>}, {transform_indices = @transform_1, window_bounds = array<i64: 1, 2048, 512>}, {transform_indices = @transform_2, window_bounds = array<i64: 1, 1, 2048>}, {transform_indices = @transform_3, window_bounds = array<i64: 1, 1, 2048>}]} {
    %get3A = arith.constant 0 : index
    %get3A_0 = arith.constant 0 : index
    %get3A_1 = arith.constant 0 : index
    %get3A_2 = vector.load %arg2[%get3A, %get3A_0, %get3A_1] : memref<1x2048x512xf32, #tpu.memory_space<vmem>>, vector<1x2048x512xf32>
    %get3A_3 = vector.shape_cast %get3A_2 : vector<1x2048x512xf32> to vector<2048x512xf32>
    %get3A_4 = arith.constant 0 : index
    %get3A_5 = arith.constant 0 : index
    %get3A_6 = arith.constant 0 : index
    %get3A_7 = vector.load %arg3[%get3A_4, %get3A_5, %get3A_6] : memref<1x2048x512xf32, #tpu.memory_space<vmem>>, vector<1x2048x512xf32>
    %get3A_8 = vector.shape_cast %get3A_7 : vector<1x2048x512xf32> to vector<2048x512xf32>
    %slice3A = vector.extract_strided_slice %get3A_3 {offsets = [0, 0], sizes = [2048, 128], strides = [1, 1]} : vector<2048x512xf32> to vector<2048x128xf32>
    %slice3A_9 = vector.extract_strided_slice %get3A_3 {offsets = [0, 0], sizes = [2048, 128], strides = [1, 1]} : vector<2048x512xf32> to vector<2048x128xf32>
    %mul3A = arith.mulf %slice3A, %slice3A_9 : vector<2048x128xf32>
    %slice3A_10 = vector.extract_strided_slice %get3A_3 {offsets = [0, 128], sizes = [2048, 128], strides = [1, 1]} : vector<2048x512xf32> to vector<2048x128xf32>
    %mul3A_11 = arith.mulf %slice3A_10, %slice3A_10 : vector<2048x128xf32>
    %add3A = arith.addf %mul3A, %mul3A_11 : vector<2048x128xf32>
    %slice3A_12 = vector.extract_strided_slice %get3A_3 {offsets = [0, 256], sizes = [2048, 128], strides = [1, 1]} : vector<2048x512xf32> to vector<2048x128xf32>
    %mul3A_13 = arith.mulf %slice3A_12, %slice3A_12 : vector<2048x128xf32>
    %add3A_14 = arith.addf %add3A, %mul3A_13 : vector<2048x128xf32>
    %slice3A_15 = vector.extract_strided_slice %get3A_3 {offsets = [0, 384], sizes = [2048, 128], strides = [1, 1]} : vector<2048x512xf32> to vector<2048x128xf32>
    %mul3A_16 = arith.mulf %slice3A_15, %slice3A_15 : vector<2048x128xf32>
    %add3A_17 = arith.addf %add3A_14, %mul3A_16 : vector<2048x128xf32>
    %transpose3A = tpu.transpose %add3A_17, [1, 0] : vector<2048x128xf32> -> vector<128x2048xf32>
    %slice3A_18 = vector.extract_strided_slice %transpose3A {offsets = [0, 0], sizes = [8, 2048], strides = [1, 1]} : vector<128x2048xf32> to vector<8x2048xf32>
    %slice3A_19 = vector.extract_strided_slice %transpose3A {offsets = [8, 0], sizes = [8, 2048], strides = [1, 1]} : vector<128x2048xf32> to vector<8x2048xf32>
    %add3A_20 = arith.addf %slice3A_18, %slice3A_19 : vector<8x2048xf32>
    %slice3A_21 = vector.extract_strided_slice %transpose3A {offsets = [16, 0], sizes = [8, 2048], strides = [1, 1]} : vector<128x2048xf32> to vector<8x2048xf32>
    %add3A_22 = arith.addf %add3A_20, %slice3A_21 : vector<8x2048xf32>
    %slice3A_23 = vector.extract_strided_slice %transpose3A {offsets = [24, 0], sizes = [8, 2048], strides = [1, 1]} : vector<128x2048xf32> to vector<8x2048xf32>
    %add3A_24 = arith.addf %add3A_22, %slice3A_23 : vector<8x2048xf32>
    %slice3A_25 = vector.extract_strided_slice %transpose3A {offsets = [32, 0], sizes = [8, 2048], strides = [1, 1]} : vector<128x2048xf32> to vector<8x2048xf32>
    %add3A_26 = arith.addf %add3A_24, %slice3A_25 : vector<8x2048xf32>
    %slice3A_27 = vector.extract_strided_slice %transpose3A {offsets = [40, 0], sizes = [8, 2048], strides = [1, 1]} : vector<128x2048xf32> to vector<8x2048xf32>
    %add3A_28 = arith.addf %add3A_26, %slice3A_27 : vector<8x2048xf32>
    %slice3A_29 = vector.extract_strided_slice %transpose3A {offsets = [48, 0], sizes = [8, 2048], strides = [1, 1]} : vector<128x2048xf32> to vector<8x2048xf32>
    %add3A_30 = arith.addf %add3A_28, %slice3A_29 : vector<8x2048xf32>
    %slice3A_31 = vector.extract_strided_slice %transpose3A {offsets = [56, 0], sizes = [8, 2048], strides = [1, 1]} : vector<128x2048xf32> to vector<8x2048xf32>
    %add3A_32 = arith.addf %add3A_30, %slice3A_31 : vector<8x2048xf32>
    %slice3A_33 = vector.extract_strided_slice %transpose3A {offsets = [64, 0], sizes = [8, 2048], strides = [1, 1]} : vector<128x2048xf32> to vector<8x2048xf32>
    %add3A_34 = arith.addf %add3A_32, %slice3A_33 : vector<8x2048xf32>
    %slice3A_35 = vector.extract_strided_slice %transpose3A {offsets = [72, 0], sizes = [8, 2048], strides = [1, 1]} : vector<128x2048xf32> to vector<8x2048xf32>
    %add3A_36 = arith.addf %add3A_34, %slice3A_35 : vector<8x2048xf32>
    %slice3A_37 = vector.extract_strided_slice %transpose3A {offsets = [80, 0], sizes = [8, 2048], strides = [1, 1]} : vector<128x2048xf32> to vector<8x2048xf32>
    %add3A_38 = arith.addf %add3A_36, %slice3A_37 : vector<8x2048xf32>
    %slice3A_39 = vector.extract_strided_slice %transpose3A {offsets = [88, 0], sizes = [8, 2048], strides = [1, 1]} : vector<128x2048xf32> to vector<8x2048xf32>
    %add3A_40 = arith.addf %add3A_38, %slice3A_39 : vector<8x2048xf32>
    %slice3A_41 = vector.extract_strided_slice %transpose3A {offsets = [96, 0], sizes = [8, 2048], strides = [1, 1]} : vector<128x2048xf32> to vector<8x2048xf32>
    %add3A_42 = arith.addf %add3A_40, %slice3A_41 : vector<8x2048xf32>
    %slice3A_43 = vector.extract_strided_slice %transpose3A {offsets = [104, 0], sizes = [8, 2048], strides = [1, 1]} : vector<128x2048xf32> to vector<8x2048xf32>
    %add3A_44 = arith.addf %add3A_42, %slice3A_43 : vector<8x2048xf32>
    %slice3A_45 = vector.extract_strided_slice %transpose3A {offsets = [112, 0], sizes = [8, 2048], strides = [1, 1]} : vector<128x2048xf32> to vector<8x2048xf32>
    %add3A_46 = arith.addf %add3A_44, %slice3A_45 : vector<8x2048xf32>
    %slice3A_47 = vector.extract_strided_slice %transpose3A {offsets = [120, 0], sizes = [8, 2048], strides = [1, 1]} : vector<128x2048xf32> to vector<8x2048xf32>
    %add3A_48 = arith.addf %add3A_46, %slice3A_47 : vector<8x2048xf32>
    %slice3A_49 = vector.extract_strided_slice %add3A_48 {offsets = [0, 0], sizes = [4, 2048], strides = [1, 1]} : vector<8x2048xf32> to vector<4x2048xf32>
    %slice3A_50 = vector.extract_strided_slice %add3A_48 {offsets = [4, 0], sizes = [4, 2048], strides = [1, 1]} : vector<8x2048xf32> to vector<4x2048xf32>
    %add3A_51 = arith.addf %slice3A_49, %slice3A_50 : vector<4x2048xf32>
    %slice3A_52 = vector.extract_strided_slice %add3A_51 {offsets = [0, 0], sizes = [2, 2048], strides = [1, 1]} : vector<4x2048xf32> to vector<2x2048xf32>
    %slice3A_53 = vector.extract_strided_slice %add3A_51 {offsets = [2, 0], sizes = [2, 2048], strides = [1, 1]} : vector<4x2048xf32> to vector<2x2048xf32>
    %add3A_54 = arith.addf %slice3A_52, %slice3A_53 : vector<2x2048xf32>
    %slice3A_55 = vector.extract_strided_slice %add3A_54 {offsets = [0, 0], sizes = [1, 2048], strides = [1, 1]} : vector<2x2048xf32> to vector<1x2048xf32>
    %slice3A_56 = vector.extract_strided_slice %add3A_54 {offsets = [1, 0], sizes = [1, 2048], strides = [1, 1]} : vector<2x2048xf32> to vector<1x2048xf32>
    %add3A_57 = arith.addf %slice3A_55, %slice3A_56 : vector<1x2048xf32>
    %sqrt3A = math.sqrt %add3A_57 : vector<1x2048xf32>
    %broadcast_in_dim3A = vector.shape_cast %sqrt3A : vector<1x2048xf32> to vector<1x1x2048xf32>
    %swap3A = arith.constant 0 : index
    %swap3A_58 = arith.constant 0 : index
    %swap3A_59 = arith.constant 0 : index
    %swap3A_60 = vector.load %arg4[%swap3A, %swap3A_58, %swap3A_59] : memref<1x1x2048xf32, #tpu.memory_space<vmem>>, vector<1x1x2048xf32>
    tpu.vector_store %arg4[%swap3A, %swap3A_58, %swap3A_59], %broadcast_in_dim3A {strides = array<i32>} : memref<1x1x2048xf32, #tpu.memory_space<vmem>>, vector<1x1x2048xf32>,
    %slice3A_61 = vector.extract_strided_slice %get3A_8 {offsets = [0, 0], sizes = [2048, 128], strides = [1, 1]} : vector<2048x512xf32> to vector<2048x128xf32>
    %slice3A_62 = vector.extract_strided_slice %get3A_8 {offsets = [0, 0], sizes = [2048, 128], strides = [1, 1]} : vector<2048x512xf32> to vector<2048x128xf32>
    %mul3A_63 = arith.mulf %slice3A_61, %slice3A_62 : vector<2048x128xf32>
    %slice3A_64 = vector.extract_strided_slice %get3A_8 {offsets = [0, 128], sizes = [2048, 128], strides = [1, 1]} : vector<2048x512xf32> to vector<2048x128xf32>
    %mul3A_65 = arith.mulf %slice3A_64, %slice3A_64 : vector<2048x128xf32>
    %add3A_66 = arith.addf %mul3A_63, %mul3A_65 : vector<2048x128xf32>
    %slice3A_67 = vector.extract_strided_slice %get3A_8 {offsets = [0, 256], sizes = [2048, 128], strides = [1, 1]} : vector<2048x512xf32> to vector<2048x128xf32>
    %mul3A_68 = arith.mulf %slice3A_67, %slice3A_67 : vector<2048x128xf32>
    %add3A_69 = arith.addf %add3A_66, %mul3A_68 : vector<2048x128xf32>
    %slice3A_70 = vector.extract_strided_slice %get3A_8 {offsets = [0, 384], sizes = [2048, 128], strides = [1, 1]} : vector<2048x512xf32> to vector<2048x128xf32>
    %mul3A_71 = arith.mulf %slice3A_70, %slice3A_70 : vector<2048x128xf32>
    %add3A_72 = arith.addf %add3A_69, %mul3A_71 : vector<2048x128xf32>
    %transpose3A_73 = tpu.transpose %add3A_72, [1, 0] : vector<2048x128xf32> -> vector<128x2048xf32>
    %slice3A_74 = vector.extract_strided_slice %transpose3A_73 {offsets = [0, 0], sizes = [8, 2048], strides = [1, 1]} : vector<128x2048xf32> to vector<8x2048xf32>
    %slice3A_75 = vector.extract_strided_slice %transpose3A_73 {offsets = [8, 0], sizes = [8, 2048], strides = [1, 1]} : vector<128x2048xf32> to vector<8x2048xf32>
    %add3A_76 = arith.addf %slice3A_74, %slice3A_75 : vector<8x2048xf32>
    %slice3A_77 = vector.extract_strided_slice %transpose3A_73 {offsets = [16, 0], sizes = [8, 2048], strides = [1, 1]} : vector<128x2048xf32> to vector<8x2048xf32>
    %add3A_78 = arith.addf %add3A_76, %slice3A_77 : vector<8x2048xf32>
    %slice3A_79 = vector.extract_strided_slice %transpose3A_73 {offsets = [24, 0], sizes = [8, 2048], strides = [1, 1]} : vector<128x2048xf32> to vector<8x2048xf32>
    %add3A_80 = arith.addf %add3A_78, %slice3A_79 : vector<8x2048xf32>
    %slice3A_81 = vector.extract_strided_slice %transpose3A_73 {offsets = [32, 0], sizes = [8, 2048], strides = [1, 1]} : vector<128x2048xf32> to vector<8x2048xf32>
    %add3A_82 = arith.addf %add3A_80, %slice3A_81 : vector<8x2048xf32>
    %slice3A_83 = vector.extract_strided_slice %transpose3A_73 {offsets = [40, 0], sizes = [8, 2048], strides = [1, 1]} : vector<128x2048xf32> to vector<8x2048xf32>
    %add3A_84 = arith.addf %add3A_82, %slice3A_83 : vector<8x2048xf32>
    %slice3A_85 = vector.extract_strided_slice %transpose3A_73 {offsets = [48, 0], sizes = [8, 2048], strides = [1, 1]} : vector<128x2048xf32> to vector<8x2048xf32>
    %add3A_86 = arith.addf %add3A_84, %slice3A_85 : vector<8x2048xf32>
    %slice3A_87 = vector.extract_strided_slice %transpose3A_73 {offsets = [56, 0], sizes = [8, 2048], strides = [1, 1]} : vector<128x2048xf32> to vector<8x2048xf32>
    %add3A_88 = arith.addf %add3A_86, %slice3A_87 : vector<8x2048xf32>
    %slice3A_89 = vector.extract_strided_slice %transpose3A_73 {offsets = [64, 0], sizes = [8, 2048], strides = [1, 1]} : vector<128x2048xf32> to vector<8x2048xf32>
    %add3A_90 = arith.addf %add3A_88, %slice3A_89 : vector<8x2048xf32>
    %slice3A_91 = vector.extract_strided_slice %transpose3A_73 {offsets = [72, 0], sizes = [8, 2048], strides = [1, 1]} : vector<128x2048xf32> to vector<8x2048xf32>
    %add3A_92 = arith.addf %add3A_90, %slice3A_91 : vector<8x2048xf32>
    %slice3A_93 = vector.extract_strided_slice %transpose3A_73 {offsets = [80, 0], sizes = [8, 2048], strides = [1, 1]} : vector<128x2048xf32> to vector<8x2048xf32>
    %add3A_94 = arith.addf %add3A_92, %slice3A_93 : vector<8x2048xf32>
    %slice3A_95 = vector.extract_strided_slice %transpose3A_73 {offsets = [88, 0], sizes = [8, 2048], strides = [1, 1]} : vector<128x2048xf32> to vector<8x2048xf32>
    %add3A_96 = arith.addf %add3A_94, %slice3A_95 : vector<8x2048xf32>
    %slice3A_97 = vector.extract_strided_slice %transpose3A_73 {offsets = [96, 0], sizes = [8, 2048], strides = [1, 1]} : vector<128x2048xf32> to vector<8x2048xf32>
    %add3A_98 = arith.addf %add3A_96, %slice3A_97 : vector<8x2048xf32>
    %slice3A_99 = vector.extract_strided_slice %transpose3A_73 {offsets = [104, 0], sizes = [8, 2048], strides = [1, 1]} : vector<128x2048xf32> to vector<8x2048xf32>
    %add3A_100 = arith.addf %add3A_98, %slice3A_99 : vector<8x2048xf32>
    %slice3A_101 = vector.extract_strided_slice %transpose3A_73 {offsets = [112, 0], sizes = [8, 2048], strides = [1, 1]} : vector<128x2048xf32> to vector<8x2048xf32>
    %add3A_102 = arith.addf %add3A_100, %slice3A_101 : vector<8x2048xf32>
    %slice3A_103 = vector.extract_strided_slice %transpose3A_73 {offsets = [120, 0], sizes = [8, 2048], strides = [1, 1]} : vector<128x2048xf32> to vector<8x2048xf32>
    %add3A_104 = arith.addf %add3A_102, %slice3A_103 : vector<8x2048xf32>
    %slice3A_105 = vector.extract_strided_slice %add3A_104 {offsets = [0, 0], sizes = [4, 2048], strides = [1, 1]} : vector<8x2048xf32> to vector<4x2048xf32>
    %slice3A_106 = vector.extract_strided_slice %add3A_104 {offsets = [4, 0], sizes = [4, 2048], strides = [1, 1]} : vector<8x2048xf32> to vector<4x2048xf32>
    %add3A_107 = arith.addf %slice3A_105, %slice3A_106 : vector<4x2048xf32>
    %slice3A_108 = vector.extract_strided_slice %add3A_107 {offsets = [0, 0], sizes = [2, 2048], strides = [1, 1]} : vector<4x2048xf32> to vector<2x2048xf32>
    %slice3A_109 = vector.extract_strided_slice %add3A_107 {offsets = [2, 0], sizes = [2, 2048], strides = [1, 1]} : vector<4x2048xf32> to vector<2x2048xf32>
    %add3A_110 = arith.addf %slice3A_108, %slice3A_109 : vector<2x2048xf32>
    %slice3A_111 = vector.extract_strided_slice %add3A_110 {offsets = [0, 0], sizes = [1, 2048], strides = [1, 1]} : vector<2x2048xf32> to vector<1x2048xf32>
    %slice3A_112 = vector.extract_strided_slice %add3A_110 {offsets = [1, 0], sizes = [1, 2048], strides = [1, 1]} : vector<2x2048xf32> to vector<1x2048xf32>
    %add3A_113 = arith.addf %slice3A_111, %slice3A_112 : vector<1x2048xf32>
    %sqrt3A_114 = math.sqrt %add3A_113 : vector<1x2048xf32>
    %broadcast_in_dim3A_115 = vector.shape_cast %sqrt3A_114 : vector<1x2048xf32> to vector<1x1x2048xf32>
    %swap3A_116 = arith.constant 0 : index
    %swap3A_117 = arith.constant 0 : index
    %swap3A_118 = arith.constant 0 : index
    %swap3A_119 = vector.load %arg5[%swap3A_116, %swap3A_117, %swap3A_118] : memref<1x1x2048xf32, #tpu.memory_space<vmem>>, vector<1x1x2048xf32>
    tpu.vector_store %arg5[%swap3A_116, %swap3A_117, %swap3A_118], %broadcast_in_dim3A_115 {strides = array<i32>} : memref<1x1x2048xf32, #tpu.memory_space<vmem>>, vector<1x1x2048xf32>,
    return
  }
  func.func @transform_0(%arg0: i32, %arg1: i32) -> (i32, i32, i32) {
    %c0_i32 = arith.constant 0 : i32
    %c0_i32_0 = arith.constant 0 : i32
    return %arg0, %arg1, %c0_i32 : i32, i32, i32
  }
  func.func @transform_1(%arg0: i32, %arg1: i32) -> (i32, i32, i32) {
    %c0_i32 = arith.constant 0 : i32
    %c0_i32_0 = arith.constant 0 : i32
    return %arg0, %arg1, %c0_i32 : i32, i32, i32
  }
  func.func @transform_2(%arg0: i32, %arg1: i32) -> (i32, i32, i32) {
    %mul3A = arith.constant 4 : i32
    %mul3A_0 = arith.muli %arg0, %mul3A : i32
    %add3A = arith.addi %mul3A_0, %arg1 : i32
    %c0_i32 = arith.constant 0 : i32
    %c0_i32_1 = arith.constant 0 : i32
    %c0_i32_2 = arith.constant 0 : i32
    return %add3A, %c0_i32, %c0_i32_1 : i32, i32, i32
  }
  func.func @transform_3(%arg0: i32, %arg1: i32) -> (i32, i32, i32) {
    %mul3A = arith.constant 4 : i32
    %mul3A_0 = arith.muli %arg0, %mul3A : i32
    %add3A = arith.addi %mul3A_0, %arg1 : i32
    %c0_i32 = arith.constant 0 : i32
    %c0_i32_1 = arith.constant 0 : i32
    %c0_i32_2 = arith.constant 0 : i32
    return %add3A, %c0_i32, %c0_i32_1 : i32, i32, i32
  }
}

</mosaic_0001>

<sc_bundles>
// kernel: kernel.4.cloned.1.call-start
scs
__scs_entry_jumppad:
0x0: {  	(pc) =	sbr.rel $0x88, $3  }
0x1: {  	(tag) =	ssettag $0x0;
	lr =	simm.s32 $0x1  }
0x2: {  	[smem:$0x3F9B] =	sst lr;
	_ =	strace $0xD0000000  }
0x3: {  	_ = 	snop  }
0x4: {  	_ = 	snop  }
0x5: {  	_ = 	snop  }
0x6: {  	_ = 	snop  }
0x7: {  	_ = 	snop  }
__scs_overlays_trampoline_lowered:
0x8: {  	[smem:$0x3FAA] =	sst s0  }
0x9: {  	[smem:$0x3FAB] =	sst s1  }
0xa: {  	[smem:$0x3FAC] =	sst s2  }
0xb: {  	[smem:$0x3FAD] =	sst s3  }
0xc: {  	[smem:$0x3FAE] =	sst s4  }
0xd: {  	[smem:$0x3FAF] =	sst s5  }
0xe: {  	[smem:$0x3FB0] =	sst s6  }
0xf: {  	[smem:$0x3FB1] =	sst s7  }
0x10: {  	[smem:$0x3FB2] =	sst s8  }
0x11: {  	[smem:$0x3FB3] =	sst s9;
	s0 =	simm.s32 @!p0 $0x0  }
0x12: {  	s1 =	sld [smem:$0x3F99];
	s0 =	simm.s32 @p0 $0x1  }
0x13: {  	[smem:$0x3FB4] =	sst s0;
	s0 =	simm.s32 @!p1 $0x0  }
0x14: {  	s2 =	sld [smem:$0x3F98];
	s0 =	simm.s32 @p1 $0x1  }
0x15: {  	[smem:$0x3FB5] =	sst s0;
	s0 =	simm.s32 @!p2 $0x0  }
0x16: {  	s3 =	sld [smem:$0x3FDB];
	s0 =	simm.s32 @p2 $0x1  }
0x17: {  	s4 =	simm.s32 $0x1BF5;
	[smem:$0x3FB7] =	sst s0  }
0x18: {  	s0 =	sld [smem:$0x3F9A];
	_ =	swait.ge [sflag:s4], $0x0  }
0x19: {  	s7 =	sld [smem:$0x3F9B]  }
0x1a: {  	s8 =	sadd.s32 $0xFFFFE003, lr  }
0x1b: {  	s9 =	sadd.s32 $0xFFFFFEF7, lr;
	s5 =	simm.s32 $0xFFFFFFFF;
	p2 =	slt.u32 s8, $0xFFFFF086  }
0x1c: {  	p1 =	slt.u32 s9, $0xF7A;
	s5 =	simm.s32 @!p2 $0x0  }
0x1d: {  	s5 =	simm.s32 @p1 $0x1;
	p0 =	seq.s32 s7, s2  }
0x1e: {  	s7 =	smul.u32 @!p0 $0xF7A, s2;
	p2 =	seq.s32 @!p0 s5, $0x0  }
0x1f: {  	s9 =	smul.u32 $0xF7A, s1;
	s8 =	simm.s32 @!p0 $0x1BF5;
	p2 =	por !p2, p0  }
0x20: {  	[sflag:s8] =	ssyncset.s32 @!p0 $0xFFFFF086;
	s6 =	sadd.s32 @!p0 s3, s7;
	s7 =	simm.s32 @!p0 $0x108  }
0x21: {  	s3 =	sadd.s32 s3, s9;
	s6 =	sadd.s32 @!p0 $0x88, s6;
	s7 =	simm.s32 @p2 $0x1082  }
0x22: {  	[simem:s7], [sflag:s8] =	dma.local @!p0 [hbm:s6], $0xF7A  }
0x23: {  	s9 =	sor.u32 $0xD0000000, s2;
	s6 =	simm.s32 $0x108;
	_ =	swait.ge @!p0 [sflag:s8], $0x0  }
0x24: {  	s3 =	sadd.s32 $0x88, s3;
	s6 =	simm.s32 @!p1 $0x1082;
	[sflag:s4] =	ssyncset.s32 $0xFFFFF086  }
0x25: {  	[simem:s6], [sflag:s4] =	dma.local [hbm:s3], $0xF7A  }
0x26: {  	[smem:$0x3F9B] =	sst s1;
	(tag) =	ssettag s2;
	_ =	strace s9  }
0x27: {  	s1 =	sld [smem:$0x3FAB]  }
0x28: {  	s2 =	sld [smem:$0x3FAC]  }
0x29: {  	s4 =	sld [smem:$0x3FAE]  }
0x2a: {  	p0 =	seq.s32 s5, $0x0;
	s5 =	sld [smem:$0x3FAF]  }
0x2b: {  	s6 =	sld [smem:$0x3FB0]  }
0x2c: {  	s7 =	sld [smem:$0x3FB1]  }
0x2d: {  	s3 =	simm.s32 $0x108;
	s8 =	sld [smem:$0x3FB2]  }
0x2e: {  	s3 =	simm.s32 @!p0 $0x1082;
	s9 =	sld [smem:$0x3FB3]  }
0x2f: {  	lr =	sadd.s32 s0, s3;
	s0 =	sld [smem:$0x3FAA]  }
0x30: {  	s3 =	sld [smem:$0x3FAD]  }
0x31: {  	[smem:$0x3FB6] =	sst s10  }
0x32: {  	s10 =	sld [smem:$0x3FB4];
	_ =	sdelay $0x3  }
0x33: {  	p0 =	seq.s32 s10, $0x1;
	s10 =	sld [smem:$0x3FB6];
	_ =	sdelay $0x3  }
0x34: {  	[smem:$0x3FB6] =	sst s10  }
0x35: {  	s10 =	sld [smem:$0x3FB5];
	_ =	sdelay $0x3  }
0x36: {  	p1 =	seq.s32 s10, $0x1;
	s10 =	sld [smem:$0x3FB6];
	_ =	sdelay $0x3  }
0x37: {  	[smem:$0x3FB6] =	sst s10  }
0x38: {  	s10 =	sld [smem:$0x3FB7]  }
0x39: {  	_ = 	snop;
	(pc) =	sbr.ind lr, $3  }
0x3a: {  	_ = 	snop  }
0x3b: {  	_ = 	snop  }
0x3c: {  	p2 =	seq.s32 s10, $0x1;
	s10 =	sld [smem:$0x3FB6]  }
0x3d: {  	_ =	shalt  }
0x3e: {  	_ =	shalt  }
0x3f: {  	_ =	shalt  }
0x40: {  	_ =	shalt  }
0x41: {  	_ =	shalt  }
0x42: {  	_ =	shalt  }
0x43: {  	_ =	shalt  }
0x44: {  	_ =	shalt  }
0x45: {  	_ =	shalt  }
0x46: {  	_ =	shalt  }
0x47: {  	_ =	shalt  }
0x48: {  	_ =	shalt  }
0x49: {  	_ =	shalt  }
0x4a: {  	_ =	shalt  }
0x4b: {  	_ =	shalt  }
0x4c: {  	_ =	shalt  }
0x4d: {  	_ =	shalt  }
0x4e: {  	_ =	shalt  }
0x4f: {  	_ =	shalt  }
0x50: {  	_ =	shalt  }
0x51: {  	_ =	shalt  }
0x52: {  	_ =	shalt  }
0x53: {  	_ =	shalt  }
0x54: {  	_ =	shalt  }
0x55: {  	_ =	shalt  }
0x56: {  	_ =	shalt  }
0x57: {  	_ =	shalt  }
0x58: {  	_ =	shalt  }
0x59: {  	_ =	shalt  }
0x5a: {  	_ =	shalt  }
0x5b: {  	_ =	shalt  }
0x5c: {  	_ =	shalt  }
0x5d: {  	_ =	shalt  }
0x5e: {  	_ =	shalt  }
0x5f: {  	_ =	shalt  }
0x60: {  	_ =	shalt  }
0x61: {  	_ =	shalt  }
0x62: {  	_ =	shalt  }
0x63: {  	_ =	shalt  }
0x64: {  	_ =	shalt  }
0x65: {  	_ =	shalt  }
0x66: {  	_ =	shalt  }
0x67: {  	_ =	shalt  }
0x68: {  	_ =	shalt  }
0x69: {  	_ =	shalt  }
0x6a: {  	_ =	shalt  }
0x6b: {  	_ =	shalt  }
0x6c: {  	_ =	shalt  }
0x6d: {  	_ =	shalt  }
0x6e: {  	_ =	shalt  }
0x6f: {  	_ =	shalt  }
0x70: {  	_ =	shalt  }
0x71: {  	_ =	shalt  }
0x72: {  	_ =	shalt  }
0x73: {  	_ =	shalt  }
0x74: {  	_ =	shalt  }
0x75: {  	_ =	shalt  }
0x76: {  	_ =	shalt  }
0x77: {  	_ =	shalt  }
0x78: {  	_ =	shalt  }
0x79: {  	_ =	shalt  }
0x7a: {  	_ =	shalt  }
0x7b: {  	_ =	shalt  }
0x7c: {  	_ =	shalt  }
0x7d: {  	_ =	shalt  }
0x7e: {  	_ =	shalt  }
0x7f: {  	_ =	shalt  }
0x80: {  	_ =	shalt  }
0x81: {  	_ =	shalt  }
0x82: {  	_ =	shalt  }
0x83: {  	_ =	shalt  }
0x84: {  	_ =	shalt  }
0x85: {  	_ =	shalt  }
0x86: {  	_ =	shalt  }
0x87: {  	_ =	shalt  }
.Lfunc_end0:
.L_simem_size_0:
called_computation_lowered:
.L_overlay_start_0:
0x88: {  	s2 =	sld [smem:$0x3FD9]  }
0x89: {  	s3 =	sld [smem:$0x3FFE];
	_ =	sdelay $0x1  }
0x8a: {  	s1 =	srdreg.scid  }
0x8b: {  	s0 =	sand.u32 $0x1, s1  }
0x8c: {  	s14 =	sshll.u32 s0, $0xA;
	s2 =	sadd.s32 s3, s2  }
0x8d: {  	s2 =	sadd.s32 s2, s14  }
0x8e: {  	[smem:$0x3FC2] =	sst s2  }
0x8f: {  	_ = 	snop  }
0x90: {  	s2 =	sld [smem:$0x3FD0];
	_ =	sdelay $0x1  }
0x91: {  	s15 =	sld [smem:$0x3FC5]  }
0x92: {  	s5 =	simm.s32 $0xA;
	s6 =	simm.s32 $0x10;
	s4 =	sld [smem:$0x3FC4]  }
0x93: {  	[smem:s6], [sflag:s5] =	dma.local [hbm:s2], $0x1  }
0x94: {  	_ =	swait.eq [sflag:s5], $0x1  }
0x95: {  	s16 =	sld [smem:$0x12]  }
0x96: {  	s17 =	sld [smem:$0x13];
	[sflag:s5] =	ssyncset.done $0x0  }
0x97: {  	s7 =	sld [smem:$0x14];
	[sflag:s5] =	ssyncadd.s32 $0xFFFFFFFF  }
0x98: {  	s18 =	sld [smem:$0x15];
	(tm) =	ssettm $0x1  }
0x99: {  	s8 =	sld [smem:$0x3FFB];
	_ =	sdelay $0x3  }
0x9a: {  	_ =	strace s8  }
0x9b: {  	s8 =	sld [smem:$0x3FFC];
	_ =	sdelay $0x3  }
0x9c: {  	_ =	strace s8  }
0x9d: {  	s8 =	sld [smem:$0x3FFD];
	_ =	sdelay $0x3  }
0x9e: {  	_ =	strace s8  }
0x9f: {  	_ =	strace $0x8FFFFFFF  }
0xa0: {  	s19 =	sld [smem:$0x3FDB];
	_ =	sdelay $0x1  }
0xa1: {  	s9 =	simm.s32 $_scs_section_size  }
0xa2: {  	s10 =	simm.s32 $_size__tile_overlayer_lowered;
	s11 =	simm.s32 $_tile_overlayer_lowered  }
0xa3: {  	s22 =	simm.s32 $0x1BFF;
	s21 =	sshll.u32 s11, $0x1;
	s8 =	sadd.s32 s9, s19  }
0xa4: {  	s12 =	simm.s32 $0x0;
	s20 =	sshll.u32 s10, $0x1;
	s10 =	sadd.s32 s21, s8  }
0xa5: {  	[timem:s12], [sflag:s22] =	dma.local [hbm:s10], s20  }
0xa6: {  	_ =	swait.ge [sflag:s22], s20  }
0xa7: {  	s9 =	ssub.s32 $0x0, s20;
	[sflag:s22] =	ssyncset.done $0x0  }
0xa8: {  	[sflag:s22] =	ssyncadd.s32 s9;
	_ =	sdelay $0x1  }
0xa9: {  	s23 =	simm.s32 $0x1B8B  }
0xaa: {  	_ =	swait.ge [sflag:s23], $0x1  }
0xab: {  	[sflag:s23] =	ssyncset.done $0x0  }
0xac: {  	s25 =	simm.s32 $0x1B8E;
	s24 =	sld [smem:$0x3FFE];
	[sflag:s23] =	ssyncadd.s32 $0xFFFFFFFF  }
0xad: {  	s26 =	simm.s32 $execute0_lowered;
	[smem:$0x3FD2] =	sst s25  }
0xae: {  	s10 =	sshll.u32 s26, $0x1;
	_ =	strace $0x80000046;
	[dreg:$0x1] =	wrdreg $0xFFFFFFFF  }
0xaf: {  	s28 =	simm.s32 $_size_execute0_lowered;
	s8 =	sadd.s32 s8, s10;
	[dreg:$0x0] =	wrdreg $0x0  }
0xb0: {  	s10 =	sshll.u32 s28, $0x1;
	[dreg:$0x2] =	wrdreg s8  }
0xb1: {  	[dreg:$0x3] =	wrdreg s10  }
0xb2: {  	[dreg:$0x4] =	wrdreg $0xC0  }
0xb3: {  	_ =	task [dreg:s12], $0x5FFFF  }
0xb4: {  	[dreg:$0x1] =	wrdreg $0xFFFFFFFF  }
0xb5: {  	[dreg:$0x0] =	wrdreg $0x60  }
0xb6: {  	[dreg:$0x2] =	wrdreg s24  }
0xb7: {  	[dreg:$0x3] =	wrdreg s15  }
0xb8: {  	[dreg:$0x4] =	wrdreg s4  }
0xb9: {  	[dreg:$0x5] =	wrdreg s17  }
0xba: {  	[dreg:$0x6] =	wrdreg s16  }
0xbb: {  	[dreg:$0x7] =	wrdreg s7  }
0xbc: {  	[dreg:$0x8] =	wrdreg s18  }
0xbd: {  	[dreg:$0x9] =	wrdreg $0x9  }
0xbe: {  	_ =	task.clear_ibuf [dreg:s12], $0xAFFFF;
	_ =	strace $0x90000046  }
0xbf: {  	s29 =	simm.s32 $0x9;
	_ =	strace $0x80000048  }
0xc0: {  	_ =	swait.ge [sflag:s29], $0x1  }
0xc1: {  	[sflag:s29] =	ssyncadd.s32 $0xFFFFFFFF  }
0xc2: {  	_ =	strace $0x90000048  }
0xc3: {  	_ =	sfence  }
0xc4: {  	s30 =	sld [smem:$0x0];
	_ =	sdelay $0x2  }
0xc5: {  	s31 =	sshll.u32 s1, $0xD;
	s1 =	sshrl.u32 s1, $0x2  }
0xc6: {  	s3 =	sand.u32 $0x4000, s31;
	s1 =	sadd.s32 s1, s30  }
0xc7: {  	s0 =	sor.u32 s3, s0;
	s1 =	sshll.u32 s1, $0x11  }
0xc8: {  	s0 =	sor.u32 s1, s0  }
0xc9: {  	s0 =	sadd.s32 $0x8F2B, s0  }
0xca: {  	[sflag:s0] =	ssyncadd.remote.s32 $0x1  }
0xcb: {  	_ =	sfence.sel $0xFFFF  }
0xcc: {  	[dreg:$0x0] =	wrdreg $0xFFFFFFFF;
	(pc) =	sbr.abs _section_cstart, $3  }
0xcd: {  	[dreg:$0x1] =	wrdreg $0xFFFFFFFF  }
0xce: {  	_ =	task.clear_ibuf [dreg:s12], $0x2FFFF;
	_ =	strace $0x9FFFFFFF  }
0xcf: {  	(tm) =	ssettm $0x7FFFFFFF  }
tec
execute0_lowered:
.L_overlay_start_1:
0x0: {  	(tag) =	ssettag $0x1  }
0x1: {  	s5 =	rddreg [dreg:$0x0]  }
0x2: {  	s0 =	rddreg [dreg:$0x1]  }
0x3: {  	s1 =	rddreg [dreg:$0x2]  }
0x4: {  	s8 =	rddreg [dreg:$0x3]  }
0x5: {  	s9 =	rddreg [dreg:$0x4]  }
0x6: {  	s3 =	srdreg.scid;
	s7 =	rddreg [dreg:$0x5]  }
0x7: {  	s2 =	stileid.u32;
	s4 =	simm.s32 $0x0;
	s6 =	sand.u32 $0x1, s3  }
0x8: {  	s3 =	rddreg [dreg:$0x6];
	s10 =	sshll.u32 s2, $0xA;
	s11 =	sshll.u32 s6, $0x9  }
0x9: {  	[smem:$0x7FF] =	sst s4;
	s10 =	sor.u32 s11, s10  }
0xa: {  	_ =	strace $0x80000047;
	s11 =	sshrl.u32 s10, $0x3;
	s18 =	sshll.u32 s10, $0x4  }
0xb: {  	s8 =	sadd.s32 s8, s11;
	s17 =	sadd.s32 s9, s11;
	s19 =	sadd.s32 s5, s18  }
0xc: {  	s12 =	sor.u32 $0x10, s11;
	s13 =	sor.u32 $0x20, s11;
	[dreg:$0x8] =	wrdreg s8  }
0xd: {  	s11 =	sor.u32 $0x30, s11;
	[dreg:$0x9] =	wrdreg s17;
	s20 =	sshll.u32 s12, $0x7  }
0xe: {  	[dreg:$0xa] =	wrdreg s19;
	s15 =	sshll.u32 s13, $0x7;
	s14 =	sadd.s32 s5, s20  }
0xf: {  	s16 =	sshll.u32 s11, $0x7;
	s21 =	sadd.s32 s5, s15;
	[dreg:$0xb] =	wrdreg s14  }
0x10: {  	s17 =	sadd.s32 $0x40000, s5;
	s22 =	sadd.s32 s5, s16;
	[dreg:$0xc] =	wrdreg s21  }
0x11: {  	s9 =	sadd.s32 s17, s18;
	[dreg:$0xd] =	wrdreg s22  }
0x12: {  	s8 =	sadd.s32 s17, s20;
	[dreg:$0xe] =	wrdreg s9  }
0x13: {  	s28 =	simm.s32 $0xA400;
	s23 =	sadd.s32 s17, s15;
	[dreg:$0xf] =	wrdreg s8  }
0x14: {  	s12 =	sshll.u32 s12, $0x9;
	s24 =	sadd.s32 s17, s16;
	[dreg:$0x10] =	wrdreg s23  }
0x15: {  	s13 =	sshll.u32 s13, $0x9;
	s17 =	sadd.s32 s7, s12;
	[dreg:$0x11] =	wrdreg s24  }
0x16: {  	s9 =	sshll.u32 s10, $0x6;
	[dreg:$0x16] =	wrdreg s17;
	s21 =	sadd.s32 s7, s13  }
0x17: {  	s25 =	sadd.s32 s7, s9;
	s10 =	sor.u32 $0x800, s9;
	[dreg:$0x1a] =	wrdreg s21  }
0x18: {  	s14 =	sor.u32 $0x1000, s9;
	[dreg:$0x12] =	wrdreg s25;
	s26 =	sadd.s32 s7, s10  }
0x19: {  	s15 =	sor.u32 $0x1800, s9;
	s2 =	sadd.s32 s7, s14;
	[dreg:$0x13] =	wrdreg s26  }
0x1a: {  	s17 =	sor.u32 $0x3000, s9;
	s16 =	sadd.s32 s7, s15;
	[dreg:$0x14] =	wrdreg s2  }
0x1b: {  	s21 =	sor.u32 $0x5800, s9;
	s19 =	sadd.s32 s7, s17;
	[dreg:$0x15] =	wrdreg s16  }
0x1c: {  	s11 =	sshll.u32 s11, $0x9;
	s24 =	sadd.s32 s7, s21;
	[dreg:$0x18] =	wrdreg s19  }
0x1d: {  	s29 =	simm.s32 $0xAC00;
	s25 =	sadd.s32 s7, s11;
	[dreg:$0x1d] =	wrdreg s24  }
0x1e: {  	s30 =	simm.s32 $0xB400;
	s8 =	sadd.s32 s3, s15;
	[dreg:$0x1e] =	wrdreg s25  }
0x1f: {  	s31 =	simm.s32 $0xBC00;
	s15 =	sadd.s32 s3, s13;
	[smem:$0x7ED] =	sst s8  }
0x20: {  	s16 =	sor.u32 $0x2800, s9;
	s25 =	sadd.s32 s3, s9;
	[smem:$0x7F2] =	sst s15  }
0x21: {  	s19 =	sor.u32 $0x4800, s9;
	s18 =	sadd.s32 s7, s16;
	[smem:$0x7EA] =	sst s25  }
0x22: {  	s6 =	ssub.s32 $0x2, s6;
	s22 =	sadd.s32 s7, s19;
	[dreg:$0x17] =	wrdreg s18  }
0x23: {  	s25 =	simm.s32 $0x280;
	s18 =	sor.u32 $0x3800, s9;
	[dreg:$0x1b] =	wrdreg s22  }
0x24: {  	s22 =	sor.u32 $0x6800, s9;
	[smem:$0x7FC] =	sst s25;
	s20 =	sadd.s32 s7, s18  }
0x25: {  	s5 =	sadd.s32 $0x300000, s5;
	s26 =	sadd.s32 s7, s22;
	[dreg:$0x19] =	wrdreg s20  }
0x26: {  	s13 =	simm.s32 $0x1;
	[dreg:$0x1f] =	wrdreg s26;
	s26 =	sadd.s32 s3, s10  }
0x27: {  	s24 =	sor.u32 $0x7800, s9;
	s10 =	sadd.s32 s3, s16;
	[smem:$0x7EB] =	sst s26  }
0x28: {  	s20 =	sor.u32 $0x5000, s9;
	s16 =	sadd.s32 s3, s19;
	[smem:$0x7EF] =	sst s10  }
0x29: {  	s15 =	simm.s32 $0x4400;
	s23 =	sadd.s32 s7, s20;
	[smem:$0x7F3] =	sst s16  }
0x2a: {  	s25 =	simm.s32 $0x9400;
	s26 =	simm.s32 $0x300;
	[dreg:$0x1c] =	wrdreg s23  }
0x2b: {  	s23 =	sor.u32 $0x7000, s9;
	s9 =	sadd.s32 s3, s12;
	[smem:$0x7FD] =	sst s26  }
0x2c: {  	s19 =	sshrl.u32 s6, $0x1;
	s12 =	sadd.s32 s3, s17;
	[smem:$0x7EE] =	sst s9  }
0x2d: {  	s8 =	ssub.s32 s6, s19;
	s17 =	sadd.s32 s3, s20;
	[smem:$0x7F0] =	sst s12  }
0x2e: {  	s6 =	sadd.s32 $0x100, s0;
	s20 =	sadd.s32 s3, s11;
	[smem:$0x7F4] =	sst s17  }
0x2f: {  	s10 =	simm.s32 $0x200;
	s2 =	sadd.s32 s7, s23;
	[smem:$0x7F6] =	sst s20  }
0x30: {  	s16 =	simm.s32 $0x4C00;
	s7 =	sadd.s32 s7, s24;
	[smem:$0x7E8] =	sst s2  }
0x31: {  	s19 =	simm.s32 $0x6400;
	[smem:$0x7E9] =	sst s7;
	s2 =	sadd.s32 s3, s14  }
0x32: {  	s8 =	smax.u32 s8, $0x1;
	s14 =	sadd.s32 s3, s18;
	[smem:$0x7EC] =	sst s2  }
0x33: {  	s11 =	simm.s32 $0x80;
	s18 =	sadd.s32 s3, s21;
	[smem:$0x7F1] =	sst s14  }
0x34: {  	s26 =	simm.s32 $0x9C00;
	s21 =	sadd.s32 s3, s22;
	[smem:$0x7F5] =	sst s18  }
0x35: {  	s9 =	simm.s32 $0x3;
	s22 =	sadd.s32 s3, s23;
	[smem:$0x7F7] =	sst s21  }
0x36: {  	s12 =	simm.s32 $0x400;
	s3 =	sadd.s32 s3, s24;
	[smem:$0x7F8] =	sst s22  }
0x37: {  	s17 =	simm.s32 $0x5400;
	s23 =	simm.s32 $0x100;
	[smem:$0x7F9] =	sst s3  }
0x38: {  	s20 =	simm.s32 $0x6C00;
	s24 =	simm.s32 $0x180;
	[smem:$0x7FA] =	sst s23  }
0x39: {  	v2 =	vlaneseq.u32;
	s7 =	sadd.s32 $0x100, s1;
	[smem:$0x7FB] =	sst s24;
	s14 =	simm.s32 $0x380  }
0x3a: {  	vm0 =	vmmov $0xffff;
	v1 =	vshrl.u32 v2, $0x3;
	s18 =	simm.s32 $0x5C00;
	s21 =	simm.s32 $0x7400;
	s22 =	simm.s32 $0x7C00  }
0x3b: {  	v0 =	vand.u32 $0x7, v2;
	v2 =	vor.u32 $0x8, v2;
	v1 =	vmul.u32 $0x8, v1;
	s23 =	simm.s32 $0x8400;
	s24 =	simm.s32 $0x8C00;
	s3 =	simm.s32 $0x2  }
.LBB2_1:
0x3c: {  	s2 =	rddreg [dreg:$0x8]  }
0x3d: {  	[tilespmem:s4], [sflag:$0x3] =	stream.linear.gather [hbm4b:s2+s4], $0x200, $0x38;
	[tilespmem:$0xC400] =	vst v63  }
0x3e: {  	_ =	swait.ge [sflag:s9], $0x200  }
0x3f: {  	[sflag:s9] =	ssyncset.done $0x0  }
0x40: {  	s2 =	rddreg [dreg:$0x9];
	[sflag:s9] =	ssyncadd.s32 $0xFFFFFE00  }
0x41: {  	[tilespmem:s10], [sflag:$0x3] =	stream.linear.gather [hbm4b:s2+s4], $0x200, $0x38;
	[tilespmem:$0xC400] =	vst v63  }
0x42: {  	_ =	swait.ge [sflag:s9], $0x200  }
0x43: {  	[sflag:s9] =	ssyncset.done $0x0  }
0x44: {  	[sflag:s9] =	ssyncadd.s32 $0xFFFFFE00  }
0x45: {  	[tilespmem:s12], [sflag:$0x1] =	stream.indirect.gather [hbm4b:s5+s11], $0x80, s4, s11, $0xb8;
	[tilespmem:$0xC400] =	vst v63  }
0x46: {  	_ =	swait.ge [sflag:s13], $0x4000  }
0x47: {  	[sflag:s13] =	ssyncset.done $0x0  }
0x48: {  	s2 =	rddreg [dreg:$0xa];
	[sflag:s13] =	ssyncadd.s32 $0xFFFFC000  }
0x49: {  	[hbm4b:s2+s4] =	stream.linear.scatter [tilespmem:s12], [sflag:$0x3], $0x4000, $0x38;
	[tilespmem:$0xC400] =	vst v63  }
0x4a: {  	_ =	swait.ge [sflag:s9], $0x4000  }
0x4b: {  	[sflag:s9] =	ssyncset.done $0x0  }
0x4c: {  	[sflag:s9] =	ssyncadd.s32 $0xFFFFC000  }
0x4d: {  	[tilespmem:s12], [sflag:$0x1] =	stream.indirect.gather [hbm4b:s5+s11], $0x80, s11, s11, $0xb8;
	[tilespmem:$0xC400] =	vst v63  }
0x4e: {  	_ =	swait.ge [sflag:s13], $0x4000  }
0x4f: {  	[sflag:s13] =	ssyncset.done $0x0  }
0x50: {  	s2 =	rddreg [dreg:$0xb];
	[sflag:s13] =	ssyncadd.s32 $0xFFFFC000  }
0x51: {  	[hbm4b:s2+s4] =	stream.linear.scatter [tilespmem:s12], [sflag:$0x3], $0x4000, $0x38;
	[tilespmem:$0xC400] =	vst v63  }
0x52: {  	_ =	swait.ge [sflag:s9], $0x4000  }
0x53: {  	s2 =	sld [smem:$0x7FA]  }
0x54: {  	[sflag:s9] =	ssyncset.done $0x0  }
0x55: {  	[sflag:s9] =	ssyncadd.s32 $0xFFFFC000  }
0x56: {  	[tilespmem:s12], [sflag:$0x1] =	stream.indirect.gather [hbm4b:s5+s11], $0x80, s2, s11, $0xb8;
	[tilespmem:$0xC400] =	vst v63  }
0x57: {  	_ =	swait.ge [sflag:s13], $0x4000  }
0x58: {  	[sflag:s13] =	ssyncset.done $0x0  }
0x59: {  	s2 =	rddreg [dreg:$0xc];
	[sflag:s13] =	ssyncadd.s32 $0xFFFFC000  }
0x5a: {  	[hbm4b:s2+s4] =	stream.linear.scatter [tilespmem:s12], [sflag:$0x3], $0x4000, $0x38;
	[tilespmem:$0xC400] =	vst v63  }
0x5b: {  	_ =	swait.ge [sflag:s9], $0x4000  }
0x5c: {  	s2 =	sld [smem:$0x7FB]  }
0x5d: {  	[sflag:s9] =	ssyncset.done $0x0  }
0x5e: {  	[sflag:s9] =	ssyncadd.s32 $0xFFFFC000  }
0x5f: {  	[tilespmem:s12], [sflag:$0x1] =	stream.indirect.gather [hbm4b:s5+s11], $0x80, s2, s11, $0xb8;
	[tilespmem:$0xC400] =	vst v63  }
0x60: {  	_ =	swait.ge [sflag:s13], $0x4000  }
0x61: {  	[sflag:s13] =	ssyncset.done $0x0  }
0x62: {  	s2 =	rddreg [dreg:$0xd];
	[sflag:s13] =	ssyncadd.s32 $0xFFFFC000  }
0x63: {  	[hbm4b:s2+s4] =	stream.linear.scatter [tilespmem:s12], [sflag:$0x3], $0x4000, $0x38;
	[tilespmem:$0xC400] =	vst v63  }
0x64: {  	_ =	swait.ge [sflag:s9], $0x4000  }
0x65: {  	[sflag:s9] =	ssyncset.done $0x0  }
0x66: {  	[sflag:s9] =	ssyncadd.s32 $0xFFFFC000  }
0x67: {  	[tilespmem:s12], [sflag:$0x1] =	stream.indirect.gather [hbm4b:s5+s11], $0x80, s10, s11, $0xb8;
	[tilespmem:$0xC400] =	vst v63  }
0x68: {  	_ =	swait.ge [sflag:s13], $0x4000  }
0x69: {  	[sflag:s13] =	ssyncset.done $0x0  }
0x6a: {  	s2 =	rddreg [dreg:$0xe];
	[sflag:s13] =	ssyncadd.s32 $0xFFFFC000  }
0x6b: {  	[hbm4b:s2+s4] =	stream.linear.scatter [tilespmem:s12], [sflag:$0x3], $0x4000, $0x38;
	[tilespmem:$0xC400] =	vst v63  }
0x6c: {  	_ =	swait.ge [sflag:s9], $0x4000  }
0x6d: {  	s2 =	sld [smem:$0x7FC]  }
0x6e: {  	[sflag:s9] =	ssyncset.done $0x0  }
0x6f: {  	[sflag:s9] =	ssyncadd.s32 $0xFFFFC000  }
0x70: {  	[tilespmem:s12], [sflag:$0x1] =	stream.indirect.gather [hbm4b:s5+s11], $0x80, s2, s11, $0xb8;
	[tilespmem:$0xC400] =	vst v63  }
0x71: {  	_ =	swait.ge [sflag:s13], $0x4000  }
0x72: {  	[sflag:s13] =	ssyncset.done $0x0  }
0x73: {  	s2 =	rddreg [dreg:$0xf];
	[sflag:s13] =	ssyncadd.s32 $0xFFFFC000  }
0x74: {  	[hbm4b:s2+s4] =	stream.linear.scatter [tilespmem:s12], [sflag:$0x3], $0x4000, $0x38;
	[tilespmem:$0xC400] =	vst v63  }
0x75: {  	_ =	swait.ge [sflag:s9], $0x4000  }
0x76: {  	s2 =	sld [smem:$0x7FD]  }
0x77: {  	[sflag:s9] =	ssyncset.done $0x0  }
0x78: {  	[sflag:s9] =	ssyncadd.s32 $0xFFFFC000  }
0x79: {  	[tilespmem:s12], [sflag:$0x1] =	stream.indirect.gather [hbm4b:s5+s11], $0x80, s2, s11, $0xb8;
	[tilespmem:$0xC400] =	vst v63  }
0x7a: {  	_ =	swait.ge [sflag:s13], $0x4000  }
0x7b: {  	[sflag:s13] =	ssyncset.done $0x0  }
0x7c: {  	s2 =	rddreg [dreg:$0x10];
	[sflag:s13] =	ssyncadd.s32 $0xFFFFC000  }
0x7d: {  	[hbm4b:s2+s4] =	stream.linear.scatter [tilespmem:s12], [sflag:$0x3], $0x4000, $0x38;
	[tilespmem:$0xC400] =	vst v63  }
0x7e: {  	_ =	swait.ge [sflag:s9], $0x4000  }
0x7f: {  	[sflag:s9] =	ssyncset.done $0x0  }
0x80: {  	[sflag:s9] =	ssyncadd.s32 $0xFFFFC000  }
0x81: {  	[tilespmem:s12], [sflag:$0x1] =	stream.indirect.gather [hbm4b:s5+s11], $0x80, s14, s11, $0xb8;
	[tilespmem:$0xC400] =	vst v63  }
0x82: {  	_ =	swait.ge [sflag:s13], $0x4000  }
0x83: {  	[sflag:s13] =	ssyncset.done $0x0  }
0x84: {  	s2 =	rddreg [dreg:$0x11];
	[sflag:s13] =	ssyncadd.s32 $0xFFFFC000  }
0x85: {  	[hbm4b:s2+s4] =	stream.linear.scatter [tilespmem:s12], [sflag:$0x3], $0x4000, $0x38;
	[tilespmem:$0xC400] =	vst v63  }
0x86: {  	_ =	swait.ge [sflag:s9], $0x4000  }
0x87: {  	[sflag:s9] =	ssyncset.done $0x0  }
0x88: {  	[sflag:s9] =	ssyncadd.s32 $0xFFFFC000  }
0x89: {  	v3 =	vld [tilespmem:$0x0];
	_ =	sdelay $0x4  }
0x8a: {  	v4 =	vshll.u32 v3, $0x2  }
0x8b: {  	v3 =	vand.u32 $0x7, v3;
	v4 =	vand.u32 $0xFFFFFFE0, v4  }
0x8c: {  	v3 =	vor.u32 v3, v4  }
0x8d: {  	v4 =	vperm.xlane v3, v0;
	_ =	sdelay $0x1  }
0x8e: {  	v4 =	vadd.s32 v1, v4;
	_ =	sdelay $0x1  }
0x8f: {  	v3 =	vperm.xlane v3, v2;
	_ =	sdelay $0x1  }
0x90: {  	v3 =	vadd.s32 v1, v3  }
0x91: {  	[tilespmem:s15], [sflag:$0x1] =	stream.indirect_vreg.gather [hbm4b:s0+s4], $0x80, v4, vm0, $0xb8;
	[tilespmem:$0xC400] =	vst v63  }
0x92: {  	_ = 	snop  }
0x93: {  	[tilespmem:s16], [sflag:$0x1] =	stream.indirect_vreg.gather [hbm4b:s6+s4], $0x80, v4, vm0, $0xb8;
	[tilespmem:$0xC400] =	vst v63  }
0x94: {  	_ = 	snop  }
0x95: {  	[tilespmem:s17], [sflag:$0x1] =	stream.indirect_vreg.gather [hbm4b:s0+s4], $0x80, v3, vm0, $0xb8;
	[tilespmem:$0xC400] =	vst v63  }
0x96: {  	_ = 	snop  }
0x97: {  	[tilespmem:s18], [sflag:$0x1] =	stream.indirect_vreg.gather [hbm4b:s6+s4], $0x80, v3, vm0, $0xb8;
	[tilespmem:$0xC400] =	vst v63  }
0x98: {  	v3 =	vld [tilespmem:$0x10];
	_ =	sdelay $0x4  }
0x99: {  	v57 =	vshll.u32 v3, $0x2  }
0x9a: {  	v3 =	vand.u32 $0x7, v3;
	v4 =	vand.u32 $0xFFFFFFE0, v57  }
0x9b: {  	v3 =	vor.u32 v3, v4  }
0x9c: {  	v4 =	vperm.xlane v3, v0;
	_ =	sdelay $0x1  }
0x9d: {  	v4 =	vadd.s32 v1, v4;
	_ =	sdelay $0x1  }
0x9e: {  	v3 =	vperm.xlane v3, v2;
	_ =	sdelay $0x1  }
0x9f: {  	v3 =	vadd.s32 v1, v3  }
0xa0: {  	[tilespmem:s19], [sflag:$0x1] =	stream.indirect_vreg.gather [hbm4b:s0+s4], $0x80, v4, vm0, $0xb8;
	[tilespmem:$0xC400] =	vst v63  }
0xa1: {  	_ = 	snop  }
0xa2: {  	[tilespmem:s20], [sflag:$0x1] =	stream.indirect_vreg.gather [hbm4b:s6+s4], $0x80, v4, vm0, $0xb8;
	[tilespmem:$0xC400] =	vst v63  }
0xa3: {  	_ = 	snop  }
0xa4: {  	[tilespmem:s21], [sflag:$0x1] =	stream.indirect_vreg.gather [hbm4b:s0+s4], $0x80, v3, vm0, $0xb8;
	[tilespmem:$0xC400] =	vst v63  }
0xa5: {  	_ = 	snop  }
0xa6: {  	[tilespmem:s22], [sflag:$0x1] =	stream.indirect_vreg.gather [hbm4b:s6+s4], $0x80, v3, vm0, $0xb8;
	[tilespmem:$0xC400] =	vst v63  }
0xa7: {  	_ =	swait.ge [sflag:s13], $0x4000  }
0xa8: {  	[sflag:s13] =	ssyncset.done $0x0  }
0xa9: {  	[sflag:s13] =	ssyncadd.s32 $0xFFFFC000  }
0xaa: {  	s2 =	rddreg [dreg:$0x12]  }
0xab: {  	[hbm4b:s2+s4] =	stream.linear.scatter [tilespmem:s15], [sflag:$0x3], $0x4000, $0x38;
	[tilespmem:$0xC400] =	vst v63  }
0xac: {  	_ =	swait.ge [sflag:s9], $0x4000  }
0xad: {  	[sflag:s9] =	ssyncset.done $0x0  }
0xae: {  	[sflag:s9] =	ssyncadd.s32 $0xFFFFC000  }
0xaf: {  	v3 =	vld [tilespmem:$0x20];
	_ =	sdelay $0x4  }
0xb0: {  	v58 =	vshll.u32 v3, $0x2  }
0xb1: {  	v3 =	vand.u32 $0x7, v3;
	v4 =	vand.u32 $0xFFFFFFE0, v58  }
0xb2: {  	v3 =	vor.u32 v3, v4  }
0xb3: {  	v4 =	vperm.xlane v3, v0;
	_ =	sdelay $0x1  }
0xb4: {  	v4 =	vadd.s32 v1, v4;
	_ =	sdelay $0x1  }
0xb5: {  	v3 =	vperm.xlane v3, v2;
	_ =	sdelay $0x1  }
0xb6: {  	v3 =	vadd.s32 v1, v3  }
0xb7: {  	[tilespmem:s23], [sflag:$0x2] =	stream.indirect_vreg.gather [hbm4b:s0+s4], $0x80, v4, vm0, $0xb8;
	[tilespmem:$0xC400] =	vst v63  }
0xb8: {  	_ = 	snop  }
0xb9: {  	[tilespmem:s24], [sflag:$0x2] =	stream.indirect_vreg.gather [hbm4b:s6+s4], $0x80, v4, vm0, $0xb8;
	[tilespmem:$0xC400] =	vst v63  }
0xba: {  	_ = 	snop  }
0xbb: {  	[tilespmem:s25], [sflag:$0x2] =	stream.indirect_vreg.gather [hbm4b:s0+s4], $0x80, v3, vm0, $0xb8;
	[tilespmem:$0xC400] =	vst v63  }
0xbc: {  	_ = 	snop  }
0xbd: {  	[tilespmem:s26], [sflag:$0x2] =	stream.indirect_vreg.gather [hbm4b:s6+s4], $0x80, v3, vm0, $0xb8;
	[tilespmem:$0xC400] =	vst v63  }
0xbe: {  	v3 =	vld [tilespmem:$0x30];
	_ =	sdelay $0x4  }
0xbf: {  	v59 =	vshll.u32 v3, $0x2  }
0xc0: {  	v3 =	vand.u32 $0x7, v3;
	v4 =	vand.u32 $0xFFFFFFE0, v59  }
0xc1: {  	v3 =	vor.u32 v3, v4  }
0xc2: {  	v4 =	vperm.xlane v3, v0;
	_ =	sdelay $0x1  }
0xc3: {  	v4 =	vadd.s32 v1, v4;
	_ =	sdelay $0x1  }
0xc4: {  	v3 =	vperm.xlane v3, v2;
	_ =	sdelay $0x1  }
0xc5: {  	v3 =	vadd.s32 v1, v3  }
0xc6: {  	[tilespmem:s28], [sflag:$0x2] =	stream.indirect_vreg.gather [hbm4b:s0+s4], $0x80, v4, vm0, $0xb8;
	[tilespmem:$0xC400] =	vst v63  }
0xc7: {  	_ = 	snop  }
0xc8: {  	[tilespmem:s29], [sflag:$0x2] =	stream.indirect_vreg.gather [hbm4b:s6+s4], $0x80, v4, vm0, $0xb8;
	[tilespmem:$0xC400] =	vst v63  }
0xc9: {  	_ = 	snop  }
0xca: {  	[tilespmem:s30], [sflag:$0x2] =	stream.indirect_vreg.gather [hbm4b:s0+s4], $0x80, v3, vm0, $0xb8;
	[tilespmem:$0xC400] =	vst v63  }
0xcb: {  	_ = 	snop  }
0xcc: {  	[tilespmem:s31], [sflag:$0x2] =	stream.indirect_vreg.gather [hbm4b:s6+s4], $0x80, v3, vm0, $0xb8;
	[tilespmem:$0xC400] =	vst v63  }
0xcd: {  	_ =	swait.ge [sflag:s3], $0x4000  }
0xce: {  	[sflag:s3] =	ssyncset.done $0x0  }
0xcf: {  	s2 =	rddreg [dreg:$0x13];
	[sflag:s3] =	ssyncadd.s32 $0xFFFFC000  }
0xd0: {  	[hbm4b:s2+s4] =	stream.linear.scatter [tilespmem:s23], [sflag:$0x3], $0x4000, $0x38;
	[tilespmem:$0xC400] =	vst v63  }
0xd1: {  	_ =	swait.ge [sflag:s9], $0x4000  }
0xd2: {  	[sflag:s9] =	ssyncset.done $0x0  }
0xd3: {  	[sflag:s9] =	ssyncadd.s32 $0xFFFFC000  }
0xd4: {  	v3 =	vld [tilespmem:$0x40];
	_ =	sdelay $0x4  }
0xd5: {  	v60 =	vshll.u32 v3, $0x2  }
0xd6: {  	v3 =	vand.u32 $0x7, v3;
	v4 =	vand.u32 $0xFFFFFFE0, v60  }
0xd7: {  	v3 =	vor.u32 v3, v4  }
0xd8: {  	v4 =	vperm.xlane v3, v0;
	_ =	sdelay $0x1  }
0xd9: {  	v4 =	vadd.s32 v1, v4;
	_ =	sdelay $0x1  }
0xda: {  	v3 =	vperm.xlane v3, v2;
	_ =	sdelay $0x1  }
0xdb: {  	v3 =	vadd.s32 v1, v3  }
0xdc: {  	[tilespmem:s15], [sflag:$0x1] =	stream.indirect_vreg.gather [hbm4b:s0+s4], $0x80, v4, vm0, $0xb8;
	[tilespmem:$0xC400] =	vst v63  }
0xdd: {  	_ = 	snop  }
0xde: {  	[tilespmem:s16], [sflag:$0x1] =	stream.indirect_vreg.gather [hbm4b:s6+s4], $0x80, v4, vm0, $0xb8;
	[tilespmem:$0xC400] =	vst v63  }
0xdf: {  	_ = 	snop  }
0xe0: {  	[tilespmem:s17], [sflag:$0x1] =	stream.indirect_vreg.gather [hbm4b:s0+s4], $0x80, v3, vm0, $0xb8;
	[tilespmem:$0xC400] =	vst v63  }
0xe1: {  	_ = 	snop  }
0xe2: {  	[tilespmem:s18], [sflag:$0x1] =	stream.indirect_vreg.gather [hbm4b:s6+s4], $0x80, v3, vm0, $0xb8;
	[tilespmem:$0xC400] =	vst v63  }
0xe3: {  	v3 =	vld [tilespmem:$0x50];
	_ =	sdelay $0x4  }
0xe4: {  	v61 =	vshll.u32 v3, $0x2  }
0xe5: {  	v3 =	vand.u32 $0x7, v3;
	v4 =	vand.u32 $0xFFFFFFE0, v61  }
0xe6: {  	v3 =	vor.u32 v3, v4  }
0xe7: {  	v4 =	vperm.xlane v3, v0;
	_ =	sdelay $0x1  }
0xe8: {  	v4 =	vadd.s32 v1, v4;
	_ =	sdelay $0x1  }
0xe9: {  	v3 =	vperm.xlane v3, v2;
	_ =	sdelay $0x1  }
0xea: {  	v3 =	vadd.s32 v1, v3  }
0xeb: {  	[tilespmem:s19], [sflag:$0x1] =	stream.indirect_vreg.gather [hbm4b:s0+s4], $0x80, v4, vm0, $0xb8;
	[tilespmem:$0xC400] =	vst v63  }
0xec: {  	_ = 	snop  }
0xed: {  	[tilespmem:s20], [sflag:$0x1] =	stream.indirect_vreg.gather [hbm4b:s6+s4], $0x80, v4, vm0, $0xb8;
	[tilespmem:$0xC400] =	vst v63  }
0xee: {  	_ = 	snop  }
0xef: {  	[tilespmem:s21], [sflag:$0x1] =	stream.indirect_vreg.gather [hbm4b:s0+s4], $0x80, v3, vm0, $0xb8;
	[tilespmem:$0xC400] =	vst v63  }
0xf0: {  	_ = 	snop  }
0xf1: {  	[tilespmem:s22], [sflag:$0x1] =	stream.indirect_vreg.gather [hbm4b:s6+s4], $0x80, v3, vm0, $0xb8;
	[tilespmem:$0xC400] =	vst v63  }
0xf2: {  	_ =	swait.ge [sflag:s13], $0x4000  }
0xf3: {  	[sflag:s13] =	ssyncset.done $0x0  }
0xf4: {  	s2 =	rddreg [dreg:$0x14];
	[sflag:s13] =	ssyncadd.s32 $0xFFFFC000  }
0xf5: {  	[hbm4b:s2+s4] =	stream.linear.scatter [tilespmem:s15], [sflag:$0x3], $0x4000, $0x38;
	[tilespmem:$0xC400] =	vst v63  }
0xf6: {  	_ =	swait.ge [sflag:s9], $0x4000  }
0xf7: {  	[sflag:s9] =	ssyncset.done $0x0  }
0xf8: {  	[sflag:s9] =	ssyncadd.s32 $0xFFFFC000  }
0xf9: {  	v3 =	vld [tilespmem:$0x60];
	_ =	sdelay $0x4  }
0xfa: {  	v62 =	vshll.u32 v3, $0x2  }
0xfb: {  	v3 =	vand.u32 $0x7, v3;
	v4 =	vand.u32 $0xFFFFFFE0, v62  }
0xfc: {  	v3 =	vor.u32 v3, v4  }
0xfd: {  	v4 =	vperm.xlane v3, v0;
	_ =	sdelay $0x1  }
0xfe: {  	v4 =	vadd.s32 v1, v4;
	_ =	sdelay $0x1  }
0xff: {  	v3 =	vperm.xlane v3, v2;
	_ =	sdelay $0x1  }
0x100: {  	v3 =	vadd.s32 v1, v3  }
0x101: {  	[tilespmem:s23], [sflag:$0x2] =	stream.indirect_vreg.gather [hbm4b:s0+s4], $0x80, v4, vm0, $0xb8;
	[tilespmem:$0xC400] =	vst v63  }
0x102: {  	_ = 	snop  }
0x103: {  	[tilespmem:s24], [sflag:$0x2] =	stream.indirect_vreg.gather [hbm4b:s6+s4], $0x80, v4, vm0, $0xb8;
	[tilespmem:$0xC400] =	vst v63  }
0x104: {  	_ = 	snop  }
0x105: {  	[tilespmem:s25], [sflag:$0x2] =	stream.indirect_vreg.gather [hbm4b:s0+s4], $0x80, v3, vm0, $0xb8;
	[tilespmem:$0xC400] =	vst v63  }
0x106: {  	_ = 	snop  }
0x107: {  	[tilespmem:s26], [sflag:$0x2] =	stream.indirect_vreg.gather [hbm4b:s6+s4], $0x80, v3, vm0, $0xb8;
	[tilespmem:$0xC400] =	vst v63  }
0x108: {  	v3 =	vld [tilespmem:$0x70];
	_ =	sdelay $0x4  }
0x109: {  	v63 =	vshll.u32 v3, $0x2  }
0x10a: {  	v3 =	vand.u32 $0x7, v3;
	v4 =	vand.u32 $0xFFFFFFE0, v63  }
0x10b: {  	v3 =	vor.u32 v3, v4  }
0x10c: {  	v4 =	vperm.xlane v3, v0;
	_ =	sdelay $0x1  }
0x10d: {  	v4 =	vadd.s32 v1, v4;
	_ =	sdelay $0x1  }
0x10e: {  	v3 =	vperm.xlane v3, v2;
	_ =	sdelay $0x1  }
0x10f: {  	v3 =	vadd.s32 v1, v3  }
0x110: {  	[tilespmem:s28], [sflag:$0x2] =	stream.indirect_vreg.gather [hbm4b:s0+s4], $0x80, v4, vm0, $0xb8;
	[tilespmem:$0xC400] =	vst v63  }
0x111: {  	_ = 	snop  }
0x112: {  	[tilespmem:s29], [sflag:$0x2] =	stream.indirect_vreg.gather [hbm4b:s6+s4], $0x80, v4, vm0, $0xb8;
	[tilespmem:$0xC400] =	vst v63  }
0x113: {  	_ = 	snop  }
0x114: {  	[tilespmem:s30], [sflag:$0x2] =	stream.indirect_vreg.gather [hbm4b:s0+s4], $0x80, v3, vm0, $0xb8;
	[tilespmem:$0xC400] =	vst v63  }
0x115: {  	_ = 	snop  }
0x116: {  	[tilespmem:s31], [sflag:$0x2] =	stream.indirect_vreg.gather [hbm4b:s6+s4], $0x80, v3, vm0, $0xb8;
	[tilespmem:$0xC400] =	vst v63  }
0x117: {  	_ =	swait.ge [sflag:s3], $0x4000  }
0x118: {  	[sflag:s3] =	ssyncset.done $0x0  }
0x119: {  	s2 =	rddreg [dreg:$0x15];
	[sflag:s3] =	ssyncadd.s32 $0xFFFFC000  }
0x11a: {  	[hbm4b:s2+s4] =	stream.linear.scatter [tilespmem:s23], [sflag:$0x3], $0x4000, $0x38;
	[tilespmem:$0xC400] =	vst v63  }
0x11b: {  	_ =	swait.ge [sflag:s9], $0x4000  }
0x11c: {  	[sflag:s9] =	ssyncset.done $0x0  }
0x11d: {  	[sflag:s9] =	ssyncadd.s32 $0xFFFFC000  }
0x11e: {  	v3 =	vld [tilespmem:$0x80];
	_ =	sdelay $0x4  }
0x11f: {  	v8 =	vshll.u32 v3, $0x2  }
0x120: {  	v3 =	vand.u32 $0x7, v3;
	v4 =	vand.u32 $0xFFFFFFE0, v8  }
0x121: {  	v3 =	vor.u32 v3, v4  }
0x122: {  	v4 =	vperm.xlane v3, v0;
	_ =	sdelay $0x1  }
0x123: {  	v4 =	vadd.s32 v1, v4;
	_ =	sdelay $0x1  }
0x124: {  	v3 =	vperm.xlane v3, v2;
	_ =	sdelay $0x1  }
0x125: {  	v3 =	vadd.s32 v1, v3  }
0x126: {  	[tilespmem:s15], [sflag:$0x1] =	stream.indirect_vreg.gather [hbm4b:s0+s4], $0x80, v4, vm0, $0xb8;
	[tilespmem:$0xC400] =	vst v63  }
0x127: {  	_ = 	snop  }
0x128: {  	[tilespmem:s16], [sflag:$0x1] =	stream.indirect_vreg.gather [hbm4b:s6+s4], $0x80, v4, vm0, $0xb8;
	[tilespmem:$0xC400] =	vst v63  }
0x129: {  	_ = 	snop  }
0x12a: {  	[tilespmem:s17], [sflag:$0x1] =	stream.indirect_vreg.gather [hbm4b:s0+s4], $0x80, v3, vm0, $0xb8;
	[tilespmem:$0xC400] =	vst v63  }
0x12b: {  	_ = 	snop  }
0x12c: {  	[tilespmem:s18], [sflag:$0x1] =	stream.indirect_vreg.gather [hbm4b:s6+s4], $0x80, v3, vm0, $0xb8;
	[tilespmem:$0xC400] =	vst v63  }
0x12d: {  	v3 =	vld [tilespmem:$0x90];
	_ =	sdelay $0x4  }
0x12e: {  	v9 =	vshll.u32 v3, $0x2  }
0x12f: {  	v3 =	vand.u32 $0x7, v3;
	v4 =	vand.u32 $0xFFFFFFE0, v9  }
0x130: {  	v3 =	vor.u32 v3, v4  }
0x131: {  	v4 =	vperm.xlane v3, v0;
	_ =	sdelay $0x1  }
0x132: {  	v4 =	vadd.s32 v1, v4;
	_ =	sdelay $0x1  }
0x133: {  	v3 =	vperm.xlane v3, v2;
	_ =	sdelay $0x1  }
0x134: {  	v3 =	vadd.s32 v1, v3  }
0x135: {  	[tilespmem:s19], [sflag:$0x1] =	stream.indirect_vreg.gather [hbm4b:s0+s4], $0x80, v4, vm0, $0xb8;
	[tilespmem:$0xC400] =	vst v63  }
0x136: {  	_ = 	snop  }
0x137: {  	[tilespmem:s20], [sflag:$0x1] =	stream.indirect_vreg.gather [hbm4b:s6+s4], $0x80, v4, vm0, $0xb8;
	[tilespmem:$0xC400] =	vst v63  }
0x138: {  	_ = 	snop  }
0x139: {  	[tilespmem:s21], [sflag:$0x1] =	stream.indirect_vreg.gather [hbm4b:s0+s4], $0x80, v3, vm0, $0xb8;
	[tilespmem:$0xC400] =	vst v63  }
0x13a: {  	_ = 	snop  }
0x13b: {  	[tilespmem:s22], [sflag:$0x1] =	stream.indirect_vreg.gather [hbm4b:s6+s4], $0x80, v3, vm0, $0xb8;
	[tilespmem:$0xC400] =	vst v63  }
0x13c: {  	_ =	swait.ge [sflag:s13], $0x4000  }
0x13d: {  	[sflag:s13] =	ssyncset.done $0x0  }
0x13e: {  	s2 =	rddreg [dreg:$0x16];
	[sflag:s13] =	ssyncadd.s32 $0xFFFFC000  }
0x13f: {  	[hbm4b:s2+s4] =	stream.linear.scatter [tilespmem:s15], [sflag:$0x3], $0x4000, $0x38;
	[tilespmem:$0xC400] =	vst v63  }
0x140: {  	_ =	swait.ge [sflag:s9], $0x4000  }
0x141: {  	[sflag:s9] =	ssyncset.done $0x0  }
0x142: {  	[sflag:s9] =	ssyncadd.s32 $0xFFFFC000  }
0x143: {  	v3 =	vld [tilespmem:$0xA0];
	_ =	sdelay $0x4  }
0x144: {  	v10 =	vshll.u32 v3, $0x2  }
0x145: {  	v3 =	vand.u32 $0x7, v3;
	v4 =	vand.u32 $0xFFFFFFE0, v10  }
0x146: {  	v3 =	vor.u32 v3, v4  }
0x147: {  	v4 =	vperm.xlane v3, v0;
	_ =	sdelay $0x1  }
0x148: {  	v4 =	vadd.s32 v1, v4;
	_ =	sdelay $0x1  }
0x149: {  	v3 =	vperm.xlane v3, v2;
	_ =	sdelay $0x1  }
0x14a: {  	v3 =	vadd.s32 v1, v3  }
0x14b: {  	[tilespmem:s23], [sflag:$0x2] =	stream.indirect_vreg.gather [hbm4b:s0+s4], $0x80, v4, vm0, $0xb8;
	[tilespmem:$0xC400] =	vst v63  }
0x14c: {  	_ = 	snop  }
0x14d: {  	[tilespmem:s24], [sflag:$0x2] =	stream.indirect_vreg.gather [hbm4b:s6+s4], $0x80, v4, vm0, $0xb8;
	[tilespmem:$0xC400] =	vst v63  }
0x14e: {  	_ = 	snop  }
0x14f: {  	[tilespmem:s25], [sflag:$0x2] =	stream.indirect_vreg.gather [hbm4b:s0+s4], $0x80, v3, vm0, $0xb8;
	[tilespmem:$0xC400] =	vst v63  }
0x150: {  	_ = 	snop  }
0x151: {  	[tilespmem:s26], [sflag:$0x2] =	stream.indirect_vreg.gather [hbm4b:s6+s4], $0x80, v3, vm0, $0xb8;
	[tilespmem:$0xC400] =	vst v63  }
0x152: {  	v3 =	vld [tilespmem:$0xB0];
	_ =	sdelay $0x4  }
0x153: {  	v11 =	vshll.u32 v3, $0x2  }
0x154: {  	v3 =	vand.u32 $0x7, v3;
	v4 =	vand.u32 $0xFFFFFFE0, v11  }
0x155: {  	v3 =	vor.u32 v3, v4  }
0x156: {  	v4 =	vperm.xlane v3, v0;
	_ =	sdelay $0x1  }
0x157: {  	v4 =	vadd.s32 v1, v4;
	_ =	sdelay $0x1  }
0x158: {  	v3 =	vperm.xlane v3, v2;
	_ =	sdelay $0x1  }
0x159: {  	v3 =	vadd.s32 v1, v3  }
0x15a: {  	[tilespmem:s28], [sflag:$0x2] =	stream.indirect_vreg.gather [hbm4b:s0+s4], $0x80, v4, vm0, $0xb8;
	[tilespmem:$0xC400] =	vst v63  }
0x15b: {  	_ = 	snop  }
0x15c: {  	[tilespmem:s29], [sflag:$0x2] =	stream.indirect_vreg.gather [hbm4b:s6+s4], $0x80, v4, vm0, $0xb8;
	[tilespmem:$0xC400] =	vst v63  }
0x15d: {  	_ = 	snop  }
0x15e: {  	[tilespmem:s30], [sflag:$0x2] =	stream.indirect_vreg.gather [hbm4b:s0+s4], $0x80, v3, vm0, $0xb8;
	[tilespmem:$0xC400] =	vst v63  }
0x15f: {  	_ = 	snop  }
0x160: {  	[tilespmem:s31], [sflag:$0x2] =	stream.indirect_vreg.gather [hbm4b:s6+s4], $0x80, v3, vm0, $0xb8;
	[tilespmem:$0xC400] =	vst v63  }
0x161: {  	_ =	swait.ge [sflag:s3], $0x4000  }
0x162: {  	[sflag:s3] =	ssyncset.done $0x0  }
0x163: {  	s2 =	rddreg [dreg:$0x17];
	[sflag:s3] =	ssyncadd.s32 $0xFFFFC000  }
0x164: {  	[hbm4b:s2+s4] =	stream.linear.scatter [tilespmem:s23], [sflag:$0x3], $0x4000, $0x38;
	[tilespmem:$0xC400] =	vst v63  }
0x165: {  	_ =	swait.ge [sflag:s9], $0x4000  }
0x166: {  	[sflag:s9] =	ssyncset.done $0x0  }
0x167: {  	[sflag:s9] =	ssyncadd.s32 $0xFFFFC000  }
0x168: {  	v3 =	vld [tilespmem:$0xC0];
	_ =	sdelay $0x4  }
0x169: {  	v12 =	vshll.u32 v3, $0x2  }
0x16a: {  	v3 =	vand.u32 $0x7, v3;
	v4 =	vand.u32 $0xFFFFFFE0, v12  }
0x16b: {  	v3 =	vor.u32 v3, v4  }
0x16c: {  	v4 =	vperm.xlane v3, v0;
	_ =	sdelay $0x1  }
0x16d: {  	v4 =	vadd.s32 v1, v4;
	_ =	sdelay $0x1  }
0x16e: {  	v3 =	vperm.xlane v3, v2;
	_ =	sdelay $0x1  }
0x16f: {  	v3 =	vadd.s32 v1, v3  }
0x170: {  	[tilespmem:s15], [sflag:$0x1] =	stream.indirect_vreg.gather [hbm4b:s0+s4], $0x80, v4, vm0, $0xb8;
	[tilespmem:$0xC400] =	vst v63  }
0x171: {  	_ = 	snop  }
0x172: {  	[tilespmem:s16], [sflag:$0x1] =	stream.indirect_vreg.gather [hbm4b:s6+s4], $0x80, v4, vm0, $0xb8;
	[tilespmem:$0xC400] =	vst v63  }
0x173: {  	_ = 	snop  }
0x174: {  	[tilespmem:s17], [sflag:$0x1] =	stream.indirect_vreg.gather [hbm4b:s0+s4], $0x80, v3, vm0, $0xb8;
	[tilespmem:$0xC400] =	vst v63  }
0x175: {  	_ = 	snop  }
0x176: {  	[tilespmem:s18], [sflag:$0x1] =	stream.indirect_vreg.gather [hbm4b:s6+s4], $0x80, v3, vm0, $0xb8;
	[tilespmem:$0xC400] =	vst v63  }
0x177: {  	v3 =	vld [tilespmem:$0xD0];
	_ =	sdelay $0x4  }
0x178: {  	v13 =	vshll.u32 v3, $0x2  }
0x179: {  	v3 =	vand.u32 $0x7, v3;
	v4 =	vand.u32 $0xFFFFFFE0, v13  }
0x17a: {  	v3 =	vor.u32 v3, v4  }
0x17b: {  	v4 =	vperm.xlane v3, v0;
	_ =	sdelay $0x1  }
0x17c: {  	v4 =	vadd.s32 v1, v4;
	_ =	sdelay $0x1  }
0x17d: {  	v3 =	vperm.xlane v3, v2;
	_ =	sdelay $0x1  }
0x17e: {  	v3 =	vadd.s32 v1, v3  }
0x17f: {  	[tilespmem:s19], [sflag:$0x1] =	stream.indirect_vreg.gather [hbm4b:s0+s4], $0x80, v4, vm0, $0xb8;
	[tilespmem:$0xC400] =	vst v63  }
0x180: {  	_ = 	snop  }
0x181: {  	[tilespmem:s20], [sflag:$0x1] =	stream.indirect_vreg.gather [hbm4b:s6+s4], $0x80, v4, vm0, $0xb8;
	[tilespmem:$0xC400] =	vst v63  }
0x182: {  	_ = 	snop  }
0x183: {  	[tilespmem:s21], [sflag:$0x1] =	stream.indirect_vreg.gather [hbm4b:s0+s4], $0x80, v3, vm0, $0xb8;
	[tilespmem:$0xC400] =	vst v63  }
0x184: {  	_ = 	snop  }
0x185: {  	[tilespmem:s22], [sflag:$0x1] =	stream.indirect_vreg.gather [hbm4b:s6+s4], $0x80, v3, vm0, $0xb8;
	[tilespmem:$0xC400] =	vst v63  }
0x186: {  	_ =	swait.ge [sflag:s13], $0x4000  }
0x187: {  	[sflag:s13] =	ssyncset.done $0x0  }
0x188: {  	s2 =	rddreg [dreg:$0x18];
	[sflag:s13] =	ssyncadd.s32 $0xFFFFC000  }
0x189: {  	[hbm4b:s2+s4] =	stream.linear.scatter [tilespmem:s15], [sflag:$0x3], $0x4000, $0x38;
	[tilespmem:$0xC400] =	vst v63  }
0x18a: {  	_ =	swait.ge [sflag:s9], $0x4000  }
0x18b: {  	[sflag:s9] =	ssyncset.done $0x0  }
0x18c: {  	[sflag:s9] =	ssyncadd.s32 $0xFFFFC000  }
0x18d: {  	v3 =	vld [tilespmem:$0xE0];
	_ =	sdelay $0x4  }
0x18e: {  	v14 =	vshll.u32 v3, $0x2  }
0x18f: {  	v3 =	vand.u32 $0x7, v3;
	v4 =	vand.u32 $0xFFFFFFE0, v14  }
0x190: {  	v3 =	vor.u32 v3, v4  }
0x191: {  	v4 =	vperm.xlane v3, v0;
	_ =	sdelay $0x1  }
0x192: {  	v4 =	vadd.s32 v1, v4;
	_ =	sdelay $0x1  }
0x193: {  	v3 =	vperm.xlane v3, v2;
	_ =	sdelay $0x1  }
0x194: {  	v3 =	vadd.s32 v1, v3  }
0x195: {  	[tilespmem:s23], [sflag:$0x2] =	stream.indirect_vreg.gather [hbm4b:s0+s4], $0x80, v4, vm0, $0xb8;
	[tilespmem:$0xC400] =	vst v63  }
0x196: {  	_ = 	snop  }
0x197: {  	[tilespmem:s24], [sflag:$0x2] =	stream.indirect_vreg.gather [hbm4b:s6+s4], $0x80, v4, vm0, $0xb8;
	[tilespmem:$0xC400] =	vst v63  }
0x198: {  	_ = 	snop  }
0x199: {  	[tilespmem:s25], [sflag:$0x2] =	stream.indirect_vreg.gather [hbm4b:s0+s4], $0x80, v3, vm0, $0xb8;
	[tilespmem:$0xC400] =	vst v63  }
0x19a: {  	_ = 	snop  }
0x19b: {  	[tilespmem:s26], [sflag:$0x2] =	stream.indirect_vreg.gather [hbm4b:s6+s4], $0x80, v3, vm0, $0xb8;
	[tilespmem:$0xC400] =	vst v63  }
0x19c: {  	v3 =	vld [tilespmem:$0xF0];
	_ =	sdelay $0x4  }
0x19d: {  	v15 =	vshll.u32 v3, $0x2  }
0x19e: {  	v3 =	vand.u32 $0x7, v3;
	v4 =	vand.u32 $0xFFFFFFE0, v15  }
0x19f: {  	v3 =	vor.u32 v3, v4  }
0x1a0: {  	v4 =	vperm.xlane v3, v0;
	_ =	sdelay $0x1  }
0x1a1: {  	v4 =	vadd.s32 v1, v4;
	_ =	sdelay $0x1  }
0x1a2: {  	v3 =	vperm.xlane v3, v2;
	_ =	sdelay $0x1  }
0x1a3: {  	v3 =	vadd.s32 v1, v3  }
0x1a4: {  	[tilespmem:s28], [sflag:$0x2] =	stream.indirect_vreg.gather [hbm4b:s0+s4], $0x80, v4, vm0, $0xb8;
	[tilespmem:$0xC400] =	vst v63  }
0x1a5: {  	_ = 	snop  }
0x1a6: {  	[tilespmem:s29], [sflag:$0x2] =	stream.indirect_vreg.gather [hbm4b:s6+s4], $0x80, v4, vm0, $0xb8;
	[tilespmem:$0xC400] =	vst v63  }
0x1a7: {  	_ = 	snop  }
0x1a8: {  	[tilespmem:s30], [sflag:$0x2] =	stream.indirect_vreg.gather [hbm4b:s0+s4], $0x80, v3, vm0, $0xb8;
	[tilespmem:$0xC400] =	vst v63  }
0x1a9: {  	_ = 	snop  }
0x1aa: {  	[tilespmem:s31], [sflag:$0x2] =	stream.indirect_vreg.gather [hbm4b:s6+s4], $0x80, v3, vm0, $0xb8;
	[tilespmem:$0xC400] =	vst v63  }
0x1ab: {  	_ =	swait.ge [sflag:s3], $0x4000  }
0x1ac: {  	[sflag:s3] =	ssyncset.done $0x0  }
0x1ad: {  	s2 =	rddreg [dreg:$0x19];
	[sflag:s3] =	ssyncadd.s32 $0xFFFFC000  }
0x1ae: {  	[hbm4b:s2+s4] =	stream.linear.scatter [tilespmem:s23], [sflag:$0x3], $0x4000, $0x38;
	[tilespmem:$0xC400] =	vst v63  }
0x1af: {  	_ =	swait.ge [sflag:s9], $0x4000  }
0x1b0: {  	[sflag:s9] =	ssyncset.done $0x0  }
0x1b1: {  	[sflag:s9] =	ssyncadd.s32 $0xFFFFC000  }
0x1b2: {  	v3 =	vld [tilespmem:$0x100];
	_ =	sdelay $0x4  }
0x1b3: {  	v16 =	vshll.u32 v3, $0x2  }
0x1b4: {  	v3 =	vand.u32 $0x7, v3;
	v4 =	vand.u32 $0xFFFFFFE0, v16  }
0x1b5: {  	v3 =	vor.u32 v3, v4  }
0x1b6: {  	v4 =	vperm.xlane v3, v0;
	_ =	sdelay $0x1  }
0x1b7: {  	v4 =	vadd.s32 v1, v4;
	_ =	sdelay $0x1  }
0x1b8: {  	v3 =	vperm.xlane v3, v2;
	_ =	sdelay $0x1  }
0x1b9: {  	v3 =	vadd.s32 v1, v3  }
0x1ba: {  	[tilespmem:s15], [sflag:$0x1] =	stream.indirect_vreg.gather [hbm4b:s0+s4], $0x80, v4, vm0, $0xb8;
	[tilespmem:$0xC400] =	vst v63  }
0x1bb: {  	_ = 	snop  }
0x1bc: {  	[tilespmem:s16], [sflag:$0x1] =	stream.indirect_vreg.gather [hbm4b:s6+s4], $0x80, v4, vm0, $0xb8;
	[tilespmem:$0xC400] =	vst v63  }
0x1bd: {  	_ = 	snop  }
0x1be: {  	[tilespmem:s17], [sflag:$0x1] =	stream.indirect_vreg.gather [hbm4b:s0+s4], $0x80, v3, vm0, $0xb8;
	[tilespmem:$0xC400] =	vst v63  }
0x1bf: {  	_ = 	snop  }
0x1c0: {  	[tilespmem:s18], [sflag:$0x1] =	stream.indirect_vreg.gather [hbm4b:s6+s4], $0x80, v3, vm0, $0xb8;
	[tilespmem:$0xC400] =	vst v63  }
0x1c1: {  	v3 =	vld [tilespmem:$0x110];
	_ =	sdelay $0x4  }
0x1c2: {  	v17 =	vshll.u32 v3, $0x2  }
0x1c3: {  	v3 =	vand.u32 $0x7, v3;
	v4 =	vand.u32 $0xFFFFFFE0, v17  }
0x1c4: {  	v3 =	vor.u32 v3, v4  }
0x1c5: {  	v4 =	vperm.xlane v3, v0;
	_ =	sdelay $0x1  }
0x1c6: {  	v4 =	vadd.s32 v1, v4;
	_ =	sdelay $0x1  }
0x1c7: {  	v3 =	vperm.xlane v3, v2;
	_ =	sdelay $0x1  }
0x1c8: {  	v3 =	vadd.s32 v1, v3  }
0x1c9: {  	[tilespmem:s19], [sflag:$0x1] =	stream.indirect_vreg.gather [hbm4b:s0+s4], $0x80, v4, vm0, $0xb8;
	[tilespmem:$0xC400] =	vst v63  }
0x1ca: {  	_ = 	snop  }
0x1cb: {  	[tilespmem:s20], [sflag:$0x1] =	stream.indirect_vreg.gather [hbm4b:s6+s4], $0x80, v4, vm0, $0xb8;
	[tilespmem:$0xC400] =	vst v63  }
0x1cc: {  	_ = 	snop  }
0x1cd: {  	[tilespmem:s21], [sflag:$0x1] =	stream.indirect_vreg.gather [hbm4b:s0+s4], $0x80, v3, vm0, $0xb8;
	[tilespmem:$0xC400] =	vst v63  }
0x1ce: {  	_ = 	snop  }
0x1cf: {  	[tilespmem:s22], [sflag:$0x1] =	stream.indirect_vreg.gather [hbm4b:s6+s4], $0x80, v3, vm0, $0xb8;
	[tilespmem:$0xC400] =	vst v63  }
0x1d0: {  	_ =	swait.ge [sflag:s13], $0x4000  }
0x1d1: {  	[sflag:s13] =	ssyncset.done $0x0  }
0x1d2: {  	s2 =	rddreg [dreg:$0x1a];
	[sflag:s13] =	ssyncadd.s32 $0xFFFFC000  }
0x1d3: {  	[hbm4b:s2+s4] =	stream.linear.scatter [tilespmem:s15], [sflag:$0x3], $0x4000, $0x38;
	[tilespmem:$0xC400] =	vst v63  }
0x1d4: {  	_ =	swait.ge [sflag:s9], $0x4000  }
0x1d5: {  	[sflag:s9] =	ssyncset.done $0x0  }
0x1d6: {  	[sflag:s9] =	ssyncadd.s32 $0xFFFFC000  }
0x1d7: {  	v3 =	vld [tilespmem:$0x120];
	_ =	sdelay $0x4  }
0x1d8: {  	v18 =	vshll.u32 v3, $0x2  }
0x1d9: {  	v3 =	vand.u32 $0x7, v3;
	v4 =	vand.u32 $0xFFFFFFE0, v18  }
0x1da: {  	v3 =	vor.u32 v3, v4  }
0x1db: {  	v4 =	vperm.xlane v3, v0;
	_ =	sdelay $0x1  }
0x1dc: {  	v4 =	vadd.s32 v1, v4;
	_ =	sdelay $0x1  }
0x1dd: {  	v3 =	vperm.xlane v3, v2;
	_ =	sdelay $0x1  }
0x1de: {  	v3 =	vadd.s32 v1, v3  }
0x1df: {  	[tilespmem:s23], [sflag:$0x2] =	stream.indirect_vreg.gather [hbm4b:s0+s4], $0x80, v4, vm0, $0xb8;
	[tilespmem:$0xC400] =	vst v63  }
0x1e0: {  	_ = 	snop  }
0x1e1: {  	[tilespmem:s24], [sflag:$0x2] =	stream.indirect_vreg.gather [hbm4b:s6+s4], $0x80, v4, vm0, $0xb8;
	[tilespmem:$0xC400] =	vst v63  }
0x1e2: {  	_ = 	snop  }
0x1e3: {  	[tilespmem:s25], [sflag:$0x2] =	stream.indirect_vreg.gather [hbm4b:s0+s4], $0x80, v3, vm0, $0xb8;
	[tilespmem:$0xC400] =	vst v63  }
0x1e4: {  	_ = 	snop  }
0x1e5: {  	[tilespmem:s26], [sflag:$0x2] =	stream.indirect_vreg.gather [hbm4b:s6+s4], $0x80, v3, vm0, $0xb8;
	[tilespmem:$0xC400] =	vst v63  }
0x1e6: {  	v3 =	vld [tilespmem:$0x130];
	_ =	sdelay $0x4  }
0x1e7: {  	v19 =	vshll.u32 v3, $0x2  }
0x1e8: {  	v3 =	vand.u32 $0x7, v3;
	v4 =	vand.u32 $0xFFFFFFE0, v19  }
0x1e9: {  	v3 =	vor.u32 v3, v4  }
0x1ea: {  	v4 =	vperm.xlane v3, v0;
	_ =	sdelay $0x1  }
0x1eb: {  	v4 =	vadd.s32 v1, v4;
	_ =	sdelay $0x1  }
0x1ec: {  	v3 =	vperm.xlane v3, v2;
	_ =	sdelay $0x1  }
0x1ed: {  	v3 =	vadd.s32 v1, v3  }
0x1ee: {  	[tilespmem:s28], [sflag:$0x2] =	stream.indirect_vreg.gather [hbm4b:s0+s4], $0x80, v4, vm0, $0xb8;
	[tilespmem:$0xC400] =	vst v63  }
0x1ef: {  	_ = 	snop  }
0x1f0: {  	[tilespmem:s29], [sflag:$0x2] =	stream.indirect_vreg.gather [hbm4b:s6+s4], $0x80, v4, vm0, $0xb8;
	[tilespmem:$0xC400] =	vst v63  }
0x1f1: {  	_ = 	snop  }
0x1f2: {  	[tilespmem:s30], [sflag:$0x2] =	stream.indirect_vreg.gather [hbm4b:s0+s4], $0x80, v3, vm0, $0xb8;
	[tilespmem:$0xC400] =	vst v63  }
0x1f3: {  	_ = 	snop  }
0x1f4: {  	[tilespmem:s31], [sflag:$0x2] =	stream.indirect_vreg.gather [hbm4b:s6+s4], $0x80, v3, vm0, $0xb8;
	[tilespmem:$0xC400] =	vst v63  }
0x1f5: {  	_ =	swait.ge [sflag:s3], $0x4000  }
0x1f6: {  	[sflag:s3] =	ssyncset.done $0x0  }
0x1f7: {  	s2 =	rddreg [dreg:$0x1b];
	[sflag:s3] =	ssyncadd.s32 $0xFFFFC000  }
0x1f8: {  	[hbm4b:s2+s4] =	stream.linear.scatter [tilespmem:s23], [sflag:$0x3], $0x4000, $0x38;
	[tilespmem:$0xC400] =	vst v63  }
0x1f9: {  	_ =	swait.ge [sflag:s9], $0x4000  }
0x1fa: {  	[sflag:s9] =	ssyncset.done $0x0  }
0x1fb: {  	[sflag:s9] =	ssyncadd.s32 $0xFFFFC000  }
0x1fc: {  	v3 =	vld [tilespmem:$0x140];
	_ =	sdelay $0x4  }
0x1fd: {  	v20 =	vshll.u32 v3, $0x2  }
0x1fe: {  	v3 =	vand.u32 $0x7, v3;
	v4 =	vand.u32 $0xFFFFFFE0, v20  }
0x1ff: {  	v3 =	vor.u32 v3, v4  }
0x200: {  	v4 =	vperm.xlane v3, v0;
	_ =	sdelay $0x1  }
0x201: {  	v4 =	vadd.s32 v1, v4;
	_ =	sdelay $0x1  }
0x202: {  	v3 =	vperm.xlane v3, v2;
	_ =	sdelay $0x1  }
0x203: {  	v3 =	vadd.s32 v1, v3  }
0x204: {  	[tilespmem:s15], [sflag:$0x1] =	stream.indirect_vreg.gather [hbm4b:s0+s4], $0x80, v4, vm0, $0xb8;
	[tilespmem:$0xC400] =	vst v63  }
0x205: {  	_ = 	snop  }
0x206: {  	[tilespmem:s16], [sflag:$0x1] =	stream.indirect_vreg.gather [hbm4b:s6+s4], $0x80, v4, vm0, $0xb8;
	[tilespmem:$0xC400] =	vst v63  }
0x207: {  	_ = 	snop  }
0x208: {  	[tilespmem:s17], [sflag:$0x1] =	stream.indirect_vreg.gather [hbm4b:s0+s4], $0x80, v3, vm0, $0xb8;
	[tilespmem:$0xC400] =	vst v63  }
0x209: {  	_ = 	snop  }
0x20a: {  	[tilespmem:s18], [sflag:$0x1] =	stream.indirect_vreg.gather [hbm4b:s6+s4], $0x80, v3, vm0, $0xb8;
	[tilespmem:$0xC400] =	vst v63  }
0x20b: {  	v3 =	vld [tilespmem:$0x150];
	_ =	sdelay $0x4  }
0x20c: {  	v21 =	vshll.u32 v3, $0x2  }
0x20d: {  	v3 =	vand.u32 $0x7, v3;
	v4 =	vand.u32 $0xFFFFFFE0, v21  }
0x20e: {  	v3 =	vor.u32 v3, v4  }
0x20f: {  	v4 =	vperm.xlane v3, v0;
	_ =	sdelay $0x1  }
0x210: {  	v4 =	vadd.s32 v1, v4;
	_ =	sdelay $0x1  }
0x211: {  	v3 =	vperm.xlane v3, v2;
	_ =	sdelay $0x1  }
0x212: {  	v3 =	vadd.s32 v1, v3  }
0x213: {  	[tilespmem:s19], [sflag:$0x1] =	stream.indirect_vreg.gather [hbm4b:s0+s4], $0x80, v4, vm0, $0xb8;
	[tilespmem:$0xC400] =	vst v63  }
0x214: {  	_ = 	snop  }
0x215: {  	[tilespmem:s20], [sflag:$0x1] =	stream.indirect_vreg.gather [hbm4b:s6+s4], $0x80, v4, vm0, $0xb8;
	[tilespmem:$0xC400] =	vst v63  }
0x216: {  	_ = 	snop  }
0x217: {  	[tilespmem:s21], [sflag:$0x1] =	stream.indirect_vreg.gather [hbm4b:s0+s4], $0x80, v3, vm0, $0xb8;
	[tilespmem:$0xC400] =	vst v63  }
0x218: {  	_ = 	snop  }
0x219: {  	[tilespmem:s22], [sflag:$0x1] =	stream.indirect_vreg.gather [hbm4b:s6+s4], $0x80, v3, vm0, $0xb8;
	[tilespmem:$0xC400] =	vst v63  }
0x21a: {  	_ =	swait.ge [sflag:s13], $0x4000  }
0x21b: {  	[sflag:s13] =	ssyncset.done $0x0  }
0x21c: {  	s2 =	rddreg [dreg:$0x1c];
	[sflag:s13] =	ssyncadd.s32 $0xFFFFC000  }
0x21d: {  	[hbm4b:s2+s4] =	stream.linear.scatter [tilespmem:s15], [sflag:$0x3], $0x4000, $0x38;
	[tilespmem:$0xC400] =	vst v63  }
0x21e: {  	_ =	swait.ge [sflag:s9], $0x4000  }
0x21f: {  	[sflag:s9] =	ssyncset.done $0x0  }
0x220: {  	[sflag:s9] =	ssyncadd.s32 $0xFFFFC000  }
0x221: {  	v3 =	vld [tilespmem:$0x160];
	_ =	sdelay $0x4  }
0x222: {  	v22 =	vshll.u32 v3, $0x2  }
0x223: {  	v3 =	vand.u32 $0x7, v3;
	v4 =	vand.u32 $0xFFFFFFE0, v22  }
0x224: {  	v3 =	vor.u32 v3, v4  }
0x225: {  	v4 =	vperm.xlane v3, v0;
	_ =	sdelay $0x1  }
0x226: {  	v4 =	vadd.s32 v1, v4;
	_ =	sdelay $0x1  }
0x227: {  	v3 =	vperm.xlane v3, v2;
	_ =	sdelay $0x1  }
0x228: {  	v3 =	vadd.s32 v1, v3  }
0x229: {  	[tilespmem:s23], [sflag:$0x2] =	stream.indirect_vreg.gather [hbm4b:s0+s4], $0x80, v4, vm0, $0xb8;
	[tilespmem:$0xC400] =	vst v63  }
0x22a: {  	_ = 	snop  }
0x22b: {  	[tilespmem:s24], [sflag:$0x2] =	stream.indirect_vreg.gather [hbm4b:s6+s4], $0x80, v4, vm0, $0xb8;
	[tilespmem:$0xC400] =	vst v63  }
0x22c: {  	_ = 	snop  }
0x22d: {  	[tilespmem:s25], [sflag:$0x2] =	stream.indirect_vreg.gather [hbm4b:s0+s4], $0x80, v3, vm0, $0xb8;
	[tilespmem:$0xC400] =	vst v63  }
0x22e: {  	_ = 	snop  }
0x22f: {  	[tilespmem:s26], [sflag:$0x2] =	stream.indirect_vreg.gather [hbm4b:s6+s4], $0x80, v3, vm0, $0xb8;
	[tilespmem:$0xC400] =	vst v63  }
0x230: {  	v3 =	vld [tilespmem:$0x170];
	_ =	sdelay $0x4  }
0x231: {  	v23 =	vshll.u32 v3, $0x2  }
0x232: {  	v3 =	vand.u32 $0x7, v3;
	v4 =	vand.u32 $0xFFFFFFE0, v23  }
0x233: {  	v3 =	vor.u32 v3, v4  }
0x234: {  	v4 =	vperm.xlane v3, v0;
	_ =	sdelay $0x1  }
0x235: {  	v4 =	vadd.s32 v1, v4;
	_ =	sdelay $0x1  }
0x236: {  	v3 =	vperm.xlane v3, v2;
	_ =	sdelay $0x1  }
0x237: {  	v3 =	vadd.s32 v1, v3  }
0x238: {  	[tilespmem:s28], [sflag:$0x2] =	stream.indirect_vreg.gather [hbm4b:s0+s4], $0x80, v4, vm0, $0xb8;
	[tilespmem:$0xC400] =	vst v63  }
0x239: {  	_ = 	snop  }
0x23a: {  	[tilespmem:s29], [sflag:$0x2] =	stream.indirect_vreg.gather [hbm4b:s6+s4], $0x80, v4, vm0, $0xb8;
	[tilespmem:$0xC400] =	vst v63  }
0x23b: {  	_ = 	snop  }
0x23c: {  	[tilespmem:s30], [sflag:$0x2] =	stream.indirect_vreg.gather [hbm4b:s0+s4], $0x80, v3, vm0, $0xb8;
	[tilespmem:$0xC400] =	vst v63  }
0x23d: {  	_ = 	snop  }
0x23e: {  	[tilespmem:s31], [sflag:$0x2] =	stream.indirect_vreg.gather [hbm4b:s6+s4], $0x80, v3, vm0, $0xb8;
	[tilespmem:$0xC400] =	vst v63  }
0x23f: {  	_ =	swait.ge [sflag:s3], $0x4000  }
0x240: {  	[sflag:s3] =	ssyncset.done $0x0  }
0x241: {  	s2 =	rddreg [dreg:$0x1d];
	[sflag:s3] =	ssyncadd.s32 $0xFFFFC000  }
0x242: {  	[hbm4b:s2+s4] =	stream.linear.scatter [tilespmem:s23], [sflag:$0x3], $0x4000, $0x38;
	[tilespmem:$0xC400] =	vst v63  }
0x243: {  	_ =	swait.ge [sflag:s9], $0x4000  }
0x244: {  	[sflag:s9] =	ssyncset.done $0x0  }
0x245: {  	[sflag:s9] =	ssyncadd.s32 $0xFFFFC000  }
0x246: {  	v3 =	vld [tilespmem:$0x180];
	_ =	sdelay $0x4  }
0x247: {  	v24 =	vshll.u32 v3, $0x2  }
0x248: {  	v3 =	vand.u32 $0x7, v3;
	v4 =	vand.u32 $0xFFFFFFE0, v24  }
0x249: {  	v3 =	vor.u32 v3, v4  }
0x24a: {  	v4 =	vperm.xlane v3, v0;
	_ =	sdelay $0x1  }
0x24b: {  	v4 =	vadd.s32 v1, v4;
	_ =	sdelay $0x1  }
0x24c: {  	v3 =	vperm.xlane v3, v2;
	_ =	sdelay $0x1  }
0x24d: {  	v3 =	vadd.s32 v1, v3  }
0x24e: {  	[tilespmem:s15], [sflag:$0x1] =	stream.indirect_vreg.gather [hbm4b:s0+s4], $0x80, v4, vm0, $0xb8;
	[tilespmem:$0xC400] =	vst v63  }
0x24f: {  	_ = 	snop  }
0x250: {  	[tilespmem:s16], [sflag:$0x1] =	stream.indirect_vreg.gather [hbm4b:s6+s4], $0x80, v4, vm0, $0xb8;
	[tilespmem:$0xC400] =	vst v63  }
0x251: {  	_ = 	snop  }
0x252: {  	[tilespmem:s17], [sflag:$0x1] =	stream.indirect_vreg.gather [hbm4b:s0+s4], $0x80, v3, vm0, $0xb8;
	[tilespmem:$0xC400] =	vst v63  }
0x253: {  	_ = 	snop  }
0x254: {  	[tilespmem:s18], [sflag:$0x1] =	stream.indirect_vreg.gather [hbm4b:s6+s4], $0x80, v3, vm0, $0xb8;
	[tilespmem:$0xC400] =	vst v63  }
0x255: {  	v3 =	vld [tilespmem:$0x190];
	_ =	sdelay $0x4  }
0x256: {  	v25 =	vshll.u32 v3, $0x2  }
0x257: {  	v3 =	vand.u32 $0x7, v3;
	v4 =	vand.u32 $0xFFFFFFE0, v25  }
0x258: {  	v3 =	vor.u32 v3, v4  }
0x259: {  	v4 =	vperm.xlane v3, v0;
	_ =	sdelay $0x1  }
0x25a: {  	v4 =	vadd.s32 v1, v4;
	_ =	sdelay $0x1  }
0x25b: {  	v3 =	vperm.xlane v3, v2;
	_ =	sdelay $0x1  }
0x25c: {  	v3 =	vadd.s32 v1, v3  }
0x25d: {  	[tilespmem:s19], [sflag:$0x1] =	stream.indirect_vreg.gather [hbm4b:s0+s4], $0x80, v4, vm0, $0xb8;
	[tilespmem:$0xC400] =	vst v63  }
0x25e: {  	_ = 	snop  }
0x25f: {  	[tilespmem:s20], [sflag:$0x1] =	stream.indirect_vreg.gather [hbm4b:s6+s4], $0x80, v4, vm0, $0xb8;
	[tilespmem:$0xC400] =	vst v63  }
0x260: {  	_ = 	snop  }
0x261: {  	[tilespmem:s21], [sflag:$0x1] =	stream.indirect_vreg.gather [hbm4b:s0+s4], $0x80, v3, vm0, $0xb8;
	[tilespmem:$0xC400] =	vst v63  }
0x262: {  	_ = 	snop  }
0x263: {  	[tilespmem:s22], [sflag:$0x1] =	stream.indirect_vreg.gather [hbm4b:s6+s4], $0x80, v3, vm0, $0xb8;
	[tilespmem:$0xC400] =	vst v63  }
0x264: {  	_ =	swait.ge [sflag:s13], $0x4000  }
0x265: {  	[sflag:s13] =	ssyncset.done $0x0  }
0x266: {  	s2 =	rddreg [dreg:$0x1e];
	[sflag:s13] =	ssyncadd.s32 $0xFFFFC000  }
0x267: {  	[hbm4b:s2+s4] =	stream.linear.scatter [tilespmem:s15], [sflag:$0x3], $0x4000, $0x38;
	[tilespmem:$0xC400] =	vst v63  }
0x268: {  	_ =	swait.ge [sflag:s9], $0x4000  }
0x269: {  	[sflag:s9] =	ssyncset.done $0x0  }
0x26a: {  	[sflag:s9] =	ssyncadd.s32 $0xFFFFC000  }
0x26b: {  	v3 =	vld [tilespmem:$0x1A0];
	_ =	sdelay $0x4  }
0x26c: {  	v26 =	vshll.u32 v3, $0x2  }
0x26d: {  	v3 =	vand.u32 $0x7, v3;
	v4 =	vand.u32 $0xFFFFFFE0, v26  }
0x26e: {  	v3 =	vor.u32 v3, v4  }
0x26f: {  	v4 =	vperm.xlane v3, v0;
	_ =	sdelay $0x1  }
0x270: {  	v4 =	vadd.s32 v1, v4;
	_ =	sdelay $0x1  }
0x271: {  	v3 =	vperm.xlane v3, v2;
	_ =	sdelay $0x1  }
0x272: {  	v3 =	vadd.s32 v1, v3  }
0x273: {  	[tilespmem:s23], [sflag:$0x2] =	stream.indirect_vreg.gather [hbm4b:s0+s4], $0x80, v4, vm0, $0xb8;
	[tilespmem:$0xC400] =	vst v63  }
0x274: {  	_ = 	snop  }
0x275: {  	[tilespmem:s24], [sflag:$0x2] =	stream.indirect_vreg.gather [hbm4b:s6+s4], $0x80, v4, vm0, $0xb8;
	[tilespmem:$0xC400] =	vst v63  }
0x276: {  	_ = 	snop  }
0x277: {  	[tilespmem:s25], [sflag:$0x2] =	stream.indirect_vreg.gather [hbm4b:s0+s4], $0x80, v3, vm0, $0xb8;
	[tilespmem:$0xC400] =	vst v63  }
0x278: {  	_ = 	snop  }
0x279: {  	[tilespmem:s26], [sflag:$0x2] =	stream.indirect_vreg.gather [hbm4b:s6+s4], $0x80, v3, vm0, $0xb8;
	[tilespmem:$0xC400] =	vst v63  }
0x27a: {  	v3 =	vld [tilespmem:$0x1B0];
	_ =	sdelay $0x4  }
0x27b: {  	v27 =	vshll.u32 v3, $0x2  }
0x27c: {  	v3 =	vand.u32 $0x7, v3;
	v4 =	vand.u32 $0xFFFFFFE0, v27  }
0x27d: {  	v3 =	vor.u32 v3, v4  }
0x27e: {  	v4 =	vperm.xlane v3, v0;
	_ =	sdelay $0x1  }
0x27f: {  	v4 =	vadd.s32 v1, v4;
	_ =	sdelay $0x1  }
0x280: {  	v3 =	vperm.xlane v3, v2;
	_ =	sdelay $0x1  }
0x281: {  	v3 =	vadd.s32 v1, v3  }
0x282: {  	[tilespmem:s28], [sflag:$0x2] =	stream.indirect_vreg.gather [hbm4b:s0+s4], $0x80, v4, vm0, $0xb8;
	[tilespmem:$0xC400] =	vst v63  }
0x283: {  	_ = 	snop  }
0x284: {  	[tilespmem:s29], [sflag:$0x2] =	stream.indirect_vreg.gather [hbm4b:s6+s4], $0x80, v4, vm0, $0xb8;
	[tilespmem:$0xC400] =	vst v63  }
0x285: {  	_ = 	snop  }
0x286: {  	[tilespmem:s30], [sflag:$0x2] =	stream.indirect_vreg.gather [hbm4b:s0+s4], $0x80, v3, vm0, $0xb8;
	[tilespmem:$0xC400] =	vst v63  }
0x287: {  	_ = 	snop  }
0x288: {  	[tilespmem:s31], [sflag:$0x2] =	stream.indirect_vreg.gather [hbm4b:s6+s4], $0x80, v3, vm0, $0xb8;
	[tilespmem:$0xC400] =	vst v63  }
0x289: {  	_ =	swait.ge [sflag:s3], $0x4000  }
0x28a: {  	[sflag:s3] =	ssyncset.done $0x0  }
0x28b: {  	s2 =	rddreg [dreg:$0x1f];
	[sflag:s3] =	ssyncadd.s32 $0xFFFFC000  }
0x28c: {  	[hbm4b:s2+s4] =	stream.linear.scatter [tilespmem:s23], [sflag:$0x3], $0x4000, $0x38;
	[tilespmem:$0xC400] =	vst v63  }
0x28d: {  	_ =	swait.ge [sflag:s9], $0x4000  }
0x28e: {  	[sflag:s9] =	ssyncset.done $0x0  }
0x28f: {  	[sflag:s9] =	ssyncadd.s32 $0xFFFFC000  }
0x290: {  	v3 =	vld [tilespmem:$0x1C0];
	_ =	sdelay $0x4  }
0x291: {  	v28 =	vshll.u32 v3, $0x2  }
0x292: {  	v3 =	vand.u32 $0x7, v3;
	v4 =	vand.u32 $0xFFFFFFE0, v28  }
0x293: {  	v3 =	vor.u32 v3, v4  }
0x294: {  	v4 =	vperm.xlane v3, v0;
	_ =	sdelay $0x1  }
0x295: {  	v4 =	vadd.s32 v1, v4;
	_ =	sdelay $0x1  }
0x296: {  	v3 =	vperm.xlane v3, v2;
	_ =	sdelay $0x1  }
0x297: {  	v3 =	vadd.s32 v1, v3  }
0x298: {  	[tilespmem:s15], [sflag:$0x1] =	stream.indirect_vreg.gather [hbm4b:s0+s4], $0x80, v4, vm0, $0xb8;
	[tilespmem:$0xC400] =	vst v63  }
0x299: {  	_ = 	snop  }
0x29a: {  	[tilespmem:s16], [sflag:$0x1] =	stream.indirect_vreg.gather [hbm4b:s6+s4], $0x80, v4, vm0, $0xb8;
	[tilespmem:$0xC400] =	vst v63  }
0x29b: {  	_ = 	snop  }
0x29c: {  	[tilespmem:s17], [sflag:$0x1] =	stream.indirect_vreg.gather [hbm4b:s0+s4], $0x80, v3, vm0, $0xb8;
	[tilespmem:$0xC400] =	vst v63  }
0x29d: {  	_ = 	snop  }
0x29e: {  	[tilespmem:s18], [sflag:$0x1] =	stream.indirect_vreg.gather [hbm4b:s6+s4], $0x80, v3, vm0, $0xb8;
	[tilespmem:$0xC400] =	vst v63  }
0x29f: {  	v3 =	vld [tilespmem:$0x1D0];
	_ =	sdelay $0x4  }
0x2a0: {  	v29 =	vshll.u32 v3, $0x2  }
0x2a1: {  	v3 =	vand.u32 $0x7, v3;
	v4 =	vand.u32 $0xFFFFFFE0, v29  }
0x2a2: {  	v3 =	vor.u32 v3, v4  }
0x2a3: {  	v4 =	vperm.xlane v3, v0;
	_ =	sdelay $0x1  }
0x2a4: {  	v4 =	vadd.s32 v1, v4;
	_ =	sdelay $0x1  }
0x2a5: {  	v3 =	vperm.xlane v3, v2;
	_ =	sdelay $0x1  }
0x2a6: {  	v3 =	vadd.s32 v1, v3  }
0x2a7: {  	[tilespmem:s19], [sflag:$0x1] =	stream.indirect_vreg.gather [hbm4b:s0+s4], $0x80, v4, vm0, $0xb8;
	[tilespmem:$0xC400] =	vst v63  }
0x2a8: {  	_ = 	snop  }
0x2a9: {  	[tilespmem:s20], [sflag:$0x1] =	stream.indirect_vreg.gather [hbm4b:s6+s4], $0x80, v4, vm0, $0xb8;
	[tilespmem:$0xC400] =	vst v63  }
0x2aa: {  	_ = 	snop  }
0x2ab: {  	[tilespmem:s21], [sflag:$0x1] =	stream.indirect_vreg.gather [hbm4b:s0+s4], $0x80, v3, vm0, $0xb8;
	[tilespmem:$0xC400] =	vst v63  }
0x2ac: {  	_ = 	snop  }
0x2ad: {  	[tilespmem:s22], [sflag:$0x1] =	stream.indirect_vreg.gather [hbm4b:s6+s4], $0x80, v3, vm0, $0xb8;
	[tilespmem:$0xC400] =	vst v63  }
0x2ae: {  	_ =	swait.ge [sflag:s13], $0x4000  }
0x2af: {  	s2 =	sld [smem:$0x7E8]  }
0x2b0: {  	[sflag:s13] =	ssyncset.done $0x0  }
0x2b1: {  	[sflag:s13] =	ssyncadd.s32 $0xFFFFC000  }
0x2b2: {  	[hbm4b:s2+s4] =	stream.linear.scatter [tilespmem:s15], [sflag:$0x3], $0x4000, $0x38;
	[tilespmem:$0xC400] =	vst v63  }
0x2b3: {  	_ =	swait.ge [sflag:s9], $0x4000  }
0x2b4: {  	[sflag:s9] =	ssyncset.done $0x0  }
0x2b5: {  	[sflag:s9] =	ssyncadd.s32 $0xFFFFC000  }
0x2b6: {  	v3 =	vld [tilespmem:$0x1E0];
	_ =	sdelay $0x4  }
0x2b7: {  	v30 =	vshll.u32 v3, $0x2  }
0x2b8: {  	v3 =	vand.u32 $0x7, v3;
	v4 =	vand.u32 $0xFFFFFFE0, v30  }
0x2b9: {  	v3 =	vor.u32 v3, v4  }
0x2ba: {  	v4 =	vperm.xlane v3, v0;
	_ =	sdelay $0x1  }
0x2bb: {  	v4 =	vadd.s32 v1, v4;
	_ =	sdelay $0x1  }
0x2bc: {  	v3 =	vperm.xlane v3, v2;
	_ =	sdelay $0x1  }
0x2bd: {  	v3 =	vadd.s32 v1, v3  }
0x2be: {  	[tilespmem:s23], [sflag:$0x2] =	stream.indirect_vreg.gather [hbm4b:s0+s4], $0x80, v4, vm0, $0xb8;
	[tilespmem:$0xC400] =	vst v63  }
0x2bf: {  	_ = 	snop  }
0x2c0: {  	[tilespmem:s24], [sflag:$0x2] =	stream.indirect_vreg.gather [hbm4b:s6+s4], $0x80, v4, vm0, $0xb8;
	[tilespmem:$0xC400] =	vst v63  }
0x2c1: {  	_ = 	snop  }
0x2c2: {  	[tilespmem:s25], [sflag:$0x2] =	stream.indirect_vreg.gather [hbm4b:s0+s4], $0x80, v3, vm0, $0xb8;
	[tilespmem:$0xC400] =	vst v63  }
0x2c3: {  	_ = 	snop  }
0x2c4: {  	[tilespmem:s26], [sflag:$0x2] =	stream.indirect_vreg.gather [hbm4b:s6+s4], $0x80, v3, vm0, $0xb8;
	[tilespmem:$0xC400] =	vst v63  }
0x2c5: {  	v3 =	vld [tilespmem:$0x1F0];
	_ =	sdelay $0x4  }
0x2c6: {  	v31 =	vshll.u32 v3, $0x2  }
0x2c7: {  	v3 =	vand.u32 $0x7, v3;
	v4 =	vand.u32 $0xFFFFFFE0, v31  }
0x2c8: {  	v3 =	vor.u32 v3, v4  }
0x2c9: {  	v4 =	vperm.xlane v3, v0;
	_ =	sdelay $0x1  }
0x2ca: {  	v4 =	vadd.s32 v1, v4;
	_ =	sdelay $0x1  }
0x2cb: {  	v3 =	vperm.xlane v3, v2;
	_ =	sdelay $0x1  }
0x2cc: {  	v3 =	vadd.s32 v1, v3  }
0x2cd: {  	[tilespmem:s28], [sflag:$0x2] =	stream.indirect_vreg.gather [hbm4b:s0+s4], $0x80, v4, vm0, $0xb8;
	[tilespmem:$0xC400] =	vst v63  }
0x2ce: {  	_ = 	snop  }
0x2cf: {  	[tilespmem:s29], [sflag:$0x2] =	stream.indirect_vreg.gather [hbm4b:s6+s4], $0x80, v4, vm0, $0xb8;
	[tilespmem:$0xC400] =	vst v63  }
0x2d0: {  	_ = 	snop  }
0x2d1: {  	[tilespmem:s30], [sflag:$0x2] =	stream.indirect_vreg.gather [hbm4b:s0+s4], $0x80, v3, vm0, $0xb8;
	[tilespmem:$0xC400] =	vst v63  }
0x2d2: {  	_ = 	snop  }
0x2d3: {  	[tilespmem:s31], [sflag:$0x2] =	stream.indirect_vreg.gather [hbm4b:s6+s4], $0x80, v3, vm0, $0xb8;
	[tilespmem:$0xC400] =	vst v63  }
0x2d4: {  	_ =	swait.ge [sflag:s3], $0x4000  }
0x2d5: {  	s2 =	sld [smem:$0x7E9]  }
0x2d6: {  	[sflag:s3] =	ssyncset.done $0x0  }
0x2d7: {  	[sflag:s3] =	ssyncadd.s32 $0xFFFFC000  }
0x2d8: {  	[hbm4b:s2+s4] =	stream.linear.scatter [tilespmem:s23], [sflag:$0x3], $0x4000, $0x38;
	[tilespmem:$0xC400] =	vst v63  }
0x2d9: {  	_ =	swait.ge [sflag:s9], $0x4000  }
0x2da: {  	[sflag:s9] =	ssyncset.done $0x0  }
0x2db: {  	[sflag:s9] =	ssyncadd.s32 $0xFFFFC000  }
0x2dc: {  	v3 =	vld [tilespmem:$0x200];
	_ =	sdelay $0x4  }
0x2dd: {  	v32 =	vshll.u32 v3, $0x2  }
0x2de: {  	v3 =	vand.u32 $0x7, v3;
	v4 =	vand.u32 $0xFFFFFFE0, v32  }
0x2df: {  	v3 =	vor.u32 v3, v4  }
0x2e0: {  	v4 =	vperm.xlane v3, v0;
	_ =	sdelay $0x1  }
0x2e1: {  	v4 =	vadd.s32 v1, v4;
	_ =	sdelay $0x1  }
0x2e2: {  	v3 =	vperm.xlane v3, v2;
	_ =	sdelay $0x1  }
0x2e3: {  	v3 =	vadd.s32 v1, v3  }
0x2e4: {  	[tilespmem:s15], [sflag:$0x1] =	stream.indirect_vreg.gather [hbm4b:s1+s4], $0x80, v4, vm0, $0xb8;
	[tilespmem:$0xC400] =	vst v63  }
0x2e5: {  	_ = 	snop  }
0x2e6: {  	[tilespmem:s16], [sflag:$0x1] =	stream.indirect_vreg.gather [hbm4b:s7+s4], $0x80, v4, vm0, $0xb8;
	[tilespmem:$0xC400] =	vst v63  }
0x2e7: {  	_ = 	snop  }
0x2e8: {  	[tilespmem:s17], [sflag:$0x1] =	stream.indirect_vreg.gather [hbm4b:s1+s4], $0x80, v3, vm0, $0xb8;
	[tilespmem:$0xC400] =	vst v63  }
0x2e9: {  	_ = 	snop  }
0x2ea: {  	[tilespmem:s18], [sflag:$0x1] =	stream.indirect_vreg.gather [hbm4b:s7+s4], $0x80, v3, vm0, $0xb8;
	[tilespmem:$0xC400] =	vst v63  }
0x2eb: {  	v3 =	vld [tilespmem:$0x210];
	_ =	sdelay $0x4  }
0x2ec: {  	v33 =	vshll.u32 v3, $0x2  }
0x2ed: {  	v3 =	vand.u32 $0x7, v3;
	v4 =	vand.u32 $0xFFFFFFE0, v33  }
0x2ee: {  	v3 =	vor.u32 v3, v4  }
0x2ef: {  	v4 =	vperm.xlane v3, v0;
	_ =	sdelay $0x1  }
0x2f0: {  	v4 =	vadd.s32 v1, v4;
	_ =	sdelay $0x1  }
0x2f1: {  	v3 =	vperm.xlane v3, v2;
	_ =	sdelay $0x1  }
0x2f2: {  	v3 =	vadd.s32 v1, v3  }
0x2f3: {  	[tilespmem:s19], [sflag:$0x1] =	stream.indirect_vreg.gather [hbm4b:s1+s4], $0x80, v4, vm0, $0xb8;
	[tilespmem:$0xC400] =	vst v63  }
0x2f4: {  	_ = 	snop  }
0x2f5: {  	[tilespmem:s20], [sflag:$0x1] =	stream.indirect_vreg.gather [hbm4b:s7+s4], $0x80, v4, vm0, $0xb8;
	[tilespmem:$0xC400] =	vst v63  }
0x2f6: {  	_ = 	snop  }
0x2f7: {  	[tilespmem:s21], [sflag:$0x1] =	stream.indirect_vreg.gather [hbm4b:s1+s4], $0x80, v3, vm0, $0xb8;
	[tilespmem:$0xC400] =	vst v63  }
0x2f8: {  	_ = 	snop  }
0x2f9: {  	[tilespmem:s22], [sflag:$0x1] =	stream.indirect_vreg.gather [hbm4b:s7+s4], $0x80, v3, vm0, $0xb8;
	[tilespmem:$0xC400] =	vst v63  }
0x2fa: {  	_ =	swait.ge [sflag:s13], $0x4000  }
0x2fb: {  	s2 =	sld [smem:$0x7EA]  }
0x2fc: {  	[sflag:s13] =	ssyncset.done $0x0  }
0x2fd: {  	[sflag:s13] =	ssyncadd.s32 $0xFFFFC000  }
0x2fe: {  	[hbm4b:s2+s4] =	stream.linear.scatter [tilespmem:s15], [sflag:$0x3], $0x4000, $0x38;
	[tilespmem:$0xC400] =	vst v63  }
0x2ff: {  	_ =	swait.ge [sflag:s9], $0x4000  }
0x300: {  	[sflag:s9] =	ssyncset.done $0x0  }
0x301: {  	[sflag:s9] =	ssyncadd.s32 $0xFFFFC000  }
0x302: {  	v3 =	vld [tilespmem:$0x220];
	_ =	sdelay $0x4  }
0x303: {  	v34 =	vshll.u32 v3, $0x2  }
0x304: {  	v3 =	vand.u32 $0x7, v3;
	v4 =	vand.u32 $0xFFFFFFE0, v34  }
0x305: {  	v3 =	vor.u32 v3, v4  }
0x306: {  	v4 =	vperm.xlane v3, v0;
	_ =	sdelay $0x1  }
0x307: {  	v4 =	vadd.s32 v1, v4;
	_ =	sdelay $0x1  }
0x308: {  	v3 =	vperm.xlane v3, v2;
	_ =	sdelay $0x1  }
0x309: {  	v3 =	vadd.s32 v1, v3  }
0x30a: {  	[tilespmem:s23], [sflag:$0x2] =	stream.indirect_vreg.gather [hbm4b:s1+s4], $0x80, v4, vm0, $0xb8;
	[tilespmem:$0xC400] =	vst v63  }
0x30b: {  	_ = 	snop  }
0x30c: {  	[tilespmem:s24], [sflag:$0x2] =	stream.indirect_vreg.gather [hbm4b:s7+s4], $0x80, v4, vm0, $0xb8;
	[tilespmem:$0xC400] =	vst v63  }
0x30d: {  	_ = 	snop  }
0x30e: {  	[tilespmem:s25], [sflag:$0x2] =	stream.indirect_vreg.gather [hbm4b:s1+s4], $0x80, v3, vm0, $0xb8;
	[tilespmem:$0xC400] =	vst v63  }
0x30f: {  	_ = 	snop  }
0x310: {  	[tilespmem:s26], [sflag:$0x2] =	stream.indirect_vreg.gather [hbm4b:s7+s4], $0x80, v3, vm0, $0xb8;
	[tilespmem:$0xC400] =	vst v63  }
0x311: {  	v3 =	vld [tilespmem:$0x230];
	_ =	sdelay $0x4  }
0x312: {  	v35 =	vshll.u32 v3, $0x2  }
0x313: {  	v3 =	vand.u32 $0x7, v3;
	v4 =	vand.u32 $0xFFFFFFE0, v35  }
0x314: {  	v3 =	vor.u32 v3, v4  }
0x315: {  	v4 =	vperm.xlane v3, v0;
	_ =	sdelay $0x1  }
0x316: {  	v4 =	vadd.s32 v1, v4;
	_ =	sdelay $0x1  }
0x317: {  	v3 =	vperm.xlane v3, v2;
	_ =	sdelay $0x1  }
0x318: {  	v3 =	vadd.s32 v1, v3  }
0x319: {  	[tilespmem:s28], [sflag:$0x2] =	stream.indirect_vreg.gather [hbm4b:s1+s4], $0x80, v4, vm0, $0xb8;
	[tilespmem:$0xC400] =	vst v63  }
0x31a: {  	_ = 	snop  }
0x31b: {  	[tilespmem:s29], [sflag:$0x2] =	stream.indirect_vreg.gather [hbm4b:s7+s4], $0x80, v4, vm0, $0xb8;
	[tilespmem:$0xC400] =	vst v63  }
0x31c: {  	_ = 	snop  }
0x31d: {  	[tilespmem:s30], [sflag:$0x2] =	stream.indirect_vreg.gather [hbm4b:s1+s4], $0x80, v3, vm0, $0xb8;
	[tilespmem:$0xC400] =	vst v63  }
0x31e: {  	_ = 	snop  }
0x31f: {  	[tilespmem:s31], [sflag:$0x2] =	stream.indirect_vreg.gather [hbm4b:s7+s4], $0x80, v3, vm0, $0xb8;
	[tilespmem:$0xC400] =	vst v63  }
0x320: {  	_ =	swait.ge [sflag:s3], $0x4000  }
0x321: {  	s2 =	sld [smem:$0x7EB]  }
0x322: {  	[sflag:s3] =	ssyncset.done $0x0  }
0x323: {  	[sflag:s3] =	ssyncadd.s32 $0xFFFFC000  }
0x324: {  	[hbm4b:s2+s4] =	stream.linear.scatter [tilespmem:s23], [sflag:$0x3], $0x4000, $0x38;
	[tilespmem:$0xC400] =	vst v63  }
0x325: {  	_ =	swait.ge [sflag:s9], $0x4000  }
0x326: {  	[sflag:s9] =	ssyncset.done $0x0  }
0x327: {  	[sflag:s9] =	ssyncadd.s32 $0xFFFFC000  }
0x328: {  	v3 =	vld [tilespmem:$0x240];
	_ =	sdelay $0x4  }
0x329: {  	v36 =	vshll.u32 v3, $0x2  }
0x32a: {  	v3 =	vand.u32 $0x7, v3;
	v4 =	vand.u32 $0xFFFFFFE0, v36  }
0x32b: {  	v3 =	vor.u32 v3, v4  }
0x32c: {  	v4 =	vperm.xlane v3, v0;
	_ =	sdelay $0x1  }
0x32d: {  	v4 =	vadd.s32 v1, v4;
	_ =	sdelay $0x1  }
0x32e: {  	v3 =	vperm.xlane v3, v2;
	_ =	sdelay $0x1  }
0x32f: {  	v3 =	vadd.s32 v1, v3  }
0x330: {  	[tilespmem:s15], [sflag:$0x1] =	stream.indirect_vreg.gather [hbm4b:s1+s4], $0x80, v4, vm0, $0xb8;
	[tilespmem:$0xC400] =	vst v63  }
0x331: {  	_ = 	snop  }
0x332: {  	[tilespmem:s16], [sflag:$0x1] =	stream.indirect_vreg.gather [hbm4b:s7+s4], $0x80, v4, vm0, $0xb8;
	[tilespmem:$0xC400] =	vst v63  }
0x333: {  	_ = 	snop  }
0x334: {  	[tilespmem:s17], [sflag:$0x1] =	stream.indirect_vreg.gather [hbm4b:s1+s4], $0x80, v3, vm0, $0xb8;
	[tilespmem:$0xC400] =	vst v63  }
0x335: {  	_ = 	snop  }
0x336: {  	[tilespmem:s18], [sflag:$0x1] =	stream.indirect_vreg.gather [hbm4b:s7+s4], $0x80, v3, vm0, $0xb8;
	[tilespmem:$0xC400] =	vst v63  }
0x337: {  	v3 =	vld [tilespmem:$0x250];
	_ =	sdelay $0x4  }
0x338: {  	v37 =	vshll.u32 v3, $0x2  }
0x339: {  	v3 =	vand.u32 $0x7, v3;
	v4 =	vand.u32 $0xFFFFFFE0, v37  }
0x33a: {  	v3 =	vor.u32 v3, v4  }
0x33b: {  	v4 =	vperm.xlane v3, v0;
	_ =	sdelay $0x1  }
0x33c: {  	v4 =	vadd.s32 v1, v4;
	_ =	sdelay $0x1  }
0x33d: {  	v3 =	vperm.xlane v3, v2;
	_ =	sdelay $0x1  }
0x33e: {  	v3 =	vadd.s32 v1, v3  }
0x33f: {  	[tilespmem:s19], [sflag:$0x1] =	stream.indirect_vreg.gather [hbm4b:s1+s4], $0x80, v4, vm0, $0xb8;
	[tilespmem:$0xC400] =	vst v63  }
0x340: {  	_ = 	snop  }
0x341: {  	[tilespmem:s20], [sflag:$0x1] =	stream.indirect_vreg.gather [hbm4b:s7+s4], $0x80, v4, vm0, $0xb8;
	[tilespmem:$0xC400] =	vst v63  }
0x342: {  	_ = 	snop  }
0x343: {  	[tilespmem:s21], [sflag:$0x1] =	stream.indirect_vreg.gather [hbm4b:s1+s4], $0x80, v3, vm0, $0xb8;
	[tilespmem:$0xC400] =	vst v63  }
0x344: {  	_ = 	snop  }
0x345: {  	[tilespmem:s22], [sflag:$0x1] =	stream.indirect_vreg.gather [hbm4b:s7+s4], $0x80, v3, vm0, $0xb8;
	[tilespmem:$0xC400] =	vst v63  }
0x346: {  	_ =	swait.ge [sflag:s13], $0x4000  }
0x347: {  	s2 =	sld [smem:$0x7EC]  }
0x348: {  	[sflag:s13] =	ssyncset.done $0x0  }
0x349: {  	[sflag:s13] =	ssyncadd.s32 $0xFFFFC000  }
0x34a: {  	[hbm4b:s2+s4] =	stream.linear.scatter [tilespmem:s15], [sflag:$0x3], $0x4000, $0x38;
	[tilespmem:$0xC400] =	vst v63  }
0x34b: {  	_ =	swait.ge [sflag:s9], $0x4000  }
0x34c: {  	[sflag:s9] =	ssyncset.done $0x0  }
0x34d: {  	[sflag:s9] =	ssyncadd.s32 $0xFFFFC000  }
0x34e: {  	v3 =	vld [tilespmem:$0x260];
	_ =	sdelay $0x4  }
0x34f: {  	v38 =	vshll.u32 v3, $0x2  }
0x350: {  	v3 =	vand.u32 $0x7, v3;
	v4 =	vand.u32 $0xFFFFFFE0, v38  }
0x351: {  	v3 =	vor.u32 v3, v4  }
0x352: {  	v4 =	vperm.xlane v3, v0;
	_ =	sdelay $0x1  }
0x353: {  	v4 =	vadd.s32 v1, v4;
	_ =	sdelay $0x1  }
0x354: {  	v3 =	vperm.xlane v3, v2;
	_ =	sdelay $0x1  }
0x355: {  	v3 =	vadd.s32 v1, v3  }
0x356: {  	[tilespmem:s23], [sflag:$0x2] =	stream.indirect_vreg.gather [hbm4b:s1+s4], $0x80, v4, vm0, $0xb8;
	[tilespmem:$0xC400] =	vst v63  }
0x357: {  	_ = 	snop  }
0x358: {  	[tilespmem:s24], [sflag:$0x2] =	stream.indirect_vreg.gather [hbm4b:s7+s4], $0x80, v4, vm0, $0xb8;
	[tilespmem:$0xC400] =	vst v63  }
0x359: {  	_ = 	snop  }
0x35a: {  	[tilespmem:s25], [sflag:$0x2] =	stream.indirect_vreg.gather [hbm4b:s1+s4], $0x80, v3, vm0, $0xb8;
	[tilespmem:$0xC400] =	vst v63  }
0x35b: {  	_ = 	snop  }
0x35c: {  	[tilespmem:s26], [sflag:$0x2] =	stream.indirect_vreg.gather [hbm4b:s7+s4], $0x80, v3, vm0, $0xb8;
	[tilespmem:$0xC400] =	vst v63  }
0x35d: {  	v3 =	vld [tilespmem:$0x270];
	_ =	sdelay $0x4  }
0x35e: {  	v39 =	vshll.u32 v3, $0x2  }
0x35f: {  	v3 =	vand.u32 $0x7, v3;
	v4 =	vand.u32 $0xFFFFFFE0, v39  }
0x360: {  	v3 =	vor.u32 v3, v4  }
0x361: {  	v4 =	vperm.xlane v3, v0;
	_ =	sdelay $0x1  }
0x362: {  	v4 =	vadd.s32 v1, v4;
	_ =	sdelay $0x1  }
0x363: {  	v3 =	vperm.xlane v3, v2;
	_ =	sdelay $0x1  }
0x364: {  	v3 =	vadd.s32 v1, v3  }
0x365: {  	[tilespmem:s28], [sflag:$0x2] =	stream.indirect_vreg.gather [hbm4b:s1+s4], $0x80, v4, vm0, $0xb8;
	[tilespmem:$0xC400] =	vst v63  }
0x366: {  	_ = 	snop  }
0x367: {  	[tilespmem:s29], [sflag:$0x2] =	stream.indirect_vreg.gather [hbm4b:s7+s4], $0x80, v4, vm0, $0xb8;
	[tilespmem:$0xC400] =	vst v63  }
0x368: {  	_ = 	snop  }
0x369: {  	[tilespmem:s30], [sflag:$0x2] =	stream.indirect_vreg.gather [hbm4b:s1+s4], $0x80, v3, vm0, $0xb8;
	[tilespmem:$0xC400] =	vst v63  }
0x36a: {  	_ = 	snop  }
0x36b: {  	[tilespmem:s31], [sflag:$0x2] =	stream.indirect_vreg.gather [hbm4b:s7+s4], $0x80, v3, vm0, $0xb8;
	[tilespmem:$0xC400] =	vst v63  }
0x36c: {  	_ =	swait.ge [sflag:s3], $0x4000  }
0x36d: {  	s2 =	sld [smem:$0x7ED]  }
0x36e: {  	[sflag:s3] =	ssyncset.done $0x0  }
0x36f: {  	[sflag:s3] =	ssyncadd.s32 $0xFFFFC000  }
0x370: {  	[hbm4b:s2+s4] =	stream.linear.scatter [tilespmem:s23], [sflag:$0x3], $0x4000, $0x38;
	[tilespmem:$0xC400] =	vst v63  }
0x371: {  	_ =	swait.ge [sflag:s9], $0x4000  }
0x372: {  	[sflag:s9] =	ssyncset.done $0x0  }
0x373: {  	[sflag:s9] =	ssyncadd.s32 $0xFFFFC000  }
0x374: {  	v3 =	vld [tilespmem:$0x280];
	_ =	sdelay $0x4  }
0x375: {  	v40 =	vshll.u32 v3, $0x2  }
0x376: {  	v3 =	vand.u32 $0x7, v3;
	v4 =	vand.u32 $0xFFFFFFE0, v40  }
0x377: {  	v3 =	vor.u32 v3, v4  }
0x378: {  	v4 =	vperm.xlane v3, v0;
	_ =	sdelay $0x1  }
0x379: {  	v4 =	vadd.s32 v1, v4;
	_ =	sdelay $0x1  }
0x37a: {  	v3 =	vperm.xlane v3, v2;
	_ =	sdelay $0x1  }
0x37b: {  	v3 =	vadd.s32 v1, v3  }
0x37c: {  	[tilespmem:s15], [sflag:$0x1] =	stream.indirect_vreg.gather [hbm4b:s1+s4], $0x80, v4, vm0, $0xb8;
	[tilespmem:$0xC400] =	vst v63  }
0x37d: {  	_ = 	snop  }
0x37e: {  	[tilespmem:s16], [sflag:$0x1] =	stream.indirect_vreg.gather [hbm4b:s7+s4], $0x80, v4, vm0, $0xb8;
	[tilespmem:$0xC400] =	vst v63  }
0x37f: {  	_ = 	snop  }
0x380: {  	[tilespmem:s17], [sflag:$0x1] =	stream.indirect_vreg.gather [hbm4b:s1+s4], $0x80, v3, vm0, $0xb8;
	[tilespmem:$0xC400] =	vst v63  }
0x381: {  	_ = 	snop  }
0x382: {  	[tilespmem:s18], [sflag:$0x1] =	stream.indirect_vreg.gather [hbm4b:s7+s4], $0x80, v3, vm0, $0xb8;
	[tilespmem:$0xC400] =	vst v63  }
0x383: {  	v3 =	vld [tilespmem:$0x290];
	_ =	sdelay $0x4  }
0x384: {  	v41 =	vshll.u32 v3, $0x2  }
0x385: {  	v3 =	vand.u32 $0x7, v3;
	v4 =	vand.u32 $0xFFFFFFE0, v41  }
0x386: {  	v3 =	vor.u32 v3, v4  }
0x387: {  	v4 =	vperm.xlane v3, v0;
	_ =	sdelay $0x1  }
0x388: {  	v4 =	vadd.s32 v1, v4;
	_ =	sdelay $0x1  }
0x389: {  	v3 =	vperm.xlane v3, v2;
	_ =	sdelay $0x1  }
0x38a: {  	v3 =	vadd.s32 v1, v3  }
0x38b: {  	[tilespmem:s19], [sflag:$0x1] =	stream.indirect_vreg.gather [hbm4b:s1+s4], $0x80, v4, vm0, $0xb8;
	[tilespmem:$0xC400] =	vst v63  }
0x38c: {  	_ = 	snop  }
0x38d: {  	[tilespmem:s20], [sflag:$0x1] =	stream.indirect_vreg.gather [hbm4b:s7+s4], $0x80, v4, vm0, $0xb8;
	[tilespmem:$0xC400] =	vst v63  }
0x38e: {  	_ = 	snop  }
0x38f: {  	[tilespmem:s21], [sflag:$0x1] =	stream.indirect_vreg.gather [hbm4b:s1+s4], $0x80, v3, vm0, $0xb8;
	[tilespmem:$0xC400] =	vst v63  }
0x390: {  	_ = 	snop  }
0x391: {  	[tilespmem:s22], [sflag:$0x1] =	stream.indirect_vreg.gather [hbm4b:s7+s4], $0x80, v3, vm0, $0xb8;
	[tilespmem:$0xC400] =	vst v63  }
0x392: {  	_ =	swait.ge [sflag:s13], $0x4000  }
0x393: {  	s2 =	sld [smem:$0x7EE]  }
0x394: {  	[sflag:s13] =	ssyncset.done $0x0  }
0x395: {  	[sflag:s13] =	ssyncadd.s32 $0xFFFFC000  }
0x396: {  	[hbm4b:s2+s4] =	stream.linear.scatter [tilespmem:s15], [sflag:$0x3], $0x4000, $0x38;
	[tilespmem:$0xC400] =	vst v63  }
0x397: {  	_ =	swait.ge [sflag:s9], $0x4000  }
0x398: {  	[sflag:s9] =	ssyncset.done $0x0  }
0x399: {  	[sflag:s9] =	ssyncadd.s32 $0xFFFFC000  }
0x39a: {  	v3 =	vld [tilespmem:$0x2A0];
	_ =	sdelay $0x4  }
0x39b: {  	v42 =	vshll.u32 v3, $0x2  }
0x39c: {  	v3 =	vand.u32 $0x7, v3;
	v4 =	vand.u32 $0xFFFFFFE0, v42  }
0x39d: {  	v3 =	vor.u32 v3, v4  }
0x39e: {  	v4 =	vperm.xlane v3, v0;
	_ =	sdelay $0x1  }
0x39f: {  	v4 =	vadd.s32 v1, v4;
	_ =	sdelay $0x1  }
0x3a0: {  	v3 =	vperm.xlane v3, v2;
	_ =	sdelay $0x1  }
0x3a1: {  	v3 =	vadd.s32 v1, v3  }
0x3a2: {  	[tilespmem:s23], [sflag:$0x2] =	stream.indirect_vreg.gather [hbm4b:s1+s4], $0x80, v4, vm0, $0xb8;
	[tilespmem:$0xC400] =	vst v63  }
0x3a3: {  	_ = 	snop  }
0x3a4: {  	[tilespmem:s24], [sflag:$0x2] =	stream.indirect_vreg.gather [hbm4b:s7+s4], $0x80, v4, vm0, $0xb8;
	[tilespmem:$0xC400] =	vst v63  }
0x3a5: {  	_ = 	snop  }
0x3a6: {  	[tilespmem:s25], [sflag:$0x2] =	stream.indirect_vreg.gather [hbm4b:s1+s4], $0x80, v3, vm0, $0xb8;
	[tilespmem:$0xC400] =	vst v63  }
0x3a7: {  	_ = 	snop  }
0x3a8: {  	[tilespmem:s26], [sflag:$0x2] =	stream.indirect_vreg.gather [hbm4b:s7+s4], $0x80, v3, vm0, $0xb8;
	[tilespmem:$0xC400] =	vst v63  }
0x3a9: {  	v3 =	vld [tilespmem:$0x2B0];
	_ =	sdelay $0x4  }
0x3aa: {  	v43 =	vshll.u32 v3, $0x2  }
0x3ab: {  	v3 =	vand.u32 $0x7, v3;
	v4 =	vand.u32 $0xFFFFFFE0, v43  }
0x3ac: {  	v3 =	vor.u32 v3, v4  }
0x3ad: {  	v4 =	vperm.xlane v3, v0;
	_ =	sdelay $0x1  }
0x3ae: {  	v4 =	vadd.s32 v1, v4;
	_ =	sdelay $0x1  }
0x3af: {  	v3 =	vperm.xlane v3, v2;
	_ =	sdelay $0x1  }
0x3b0: {  	v3 =	vadd.s32 v1, v3  }
0x3b1: {  	[tilespmem:s28], [sflag:$0x2] =	stream.indirect_vreg.gather [hbm4b:s1+s4], $0x80, v4, vm0, $0xb8;
	[tilespmem:$0xC400] =	vst v63  }
0x3b2: {  	_ = 	snop  }
0x3b3: {  	[tilespmem:s29], [sflag:$0x2] =	stream.indirect_vreg.gather [hbm4b:s7+s4], $0x80, v4, vm0, $0xb8;
	[tilespmem:$0xC400] =	vst v63  }
0x3b4: {  	_ = 	snop  }
0x3b5: {  	[tilespmem:s30], [sflag:$0x2] =	stream.indirect_vreg.gather [hbm4b:s1+s4], $0x80, v3, vm0, $0xb8;
	[tilespmem:$0xC400] =	vst v63  }
0x3b6: {  	_ = 	snop  }
0x3b7: {  	[tilespmem:s31], [sflag:$0x2] =	stream.indirect_vreg.gather [hbm4b:s7+s4], $0x80, v3, vm0, $0xb8;
	[tilespmem:$0xC400] =	vst v63  }
0x3b8: {  	_ =	swait.ge [sflag:s3], $0x4000  }
0x3b9: {  	s2 =	sld [smem:$0x7EF]  }
0x3ba: {  	[sflag:s3] =	ssyncset.done $0x0  }
0x3bb: {  	[sflag:s3] =	ssyncadd.s32 $0xFFFFC000  }
0x3bc: {  	[hbm4b:s2+s4] =	stream.linear.scatter [tilespmem:s23], [sflag:$0x3], $0x4000, $0x38;
	[tilespmem:$0xC400] =	vst v63  }
0x3bd: {  	_ =	swait.ge [sflag:s9], $0x4000  }
0x3be: {  	[sflag:s9] =	ssyncset.done $0x0  }
0x3bf: {  	[sflag:s9] =	ssyncadd.s32 $0xFFFFC000  }
0x3c0: {  	v3 =	vld [tilespmem:$0x2C0];
	_ =	sdelay $0x4  }
0x3c1: {  	v44 =	vshll.u32 v3, $0x2  }
0x3c2: {  	v3 =	vand.u32 $0x7, v3;
	v4 =	vand.u32 $0xFFFFFFE0, v44  }
0x3c3: {  	v3 =	vor.u32 v3, v4  }
0x3c4: {  	v4 =	vperm.xlane v3, v0;
	_ =	sdelay $0x1  }
0x3c5: {  	v4 =	vadd.s32 v1, v4;
	_ =	sdelay $0x1  }
0x3c6: {  	v3 =	vperm.xlane v3, v2;
	_ =	sdelay $0x1  }
0x3c7: {  	v3 =	vadd.s32 v1, v3  }
0x3c8: {  	[tilespmem:s15], [sflag:$0x1] =	stream.indirect_vreg.gather [hbm4b:s1+s4], $0x80, v4, vm0, $0xb8;
	[tilespmem:$0xC400] =	vst v63  }
0x3c9: {  	_ = 	snop  }
0x3ca: {  	[tilespmem:s16], [sflag:$0x1] =	stream.indirect_vreg.gather [hbm4b:s7+s4], $0x80, v4, vm0, $0xb8;
	[tilespmem:$0xC400] =	vst v63  }
0x3cb: {  	_ = 	snop  }
0x3cc: {  	[tilespmem:s17], [sflag:$0x1] =	stream.indirect_vreg.gather [hbm4b:s1+s4], $0x80, v3, vm0, $0xb8;
	[tilespmem:$0xC400] =	vst v63  }
0x3cd: {  	_ = 	snop  }
0x3ce: {  	[tilespmem:s18], [sflag:$0x1] =	stream.indirect_vreg.gather [hbm4b:s7+s4], $0x80, v3, vm0, $0xb8;
	[tilespmem:$0xC400] =	vst v63  }
0x3cf: {  	v3 =	vld [tilespmem:$0x2D0];
	_ =	sdelay $0x4  }
0x3d0: {  	v45 =	vshll.u32 v3, $0x2  }
0x3d1: {  	v3 =	vand.u32 $0x7, v3;
	v4 =	vand.u32 $0xFFFFFFE0, v45  }
0x3d2: {  	v3 =	vor.u32 v3, v4  }
0x3d3: {  	v4 =	vperm.xlane v3, v0;
	_ =	sdelay $0x1  }
0x3d4: {  	v4 =	vadd.s32 v1, v4;
	_ =	sdelay $0x1  }
0x3d5: {  	v3 =	vperm.xlane v3, v2;
	_ =	sdelay $0x1  }
0x3d6: {  	v3 =	vadd.s32 v1, v3  }
0x3d7: {  	[tilespmem:s19], [sflag:$0x1] =	stream.indirect_vreg.gather [hbm4b:s1+s4], $0x80, v4, vm0, $0xb8;
	[tilespmem:$0xC400] =	vst v63  }
0x3d8: {  	_ = 	snop  }
0x3d9: {  	[tilespmem:s20], [sflag:$0x1] =	stream.indirect_vreg.gather [hbm4b:s7+s4], $0x80, v4, vm0, $0xb8;
	[tilespmem:$0xC400] =	vst v63  }
0x3da: {  	_ = 	snop  }
0x3db: {  	[tilespmem:s21], [sflag:$0x1] =	stream.indirect_vreg.gather [hbm4b:s1+s4], $0x80, v3, vm0, $0xb8;
	[tilespmem:$0xC400] =	vst v63  }
0x3dc: {  	_ = 	snop  }
0x3dd: {  	[tilespmem:s22], [sflag:$0x1] =	stream.indirect_vreg.gather [hbm4b:s7+s4], $0x80, v3, vm0, $0xb8;
	[tilespmem:$0xC400] =	vst v63  }
0x3de: {  	_ =	swait.ge [sflag:s13], $0x4000  }
0x3df: {  	s2 =	sld [smem:$0x7F0]  }
0x3e0: {  	[sflag:s13] =	ssyncset.done $0x0  }
0x3e1: {  	[sflag:s13] =	ssyncadd.s32 $0xFFFFC000  }
0x3e2: {  	[hbm4b:s2+s4] =	stream.linear.scatter [tilespmem:s15], [sflag:$0x3], $0x4000, $0x38;
	[tilespmem:$0xC400] =	vst v63  }
0x3e3: {  	_ =	swait.ge [sflag:s9], $0x4000  }
0x3e4: {  	[sflag:s9] =	ssyncset.done $0x0  }
0x3e5: {  	[sflag:s9] =	ssyncadd.s32 $0xFFFFC000  }
0x3e6: {  	v3 =	vld [tilespmem:$0x2E0];
	_ =	sdelay $0x4  }
0x3e7: {  	v46 =	vshll.u32 v3, $0x2  }
0x3e8: {  	v3 =	vand.u32 $0x7, v3;
	v4 =	vand.u32 $0xFFFFFFE0, v46  }
0x3e9: {  	v3 =	vor.u32 v3, v4  }
0x3ea: {  	v4 =	vperm.xlane v3, v0;
	_ =	sdelay $0x1  }
0x3eb: {  	v4 =	vadd.s32 v1, v4;
	_ =	sdelay $0x1  }
0x3ec: {  	v3 =	vperm.xlane v3, v2;
	_ =	sdelay $0x1  }
0x3ed: {  	v3 =	vadd.s32 v1, v3  }
0x3ee: {  	[tilespmem:s23], [sflag:$0x2] =	stream.indirect_vreg.gather [hbm4b:s1+s4], $0x80, v4, vm0, $0xb8;
	[tilespmem:$0xC400] =	vst v63  }
0x3ef: {  	_ = 	snop  }
0x3f0: {  	[tilespmem:s24], [sflag:$0x2] =	stream.indirect_vreg.gather [hbm4b:s7+s4], $0x80, v4, vm0, $0xb8;
	[tilespmem:$0xC400] =	vst v63  }
0x3f1: {  	_ = 	snop  }
0x3f2: {  	[tilespmem:s25], [sflag:$0x2] =	stream.indirect_vreg.gather [hbm4b:s1+s4], $0x80, v3, vm0, $0xb8;
	[tilespmem:$0xC400] =	vst v63  }
0x3f3: {  	_ = 	snop  }
0x3f4: {  	[tilespmem:s26], [sflag:$0x2] =	stream.indirect_vreg.gather [hbm4b:s7+s4], $0x80, v3, vm0, $0xb8;
	[tilespmem:$0xC400] =	vst v63  }
0x3f5: {  	v3 =	vld [tilespmem:$0x2F0];
	_ =	sdelay $0x4  }
0x3f6: {  	v47 =	vshll.u32 v3, $0x2  }
0x3f7: {  	v3 =	vand.u32 $0x7, v3;
	v4 =	vand.u32 $0xFFFFFFE0, v47  }
0x3f8: {  	v3 =	vor.u32 v3, v4  }
0x3f9: {  	v4 =	vperm.xlane v3, v0;
	_ =	sdelay $0x1  }
0x3fa: {  	v4 =	vadd.s32 v1, v4;
	_ =	sdelay $0x1  }
0x3fb: {  	v3 =	vperm.xlane v3, v2;
	_ =	sdelay $0x1  }
0x3fc: {  	v3 =	vadd.s32 v1, v3  }
0x3fd: {  	[tilespmem:s28], [sflag:$0x2] =	stream.indirect_vreg.gather [hbm4b:s1+s4], $0x80, v4, vm0, $0xb8;
	[tilespmem:$0xC400] =	vst v63  }
0x3fe: {  	_ = 	snop  }
0x3ff: {  	[tilespmem:s29], [sflag:$0x2] =	stream.indirect_vreg.gather [hbm4b:s7+s4], $0x80, v4, vm0, $0xb8;
	[tilespmem:$0xC400] =	vst v63  }
0x400: {  	_ = 	snop  }
0x401: {  	[tilespmem:s30], [sflag:$0x2] =	stream.indirect_vreg.gather [hbm4b:s1+s4], $0x80, v3, vm0, $0xb8;
	[tilespmem:$0xC400] =	vst v63  }
0x402: {  	_ = 	snop  }
0x403: {  	[tilespmem:s31], [sflag:$0x2] =	stream.indirect_vreg.gather [hbm4b:s7+s4], $0x80, v3, vm0, $0xb8;
	[tilespmem:$0xC400] =	vst v63  }
0x404: {  	_ =	swait.ge [sflag:s3], $0x4000  }
0x405: {  	s2 =	sld [smem:$0x7F1]  }
0x406: {  	[sflag:s3] =	ssyncset.done $0x0  }
0x407: {  	[sflag:s3] =	ssyncadd.s32 $0xFFFFC000  }
0x408: {  	[hbm4b:s2+s4] =	stream.linear.scatter [tilespmem:s23], [sflag:$0x3], $0x4000, $0x38;
	[tilespmem:$0xC400] =	vst v63  }
0x409: {  	_ =	swait.ge [sflag:s9], $0x4000  }
0x40a: {  	[sflag:s9] =	ssyncset.done $0x0  }
0x40b: {  	[sflag:s9] =	ssyncadd.s32 $0xFFFFC000  }
0x40c: {  	v3 =	vld [tilespmem:$0x300];
	_ =	sdelay $0x4  }
0x40d: {  	v48 =	vshll.u32 v3, $0x2  }
0x40e: {  	v3 =	vand.u32 $0x7, v3;
	v4 =	vand.u32 $0xFFFFFFE0, v48  }
0x40f: {  	v3 =	vor.u32 v3, v4  }
0x410: {  	v4 =	vperm.xlane v3, v0;
	_ =	sdelay $0x1  }
0x411: {  	v4 =	vadd.s32 v1, v4;
	_ =	sdelay $0x1  }
0x412: {  	v3 =	vperm.xlane v3, v2;
	_ =	sdelay $0x1  }
0x413: {  	v3 =	vadd.s32 v1, v3  }
0x414: {  	[tilespmem:s15], [sflag:$0x1] =	stream.indirect_vreg.gather [hbm4b:s1+s4], $0x80, v4, vm0, $0xb8;
	[tilespmem:$0xC400] =	vst v63  }
0x415: {  	_ = 	snop  }
0x416: {  	[tilespmem:s16], [sflag:$0x1] =	stream.indirect_vreg.gather [hbm4b:s7+s4], $0x80, v4, vm0, $0xb8;
	[tilespmem:$0xC400] =	vst v63  }
0x417: {  	_ = 	snop  }
0x418: {  	[tilespmem:s17], [sflag:$0x1] =	stream.indirect_vreg.gather [hbm4b:s1+s4], $0x80, v3, vm0, $0xb8;
	[tilespmem:$0xC400] =	vst v63  }
0x419: {  	_ = 	snop  }
0x41a: {  	[tilespmem:s18], [sflag:$0x1] =	stream.indirect_vreg.gather [hbm4b:s7+s4], $0x80, v3, vm0, $0xb8;
	[tilespmem:$0xC400] =	vst v63  }
0x41b: {  	v3 =	vld [tilespmem:$0x310];
	_ =	sdelay $0x4  }
0x41c: {  	v49 =	vshll.u32 v3, $0x2  }
0x41d: {  	v3 =	vand.u32 $0x7, v3;
	v4 =	vand.u32 $0xFFFFFFE0, v49  }
0x41e: {  	v3 =	vor.u32 v3, v4  }
0x41f: {  	v4 =	vperm.xlane v3, v0;
	_ =	sdelay $0x1  }
0x420: {  	v4 =	vadd.s32 v1, v4;
	_ =	sdelay $0x1  }
0x421: {  	v3 =	vperm.xlane v3, v2;
	_ =	sdelay $0x1  }
0x422: {  	v3 =	vadd.s32 v1, v3  }
0x423: {  	[tilespmem:s19], [sflag:$0x1] =	stream.indirect_vreg.gather [hbm4b:s1+s4], $0x80, v4, vm0, $0xb8;
	[tilespmem:$0xC400] =	vst v63  }
0x424: {  	_ = 	snop  }
0x425: {  	[tilespmem:s20], [sflag:$0x1] =	stream.indirect_vreg.gather [hbm4b:s7+s4], $0x80, v4, vm0, $0xb8;
	[tilespmem:$0xC400] =	vst v63  }
0x426: {  	_ = 	snop  }
0x427: {  	[tilespmem:s21], [sflag:$0x1] =	stream.indirect_vreg.gather [hbm4b:s1+s4], $0x80, v3, vm0, $0xb8;
	[tilespmem:$0xC400] =	vst v63  }
0x428: {  	_ = 	snop  }
0x429: {  	[tilespmem:s22], [sflag:$0x1] =	stream.indirect_vreg.gather [hbm4b:s7+s4], $0x80, v3, vm0, $0xb8;
	[tilespmem:$0xC400] =	vst v63  }
0x42a: {  	_ =	swait.ge [sflag:s13], $0x4000  }
0x42b: {  	s2 =	sld [smem:$0x7F2]  }
0x42c: {  	[sflag:s13] =	ssyncset.done $0x0  }
0x42d: {  	[sflag:s13] =	ssyncadd.s32 $0xFFFFC000  }
0x42e: {  	[hbm4b:s2+s4] =	stream.linear.scatter [tilespmem:s15], [sflag:$0x3], $0x4000, $0x38;
	[tilespmem:$0xC400] =	vst v63  }
0x42f: {  	_ =	swait.ge [sflag:s9], $0x4000  }
0x430: {  	[sflag:s9] =	ssyncset.done $0x0  }
0x431: {  	[sflag:s9] =	ssyncadd.s32 $0xFFFFC000  }
0x432: {  	v3 =	vld [tilespmem:$0x320];
	_ =	sdelay $0x4  }
0x433: {  	v50 =	vshll.u32 v3, $0x2  }
0x434: {  	v3 =	vand.u32 $0x7, v3;
	v4 =	vand.u32 $0xFFFFFFE0, v50  }
0x435: {  	v3 =	vor.u32 v3, v4  }
0x436: {  	v4 =	vperm.xlane v3, v0;
	_ =	sdelay $0x1  }
0x437: {  	v4 =	vadd.s32 v1, v4;
	_ =	sdelay $0x1  }
0x438: {  	v3 =	vperm.xlane v3, v2;
	_ =	sdelay $0x1  }
0x439: {  	v3 =	vadd.s32 v1, v3  }
0x43a: {  	[tilespmem:s23], [sflag:$0x2] =	stream.indirect_vreg.gather [hbm4b:s1+s4], $0x80, v4, vm0, $0xb8;
	[tilespmem:$0xC400] =	vst v63  }
0x43b: {  	_ = 	snop  }
0x43c: {  	[tilespmem:s24], [sflag:$0x2] =	stream.indirect_vreg.gather [hbm4b:s7+s4], $0x80, v4, vm0, $0xb8;
	[tilespmem:$0xC400] =	vst v63  }
0x43d: {  	_ = 	snop  }
0x43e: {  	[tilespmem:s25], [sflag:$0x2] =	stream.indirect_vreg.gather [hbm4b:s1+s4], $0x80, v3, vm0, $0xb8;
	[tilespmem:$0xC400] =	vst v63  }
0x43f: {  	_ = 	snop  }
0x440: {  	[tilespmem:s26], [sflag:$0x2] =	stream.indirect_vreg.gather [hbm4b:s7+s4], $0x80, v3, vm0, $0xb8;
	[tilespmem:$0xC400] =	vst v63  }
0x441: {  	v3 =	vld [tilespmem:$0x330];
	_ =	sdelay $0x4  }
0x442: {  	v51 =	vshll.u32 v3, $0x2  }
0x443: {  	v3 =	vand.u32 $0x7, v3;
	v4 =	vand.u32 $0xFFFFFFE0, v51  }
0x444: {  	v3 =	vor.u32 v3, v4  }
0x445: {  	v4 =	vperm.xlane v3, v0;
	_ =	sdelay $0x1  }
0x446: {  	v4 =	vadd.s32 v1, v4;
	_ =	sdelay $0x1  }
0x447: {  	v3 =	vperm.xlane v3, v2;
	_ =	sdelay $0x1  }
0x448: {  	v3 =	vadd.s32 v1, v3  }
0x449: {  	[tilespmem:s28], [sflag:$0x2] =	stream.indirect_vreg.gather [hbm4b:s1+s4], $0x80, v4, vm0, $0xb8;
	[tilespmem:$0xC400] =	vst v63  }
0x44a: {  	_ = 	snop  }
0x44b: {  	[tilespmem:s29], [sflag:$0x2] =	stream.indirect_vreg.gather [hbm4b:s7+s4], $0x80, v4, vm0, $0xb8;
	[tilespmem:$0xC400] =	vst v63  }
0x44c: {  	_ = 	snop  }
0x44d: {  	[tilespmem:s30], [sflag:$0x2] =	stream.indirect_vreg.gather [hbm4b:s1+s4], $0x80, v3, vm0, $0xb8;
	[tilespmem:$0xC400] =	vst v63  }
0x44e: {  	_ = 	snop  }
0x44f: {  	[tilespmem:s31], [sflag:$0x2] =	stream.indirect_vreg.gather [hbm4b:s7+s4], $0x80, v3, vm0, $0xb8;
	[tilespmem:$0xC400] =	vst v63  }
0x450: {  	_ =	swait.ge [sflag:s3], $0x4000  }
0x451: {  	s2 =	sld [smem:$0x7F3]  }
0x452: {  	[sflag:s3] =	ssyncset.done $0x0  }
0x453: {  	[sflag:s3] =	ssyncadd.s32 $0xFFFFC000  }
0x454: {  	[hbm4b:s2+s4] =	stream.linear.scatter [tilespmem:s23], [sflag:$0x3], $0x4000, $0x38;
	[tilespmem:$0xC400] =	vst v63  }
0x455: {  	_ =	swait.ge [sflag:s9], $0x4000  }
0x456: {  	[sflag:s9] =	ssyncset.done $0x0  }
0x457: {  	[sflag:s9] =	ssyncadd.s32 $0xFFFFC000  }
0x458: {  	v3 =	vld [tilespmem:$0x340];
	_ =	sdelay $0x4  }
0x459: {  	v52 =	vshll.u32 v3, $0x2  }
0x45a: {  	v3 =	vand.u32 $0x7, v3;
	v4 =	vand.u32 $0xFFFFFFE0, v52  }
0x45b: {  	v3 =	vor.u32 v3, v4  }
0x45c: {  	v4 =	vperm.xlane v3, v0;
	_ =	sdelay $0x1  }
0x45d: {  	v4 =	vadd.s32 v1, v4;
	_ =	sdelay $0x1  }
0x45e: {  	v3 =	vperm.xlane v3, v2;
	_ =	sdelay $0x1  }
0x45f: {  	v3 =	vadd.s32 v1, v3  }
0x460: {  	[tilespmem:s15], [sflag:$0x1] =	stream.indirect_vreg.gather [hbm4b:s1+s4], $0x80, v4, vm0, $0xb8;
	[tilespmem:$0xC400] =	vst v63  }
0x461: {  	_ = 	snop  }
0x462: {  	[tilespmem:s16], [sflag:$0x1] =	stream.indirect_vreg.gather [hbm4b:s7+s4], $0x80, v4, vm0, $0xb8;
	[tilespmem:$0xC400] =	vst v63  }
0x463: {  	_ = 	snop  }
0x464: {  	[tilespmem:s17], [sflag:$0x1] =	stream.indirect_vreg.gather [hbm4b:s1+s4], $0x80, v3, vm0, $0xb8;
	[tilespmem:$0xC400] =	vst v63  }
0x465: {  	_ = 	snop  }
0x466: {  	[tilespmem:s18], [sflag:$0x1] =	stream.indirect_vreg.gather [hbm4b:s7+s4], $0x80, v3, vm0, $0xb8;
	[tilespmem:$0xC400] =	vst v63  }
0x467: {  	v3 =	vld [tilespmem:$0x350];
	_ =	sdelay $0x4  }
0x468: {  	v53 =	vshll.u32 v3, $0x2  }
0x469: {  	v3 =	vand.u32 $0x7, v3;
	v4 =	vand.u32 $0xFFFFFFE0, v53  }
0x46a: {  	v3 =	vor.u32 v3, v4  }
0x46b: {  	v4 =	vperm.xlane v3, v0;
	_ =	sdelay $0x1  }
0x46c: {  	v4 =	vadd.s32 v1, v4;
	_ =	sdelay $0x1  }
0x46d: {  	v3 =	vperm.xlane v3, v2;
	_ =	sdelay $0x1  }
0x46e: {  	v3 =	vadd.s32 v1, v3  }
0x46f: {  	[tilespmem:s19], [sflag:$0x1] =	stream.indirect_vreg.gather [hbm4b:s1+s4], $0x80, v4, vm0, $0xb8;
	[tilespmem:$0xC400] =	vst v63  }
0x470: {  	_ = 	snop  }
0x471: {  	[tilespmem:s20], [sflag:$0x1] =	stream.indirect_vreg.gather [hbm4b:s7+s4], $0x80, v4, vm0, $0xb8;
	[tilespmem:$0xC400] =	vst v63  }
0x472: {  	_ = 	snop  }
0x473: {  	[tilespmem:s21], [sflag:$0x1] =	stream.indirect_vreg.gather [hbm4b:s1+s4], $0x80, v3, vm0, $0xb8;
	[tilespmem:$0xC400] =	vst v63  }
0x474: {  	_ = 	snop  }
0x475: {  	[tilespmem:s22], [sflag:$0x1] =	stream.indirect_vreg.gather [hbm4b:s7+s4], $0x80, v3, vm0, $0xb8;
	[tilespmem:$0xC400] =	vst v63  }
0x476: {  	_ =	swait.ge [sflag:s13], $0x4000  }
0x477: {  	s2 =	sld [smem:$0x7F4]  }
0x478: {  	[sflag:s13] =	ssyncset.done $0x0  }
0x479: {  	[sflag:s13] =	ssyncadd.s32 $0xFFFFC000  }
0x47a: {  	[hbm4b:s2+s4] =	stream.linear.scatter [tilespmem:s15], [sflag:$0x3], $0x4000, $0x38;
	[tilespmem:$0xC400] =	vst v63  }
0x47b: {  	_ =	swait.ge [sflag:s9], $0x4000  }
0x47c: {  	[sflag:s9] =	ssyncset.done $0x0  }
0x47d: {  	[sflag:s9] =	ssyncadd.s32 $0xFFFFC000  }
0x47e: {  	v3 =	vld [tilespmem:$0x360];
	_ =	sdelay $0x4  }
0x47f: {  	v54 =	vshll.u32 v3, $0x2  }
0x480: {  	v3 =	vand.u32 $0x7, v3;
	v4 =	vand.u32 $0xFFFFFFE0, v54  }
0x481: {  	v3 =	vor.u32 v3, v4  }
0x482: {  	v4 =	vperm.xlane v3, v0;
	_ =	sdelay $0x1  }
0x483: {  	v4 =	vadd.s32 v1, v4;
	_ =	sdelay $0x1  }
0x484: {  	v3 =	vperm.xlane v3, v2;
	_ =	sdelay $0x1  }
0x485: {  	v3 =	vadd.s32 v1, v3  }
0x486: {  	[tilespmem:s23], [sflag:$0x2] =	stream.indirect_vreg.gather [hbm4b:s1+s4], $0x80, v4, vm0, $0xb8;
	[tilespmem:$0xC400] =	vst v63  }
0x487: {  	_ = 	snop  }
0x488: {  	[tilespmem:s24], [sflag:$0x2] =	stream.indirect_vreg.gather [hbm4b:s7+s4], $0x80, v4, vm0, $0xb8;
	[tilespmem:$0xC400] =	vst v63  }
0x489: {  	_ = 	snop  }
0x48a: {  	[tilespmem:s25], [sflag:$0x2] =	stream.indirect_vreg.gather [hbm4b:s1+s4], $0x80, v3, vm0, $0xb8;
	[tilespmem:$0xC400] =	vst v63  }
0x48b: {  	_ = 	snop  }
0x48c: {  	[tilespmem:s26], [sflag:$0x2] =	stream.indirect_vreg.gather [hbm4b:s7+s4], $0x80, v3, vm0, $0xb8;
	[tilespmem:$0xC400] =	vst v63  }
0x48d: {  	v3 =	vld [tilespmem:$0x370];
	_ =	sdelay $0x4  }
0x48e: {  	v55 =	vshll.u32 v3, $0x2  }
0x48f: {  	v3 =	vand.u32 $0x7, v3;
	v4 =	vand.u32 $0xFFFFFFE0, v55  }
0x490: {  	v3 =	vor.u32 v3, v4  }
0x491: {  	v4 =	vperm.xlane v3, v0;
	_ =	sdelay $0x1  }
0x492: {  	v4 =	vadd.s32 v1, v4;
	_ =	sdelay $0x1  }
0x493: {  	v3 =	vperm.xlane v3, v2;
	_ =	sdelay $0x1  }
0x494: {  	v3 =	vadd.s32 v1, v3  }
0x495: {  	[tilespmem:s28], [sflag:$0x2] =	stream.indirect_vreg.gather [hbm4b:s1+s4], $0x80, v4, vm0, $0xb8;
	[tilespmem:$0xC400] =	vst v63  }
0x496: {  	_ = 	snop  }
0x497: {  	[tilespmem:s29], [sflag:$0x2] =	stream.indirect_vreg.gather [hbm4b:s7+s4], $0x80, v4, vm0, $0xb8;
	[tilespmem:$0xC400] =	vst v63  }
0x498: {  	_ = 	snop  }
0x499: {  	[tilespmem:s30], [sflag:$0x2] =	stream.indirect_vreg.gather [hbm4b:s1+s4], $0x80, v3, vm0, $0xb8;
	[tilespmem:$0xC400] =	vst v63  }
0x49a: {  	_ = 	snop  }
0x49b: {  	[tilespmem:s31], [sflag:$0x2] =	stream.indirect_vreg.gather [hbm4b:s7+s4], $0x80, v3, vm0, $0xb8;
	[tilespmem:$0xC400] =	vst v63  }
0x49c: {  	_ =	swait.ge [sflag:s3], $0x4000  }
0x49d: {  	s2 =	sld [smem:$0x7F5]  }
0x49e: {  	[sflag:s3] =	ssyncset.done $0x0  }
0x49f: {  	[sflag:s3] =	ssyncadd.s32 $0xFFFFC000  }
0x4a0: {  	[hbm4b:s2+s4] =	stream.linear.scatter [tilespmem:s23], [sflag:$0x3], $0x4000, $0x38;
	[tilespmem:$0xC400] =	vst v63  }
0x4a1: {  	_ =	swait.ge [sflag:s9], $0x4000  }
0x4a2: {  	[sflag:s9] =	ssyncset.done $0x0  }
0x4a3: {  	[sflag:s9] =	ssyncadd.s32 $0xFFFFC000  }
0x4a4: {  	v3 =	vld [tilespmem:$0x380];
	_ =	sdelay $0x4  }
0x4a5: {  	v56 =	vshll.u32 v3, $0x2  }
0x4a6: {  	v3 =	vand.u32 $0x7, v3;
	v4 =	vand.u32 $0xFFFFFFE0, v56  }
0x4a7: {  	v3 =	vor.u32 v3, v4  }
0x4a8: {  	v4 =	vperm.xlane v3, v0;
	_ =	sdelay $0x1  }
0x4a9: {  	v4 =	vadd.s32 v1, v4;
	_ =	sdelay $0x1  }
0x4aa: {  	v3 =	vperm.xlane v3, v2;
	_ =	sdelay $0x1  }
0x4ab: {  	v3 =	vadd.s32 v1, v3  }
0x4ac: {  	[tilespmem:s15], [sflag:$0x1] =	stream.indirect_vreg.gather [hbm4b:s1+s4], $0x80, v4, vm0, $0xb8;
	[tilespmem:$0xC400] =	vst v63  }
0x4ad: {  	_ = 	snop  }
0x4ae: {  	[tilespmem:s16], [sflag:$0x1] =	stream.indirect_vreg.gather [hbm4b:s7+s4], $0x80, v4, vm0, $0xb8;
	[tilespmem:$0xC400] =	vst v63  }
0x4af: {  	_ = 	snop  }
0x4b0: {  	[tilespmem:s17], [sflag:$0x1] =	stream.indirect_vreg.gather [hbm4b:s1+s4], $0x80, v3, vm0, $0xb8;
	[tilespmem:$0xC400] =	vst v63  }
0x4b1: {  	_ = 	snop  }
0x4b2: {  	[tilespmem:s18], [sflag:$0x1] =	stream.indirect_vreg.gather [hbm4b:s7+s4], $0x80, v3, vm0, $0xb8;
	[tilespmem:$0xC400] =	vst v63  }
0x4b3: {  	v3 =	vld [tilespmem:$0x390];
	_ =	sdelay $0x4  }
0x4b4: {  	v57 =	vshll.u32 v3, $0x2  }
0x4b5: {  	v3 =	vand.u32 $0x7, v3;
	v4 =	vand.u32 $0xFFFFFFE0, v57  }
0x4b6: {  	v3 =	vor.u32 v3, v4  }
0x4b7: {  	v4 =	vperm.xlane v3, v0;
	_ =	sdelay $0x1  }
0x4b8: {  	v4 =	vadd.s32 v1, v4;
	_ =	sdelay $0x1  }
0x4b9: {  	v3 =	vperm.xlane v3, v2;
	_ =	sdelay $0x1  }
0x4ba: {  	v3 =	vadd.s32 v1, v3  }
0x4bb: {  	[tilespmem:s19], [sflag:$0x1] =	stream.indirect_vreg.gather [hbm4b:s1+s4], $0x80, v4, vm0, $0xb8;
	[tilespmem:$0xC400] =	vst v63  }
0x4bc: {  	_ = 	snop  }
0x4bd: {  	[tilespmem:s20], [sflag:$0x1] =	stream.indirect_vreg.gather [hbm4b:s7+s4], $0x80, v4, vm0, $0xb8;
	[tilespmem:$0xC400] =	vst v63  }
0x4be: {  	_ = 	snop  }
0x4bf: {  	[tilespmem:s21], [sflag:$0x1] =	stream.indirect_vreg.gather [hbm4b:s1+s4], $0x80, v3, vm0, $0xb8;
	[tilespmem:$0xC400] =	vst v63  }
0x4c0: {  	_ = 	snop  }
0x4c1: {  	[tilespmem:s22], [sflag:$0x1] =	stream.indirect_vreg.gather [hbm4b:s7+s4], $0x80, v3, vm0, $0xb8;
	[tilespmem:$0xC400] =	vst v63  }
0x4c2: {  	_ =	swait.ge [sflag:s13], $0x4000  }
0x4c3: {  	s2 =	sld [smem:$0x7F6]  }
0x4c4: {  	[sflag:s13] =	ssyncset.done $0x0  }
0x4c5: {  	[sflag:s13] =	ssyncadd.s32 $0xFFFFC000  }
0x4c6: {  	[hbm4b:s2+s4] =	stream.linear.scatter [tilespmem:s15], [sflag:$0x3], $0x4000, $0x38;
	[tilespmem:$0xC400] =	vst v63  }
0x4c7: {  	_ =	swait.ge [sflag:s9], $0x4000  }
0x4c8: {  	[sflag:s9] =	ssyncset.done $0x0  }
0x4c9: {  	[sflag:s9] =	ssyncadd.s32 $0xFFFFC000  }
0x4ca: {  	v3 =	vld [tilespmem:$0x3A0];
	_ =	sdelay $0x4  }
0x4cb: {  	v58 =	vshll.u32 v3, $0x2  }
0x4cc: {  	v3 =	vand.u32 $0x7, v3;
	v4 =	vand.u32 $0xFFFFFFE0, v58  }
0x4cd: {  	v3 =	vor.u32 v3, v4  }
0x4ce: {  	v4 =	vperm.xlane v3, v0;
	_ =	sdelay $0x1  }
0x4cf: {  	v4 =	vadd.s32 v1, v4;
	_ =	sdelay $0x1  }
0x4d0: {  	v3 =	vperm.xlane v3, v2;
	_ =	sdelay $0x1  }
0x4d1: {  	v3 =	vadd.s32 v1, v3  }
0x4d2: {  	[tilespmem:s23], [sflag:$0x2] =	stream.indirect_vreg.gather [hbm4b:s1+s4], $0x80, v4, vm0, $0xb8;
	[tilespmem:$0xC400] =	vst v63  }
0x4d3: {  	_ = 	snop  }
0x4d4: {  	[tilespmem:s24], [sflag:$0x2] =	stream.indirect_vreg.gather [hbm4b:s7+s4], $0x80, v4, vm0, $0xb8;
	[tilespmem:$0xC400] =	vst v63  }
0x4d5: {  	_ = 	snop  }
0x4d6: {  	[tilespmem:s25], [sflag:$0x2] =	stream.indirect_vreg.gather [hbm4b:s1+s4], $0x80, v3, vm0, $0xb8;
	[tilespmem:$0xC400] =	vst v63  }
0x4d7: {  	_ = 	snop  }
0x4d8: {  	[tilespmem:s26], [sflag:$0x2] =	stream.indirect_vreg.gather [hbm4b:s7+s4], $0x80, v3, vm0, $0xb8;
	[tilespmem:$0xC400] =	vst v63  }
0x4d9: {  	v3 =	vld [tilespmem:$0x3B0];
	_ =	sdelay $0x4  }
0x4da: {  	v59 =	vshll.u32 v3, $0x2  }
0x4db: {  	v3 =	vand.u32 $0x7, v3;
	v4 =	vand.u32 $0xFFFFFFE0, v59  }
0x4dc: {  	v3 =	vor.u32 v3, v4  }
0x4dd: {  	v4 =	vperm.xlane v3, v0;
	_ =	sdelay $0x1  }
0x4de: {  	v4 =	vadd.s32 v1, v4;
	_ =	sdelay $0x1  }
0x4df: {  	v3 =	vperm.xlane v3, v2;
	_ =	sdelay $0x1  }
0x4e0: {  	v3 =	vadd.s32 v1, v3  }
0x4e1: {  	[tilespmem:s28], [sflag:$0x2] =	stream.indirect_vreg.gather [hbm4b:s1+s4], $0x80, v4, vm0, $0xb8;
	[tilespmem:$0xC400] =	vst v63  }
0x4e2: {  	_ = 	snop  }
0x4e3: {  	[tilespmem:s29], [sflag:$0x2] =	stream.indirect_vreg.gather [hbm4b:s7+s4], $0x80, v4, vm0, $0xb8;
	[tilespmem:$0xC400] =	vst v63  }
0x4e4: {  	_ = 	snop  }
0x4e5: {  	[tilespmem:s30], [sflag:$0x2] =	stream.indirect_vreg.gather [hbm4b:s1+s4], $0x80, v3, vm0, $0xb8;
	[tilespmem:$0xC400] =	vst v63  }
0x4e6: {  	_ = 	snop  }
0x4e7: {  	[tilespmem:s31], [sflag:$0x2] =	stream.indirect_vreg.gather [hbm4b:s7+s4], $0x80, v3, vm0, $0xb8;
	[tilespmem:$0xC400] =	vst v63  }
0x4e8: {  	_ =	swait.ge [sflag:s3], $0x4000  }
0x4e9: {  	s2 =	sld [smem:$0x7F7]  }
0x4ea: {  	[sflag:s3] =	ssyncset.done $0x0  }
0x4eb: {  	[sflag:s3] =	ssyncadd.s32 $0xFFFFC000  }
0x4ec: {  	[hbm4b:s2+s4] =	stream.linear.scatter [tilespmem:s23], [sflag:$0x3], $0x4000, $0x38;
	[tilespmem:$0xC400] =	vst v63  }
0x4ed: {  	_ =	swait.ge [sflag:s9], $0x4000  }
0x4ee: {  	[sflag:s9] =	ssyncset.done $0x0  }
0x4ef: {  	[sflag:s9] =	ssyncadd.s32 $0xFFFFC000  }
0x4f0: {  	v3 =	vld [tilespmem:$0x3C0];
	_ =	sdelay $0x4  }
0x4f1: {  	v60 =	vshll.u32 v3, $0x2  }
0x4f2: {  	v3 =	vand.u32 $0x7, v3;
	v4 =	vand.u32 $0xFFFFFFE0, v60  }
0x4f3: {  	v3 =	vor.u32 v3, v4  }
0x4f4: {  	v4 =	vperm.xlane v3, v0;
	_ =	sdelay $0x1  }
0x4f5: {  	v4 =	vadd.s32 v1, v4;
	_ =	sdelay $0x1  }
0x4f6: {  	v3 =	vperm.xlane v3, v2;
	_ =	sdelay $0x1  }
0x4f7: {  	v3 =	vadd.s32 v1, v3  }
0x4f8: {  	[tilespmem:s15], [sflag:$0x1] =	stream.indirect_vreg.gather [hbm4b:s1+s4], $0x80, v4, vm0, $0xb8;
	[tilespmem:$0xC400] =	vst v63  }
0x4f9: {  	_ = 	snop  }
0x4fa: {  	[tilespmem:s16], [sflag:$0x1] =	stream.indirect_vreg.gather [hbm4b:s7+s4], $0x80, v4, vm0, $0xb8;
	[tilespmem:$0xC400] =	vst v63  }
0x4fb: {  	_ = 	snop  }
0x4fc: {  	[tilespmem:s17], [sflag:$0x1] =	stream.indirect_vreg.gather [hbm4b:s1+s4], $0x80, v3, vm0, $0xb8;
	[tilespmem:$0xC400] =	vst v63  }
0x4fd: {  	_ = 	snop  }
0x4fe: {  	[tilespmem:s18], [sflag:$0x1] =	stream.indirect_vreg.gather [hbm4b:s7+s4], $0x80, v3, vm0, $0xb8;
	[tilespmem:$0xC400] =	vst v63  }
0x4ff: {  	v3 =	vld [tilespmem:$0x3D0];
	_ =	sdelay $0x4  }
0x500: {  	v61 =	vshll.u32 v3, $0x2  }
0x501: {  	v3 =	vand.u32 $0x7, v3;
	v4 =	vand.u32 $0xFFFFFFE0, v61  }
0x502: {  	v3 =	vor.u32 v3, v4  }
0x503: {  	v4 =	vperm.xlane v3, v0;
	_ =	sdelay $0x1  }
0x504: {  	v4 =	vadd.s32 v1, v4;
	_ =	sdelay $0x1  }
0x505: {  	v3 =	vperm.xlane v3, v2;
	_ =	sdelay $0x1  }
0x506: {  	v3 =	vadd.s32 v1, v3  }
0x507: {  	[tilespmem:s19], [sflag:$0x1] =	stream.indirect_vreg.gather [hbm4b:s1+s4], $0x80, v4, vm0, $0xb8;
	[tilespmem:$0xC400] =	vst v63  }
0x508: {  	_ = 	snop  }
0x509: {  	[tilespmem:s20], [sflag:$0x1] =	stream.indirect_vreg.gather [hbm4b:s7+s4], $0x80, v4, vm0, $0xb8;
	[tilespmem:$0xC400] =	vst v63  }
0x50a: {  	_ = 	snop  }
0x50b: {  	[tilespmem:s21], [sflag:$0x1] =	stream.indirect_vreg.gather [hbm4b:s1+s4], $0x80, v3, vm0, $0xb8;
	[tilespmem:$0xC400] =	vst v63  }
0x50c: {  	_ = 	snop  }
0x50d: {  	[tilespmem:s22], [sflag:$0x1] =	stream.indirect_vreg.gather [hbm4b:s7+s4], $0x80, v3, vm0, $0xb8;
	[tilespmem:$0xC400] =	vst v63  }
0x50e: {  	_ =	swait.ge [sflag:s13], $0x4000  }
0x50f: {  	s2 =	sld [smem:$0x7F8]  }
0x510: {  	[sflag:s13] =	ssyncset.done $0x0  }
0x511: {  	[sflag:s13] =	ssyncadd.s32 $0xFFFFC000  }
0x512: {  	[hbm4b:s2+s4] =	stream.linear.scatter [tilespmem:s15], [sflag:$0x3], $0x4000, $0x38;
	[tilespmem:$0xC400] =	vst v63  }
0x513: {  	_ =	swait.ge [sflag:s9], $0x4000  }
0x514: {  	[sflag:s9] =	ssyncset.done $0x0  }
0x515: {  	[sflag:s9] =	ssyncadd.s32 $0xFFFFC000  }
0x516: {  	v3 =	vld [tilespmem:$0x3E0];
	_ =	sdelay $0x4  }
0x517: {  	v62 =	vshll.u32 v3, $0x2  }
0x518: {  	v3 =	vand.u32 $0x7, v3;
	v4 =	vand.u32 $0xFFFFFFE0, v62  }
0x519: {  	v3 =	vor.u32 v3, v4  }
0x51a: {  	v4 =	vperm.xlane v3, v0;
	_ =	sdelay $0x1  }
0x51b: {  	v4 =	vadd.s32 v1, v4;
	_ =	sdelay $0x1  }
0x51c: {  	v3 =	vperm.xlane v3, v2;
	_ =	sdelay $0x1  }
0x51d: {  	v3 =	vadd.s32 v1, v3  }
0x51e: {  	[tilespmem:s23], [sflag:$0x2] =	stream.indirect_vreg.gather [hbm4b:s1+s4], $0x80, v4, vm0, $0xb8;
	[tilespmem:$0xC400] =	vst v63  }
0x51f: {  	_ = 	snop  }
0x520: {  	[tilespmem:s24], [sflag:$0x2] =	stream.indirect_vreg.gather [hbm4b:s7+s4], $0x80, v4, vm0, $0xb8;
	[tilespmem:$0xC400] =	vst v63  }
0x521: {  	_ = 	snop  }
0x522: {  	[tilespmem:s25], [sflag:$0x2] =	stream.indirect_vreg.gather [hbm4b:s1+s4], $0x80, v3, vm0, $0xb8;
	[tilespmem:$0xC400] =	vst v63  }
0x523: {  	_ = 	snop  }
0x524: {  	[tilespmem:s26], [sflag:$0x2] =	stream.indirect_vreg.gather [hbm4b:s7+s4], $0x80, v3, vm0, $0xb8;
	[tilespmem:$0xC400] =	vst v63  }
0x525: {  	v3 =	vld [tilespmem:$0x3F0];
	_ =	sdelay $0x4  }
0x526: {  	v63 =	vshll.u32 v3, $0x2  }
0x527: {  	v3 =	vand.u32 $0x7, v3;
	v4 =	vand.u32 $0xFFFFFFE0, v63  }
0x528: {  	v3 =	vor.u32 v3, v4  }
0x529: {  	v4 =	vperm.xlane v3, v0;
	_ =	sdelay $0x1  }
0x52a: {  	v4 =	vadd.s32 v1, v4;
	_ =	sdelay $0x1  }
0x52b: {  	v3 =	vperm.xlane v3, v2;
	_ =	sdelay $0x1  }
0x52c: {  	v3 =	vadd.s32 v1, v3  }
0x52d: {  	[tilespmem:s28], [sflag:$0x2] =	stream.indirect_vreg.gather [hbm4b:s1+s4], $0x80, v4, vm0, $0xb8;
	[tilespmem:$0xC400] =	vst v63  }
0x52e: {  	_ = 	snop  }
0x52f: {  	[tilespmem:s29], [sflag:$0x2] =	stream.indirect_vreg.gather [hbm4b:s7+s4], $0x80, v4, vm0, $0xb8;
	[tilespmem:$0xC400] =	vst v63  }
0x530: {  	_ = 	snop  }
0x531: {  	[tilespmem:s30], [sflag:$0x2] =	stream.indirect_vreg.gather [hbm4b:s1+s4], $0x80, v3, vm0, $0xb8;
	[tilespmem:$0xC400] =	vst v63  }
0x532: {  	_ = 	snop  }
0x533: {  	[tilespmem:s31], [sflag:$0x2] =	stream.indirect_vreg.gather [hbm4b:s7+s4], $0x80, v3, vm0, $0xb8;
	[tilespmem:$0xC400] =	vst v63  }
0x534: {  	_ =	swait.ge [sflag:s3], $0x4000  }
0x535: {  	s2 =	sld [smem:$0x7F9]  }
0x536: {  	p0 =	sne.s32 s8, $0x1;
	[sflag:s3] =	ssyncset.done $0x0  }
.Ltmp0:
0x537: {  	[sflag:s3] =	ssyncadd.s32 $0xFFFFC000;
	(pc) =	sbr.rel @p0 .LBB2_1-.Ltmp0, $4  }
0x538: {  	[hbm4b:s2+s4] =	stream.linear.scatter [tilespmem:s23], [sflag:$0x3], $0x4000, $0x38;
	[tilespmem:$0xC400] =	vst v63  }
0x539: {  	_ =	swait.ge [sflag:s9], $0x4000  }
0x53a: {  	[sflag:s9] =	ssyncset.done $0x0  }
0x53b: {  	s8 =	sadd.s32 $0xFFFFFFFF, s8;
	[sflag:s9] =	ssyncadd.s32 $0xFFFFC000  }
0x53c: {  	_ =	sfence.sel $0x180000  }
0x53d: {  	[bflag:$0x0] =	sbarrier.arrive $0xFFFF  }
0x53e: {  	_ =	strace $0x90000047  }
0x53f: {  	s0 =	stileid.u32;
	[bflag:$0x2] =	sbarrier.arrive $0xFFFF  }
0x540: {  	p0 =	sne.s32 s0, $0x0;
	s0 =	rddreg [dreg:$0x7]  }
0x541: {  	s0 =	sadd.s32 @!p0 $0x100000, s0  }
0x542: {  	[sflag:s0] =	ssyncadd.tile.s32 @!p0 $0x1;
	_ =	shalt  }
.Lfunc_end2:
_tile_overlayer_lowered:
.L_overlay_start_2:
0x543: {  	(tag) =	ssettag $0x2  }
0x544: {  	s0 =	rddreg [dreg:$0x0];
	s2 =	stileid.u32  }
0x545: {  	s1 =	rddreg [dreg:$0x1];
	p0 =	sne.s32 s2, $0x0  }
0x546: {  	s3 =	rddreg [dreg:$0x2];
	[bflag:$0x3] =	sbarrier.arrive $0xFFFF;
	s2 =	simm.s32 @!p0 $0x1C03  }
0x547: {  	[timem:s3], [sflag:s2] =	dma.local @!p0 [hbm:s0], s1  }
0x548: {  	s0 =	simm.s32 @!p0 $0x3  }
0x549: {  	_ =	swait.ge @!p0 [sflag:s0], s1  }
0x54a: {  	s1 =	ssub.s32 @!p0 $0x0, s1;
	[sflag:s0] =	ssyncset.done @!p0 $0x0  }
0x54b: {  	[sflag:s0] =	ssyncadd.s32 @!p0 s1  }
0x54c: {  	[bflag:$0x3] =	sbarrier.arrive $0xFFFF  }
0x54d: {  	_ =	shalt  }

</sc_bundles>
